<compile_context>
chip_gen: v7x
topology: tpu7x:2x2x1
jax: 0.10.2.dev20260603
libtpu: 0.0.44.dev20260713+nightly
codegen_flags: <defaults>
</compile_context>

<pallas_src>
import functools

import jax
import jax.numpy as jnp
from jax import lax
from jax.experimental import pallas as pl
from jax.experimental.pallas import tpu as pltpu
from jax.experimental.pallas import tpu_sc as plsc

N = 10000
E = 320000
D_IN = 128
HID = 256
LAT = 128
NC, NS = 2, 16
DCH = 128
DPT = 10240
DNSG = 16
ACH = 80
ACPT = E // (NC * NS) // ACH
SG = 5
NSG = ACPT // SG
NBUF = 4
DEG_PAD = 10240
N_PAD = 10112
RPT = N_PAD // NS
BLK = 1000


def _sc_mesh():
    return plsc.VectorSubcoreMesh(core_axis_name="c", subcore_axis_name="s",
                                  num_cores=NC, num_subcores=NS)


def _deg_sc(col4, ones, zeros1):
    STR = DEG_PAD // NS
    DCPT = DPT // DCH

    @functools.partial(
        pl.kernel,
        out_type=jax.ShapeDtypeStruct((NC * DEG_PAD,), jnp.float32),
        mesh=_sc_mesh(),
        scratch_types=[
            pltpu.VMEM((2, SG, DCH), jnp.int32),
            pltpu.VMEM((DCH,), jnp.float32),
            pltpu.VMEM_SHARED((DEG_PAD,), jnp.float32),
            pltpu.SemaphoreType.DMA,
            pltpu.SemaphoreType.DMA,
        ],
    )
    def k(col_hbm, ones_hbm, zeros_hbm, out_hbm, coli, ones_v, degs, ssem, isem):
        c = lax.axis_index("c")
        s = lax.axis_index("s")
        wid = c * NS + s

        def idx_d(t, p):
            return pltpu.make_async_copy(col_hbm.at[wid, t], coli.at[p], isem)

        def sct(j):
            t = j // SG
            u = lax.rem(j, SG)
            p = lax.rem(t, 2)
            return pltpu.make_async_copy(ones_v, degs.at[coli.at[p, u]], ssem)

        idx_d(0, 0).start()
        pltpu.sync_copy(ones_hbm, ones_v)
        pltpu.sync_copy(zeros_hbm, degs.at[pl.ds(s * STR, STR)])
        plsc.subcore_barrier()
        idx_d(0, 0).wait()

        def body(j, carry):
            t = j // SG
            u = lax.rem(j, SG)

            @pl.when(jnp.logical_and(u == 0, t >= 1))
            def _():
                for kk in range(SG):
                    sct(j - SG + kk).wait()
                idx_d(t, lax.rem(t, 2)).wait()

            @pl.when(jnp.logical_and(u == 0, t + 1 < DNSG))
            def _():
                idx_d(t + 1, lax.rem(t + 1, 2)).start()

            sct(j).start(add=True)
            return carry

        lax.fori_loop(0, DCPT, body, 0)
        for kk in range(SG):
            sct(DCPT - SG + kk).wait()
        plsc.subcore_barrier()
        pltpu.sync_copy(degs.at[pl.ds(s * STR, STR)],
                        out_hbm.at[pl.ds(c * DEG_PAD + s * STR, STR)])

    return k(col4, ones, zeros1)


_AGG = None


def _agg_kernel():
    global _AGG
    if _AGG is not None:
        return _AGG

    @functools.partial(
        pl.kernel,
        out_type=jax.ShapeDtypeStruct((NC, N_PAD, D_IN), jnp.float32),
        mesh=_sc_mesh(),
        scratch_types=[
            pltpu.VMEM((2, SG, ACH), jnp.int32),
            pltpu.VMEM((2, SG, ACH), jnp.int32),
            pltpu.VMEM((NBUF, ACH, D_IN), jnp.float32),
            pltpu.VMEM_SHARED((N_PAD, D_IN), jnp.float32),
            pltpu.SemaphoreType.DMA,
            pltpu.SemaphoreType.DMA,
            pltpu.SemaphoreType.DMA,
        ],
    )
    def k(row_hbm, col_hbm, tab_hbm, zeros_hbm, out_hbm,
          rowi, coli, bufs, acc, gsem, ssem, isem):
        c = lax.axis_index("c")
        s = lax.axis_index("s")
        wid = c * NS + s

        def idx_descs(t, p):
            return (pltpu.make_async_copy(row_hbm.at[wid, t], rowi.at[p], isem),
                    pltpu.make_async_copy(col_hbm.at[wid, t], coli.at[p], isem))

        def gat(j):
            t = j // SG
            u = lax.rem(j, SG)
            p = lax.rem(t, 2)
            slot = lax.rem(j, NBUF)
            return pltpu.make_async_copy(tab_hbm.at[rowi.at[p, u]],
                                         bufs.at[slot], gsem)

        def sct(j):
            t = j // SG
            u = lax.rem(j, SG)
            p = lax.rem(t, 2)
            slot = lax.rem(j, NBUF)
            return pltpu.make_async_copy(bufs.at[slot],
                                         acc.at[coli.at[p, u]], ssem)

        for d in idx_descs(0, 0):
            d.start()
        for d in idx_descs(0, 0):
            d.wait()
        gat(0).start()
        gat(1).start()
        gat(2).start()
        pltpu.sync_copy(zeros_hbm, acc.at[pl.ds(s * RPT, RPT)])
        plsc.subcore_barrier()

        def body(j, carry):
            t = j // SG
            u = lax.rem(j, SG)
            t3 = (j + 3) // SG

            gat(j).wait()

            @pl.when(jnp.logical_and(u == 0, t + 1 < NSG))
            def _():
                for d in idx_descs(t + 1, lax.rem(t + 1, 2)):
                    d.start()

            sct(j).start(add=True)

            @pl.when(jnp.logical_and(lax.rem(j + 3, SG) == 0, t3 < NSG))
            def _():
                for d in idx_descs(t3, lax.rem(t3, 2)):
                    d.wait()

            @pl.when(j + 3 < ACPT)
            def _():
                @pl.when(j >= 1)
                def _():
                    sct(j - 1).wait()
                gat(j + 3).start()

            return carry

        lax.fori_loop(0, ACPT, body, 0)
        sct(ACPT - 4).wait()
        sct(ACPT - 3).wait()
        sct(ACPT - 2).wait()
        sct(ACPT - 1).wait()
        plsc.subcore_barrier()
        pltpu.sync_copy(acc.at[pl.ds(s * RPT, RPT)],
                        out_hbm.at[c, pl.ds(s * RPT, RPT)])

    _AGG = k
    return k


def _tc_scale(x, degT):
    def body(x_ref, d_ref, o_ref):
        dinv = lax.rsqrt(d_ref[...] + 1.0)
        o_ref[...] = x_ref[...] * dinv

    return pl.pallas_call(
        body,
        grid=(N // BLK,),
        in_specs=[pl.BlockSpec((BLK, D_IN), lambda i: (i, 0)),
                  pl.BlockSpec((BLK, 1), lambda i: (i, 0))],
        out_specs=pl.BlockSpec((BLK, D_IN), lambda i: (i, 0)),
        out_shape=jax.ShapeDtypeStruct((N, D_IN), jnp.float32),
    )(x, degT)


def _tc_layer1_half(p1, x, degT, W1h, b1h):
    def body(p_ref, x_ref, d_ref, w_ref, b_ref, o_ref):
        dinv = lax.rsqrt(d_ref[...] + 1.0)
        xp = x_ref[...] * dinv
        u = (p_ref[0] + p_ref[1] + xp) * dinv
        h = jnp.dot(u, w_ref[...], preferred_element_type=jnp.float32) + b_ref[...]
        h = jnp.where(h > 0, h, jnp.exp(jnp.minimum(h, 0.0)) - 1.0)
        o_ref[...] = h * dinv

    return pl.pallas_call(
        body,
        grid=(N // BLK,),
        in_specs=[pl.BlockSpec((NC, BLK, D_IN), lambda i: (0, i, 0)),
                  pl.BlockSpec((BLK, D_IN), lambda i: (i, 0)),
                  pl.BlockSpec((BLK, 1), lambda i: (i, 0)),
                  pl.BlockSpec((D_IN, D_IN), lambda i: (0, 0)),
                  pl.BlockSpec((1, D_IN), lambda i: (0, 0))],
        out_specs=pl.BlockSpec((BLK, D_IN), lambda i: (i, 0)),
        out_shape=jax.ShapeDtypeStruct((N, D_IN), jnp.float32),
    )(p1, x, degT, W1h, b1h)


def _tc_latent(pa, pb, ha, hb, degT, Wm, bmr, Wl, blr):
    def body(pa_ref, pb_ref, ha_ref, hb_ref, d_ref, wm_ref, bm_ref, wl_ref, bl_ref,
             mu_ref, lv_ref):
        dinv = lax.rsqrt(d_ref[...] + 1.0)
        g0 = (pa_ref[0] + pa_ref[1] + ha_ref[...]) * dinv
        g1 = (pb_ref[0] + pb_ref[1] + hb_ref[...]) * dinv
        mu_ref[...] = (jnp.dot(g0, wm_ref[0], preferred_element_type=jnp.float32)
                       + jnp.dot(g1, wm_ref[1], preferred_element_type=jnp.float32)
                       + bm_ref[...])
        lv_ref[...] = (jnp.dot(g0, wl_ref[0], preferred_element_type=jnp.float32)
                       + jnp.dot(g1, wl_ref[1], preferred_element_type=jnp.float32)
                       + bl_ref[...])

    wspec = pl.BlockSpec((NC, D_IN, LAT), lambda i: (0, 0, 0))
    bspec = pl.BlockSpec((1, LAT), lambda i: (0, 0))
    rspec = pl.BlockSpec((BLK, D_IN), lambda i: (i, 0))
    return pl.pallas_call(
        body,
        grid=(N // BLK,),
        in_specs=[pl.BlockSpec((NC, BLK, D_IN), lambda i: (0, i, 0)),
                  pl.BlockSpec((NC, BLK, D_IN), lambda i: (0, i, 0)),
                  rspec, rspec,
                  pl.BlockSpec((BLK, 1), lambda i: (i, 0)),
                  wspec, bspec, wspec, bspec],
        out_specs=[pl.BlockSpec((BLK, LAT), lambda i: (i, 0)),
                   pl.BlockSpec((BLK, LAT), lambda i: (i, 0))],
        out_shape=[jax.ShapeDtypeStruct((N, LAT), jnp.float32),
                   jax.ShapeDtypeStruct((N, LAT), jnp.float32)],
    )(pa, pb, ha, hb, degT, Wm, bmr, Wl, blr)


def kernel(x, edge_index, W1, b1, W_mu, b_mu, W_lv, b_lv):
    ei = edge_index.astype(jnp.int32)
    row32 = ei[0].reshape(NC * NS, NSG, SG, ACH)
    col32 = ei[1].reshape(NC * NS, NSG, SG, ACH)
    cold = jnp.pad(ei[1].reshape(NC * NS, E // (NC * NS)),
                   ((0, 0), (0, DPT - E // (NC * NS))),
                   constant_values=N + 100).reshape(NC * NS, DNSG, SG, DCH)
    ones = jnp.ones((DCH,), jnp.float32)
    zeros1 = jnp.zeros((DEG_PAD // NS,), jnp.float32)
    zeros2 = jnp.zeros((RPT, D_IN), jnp.float32)

    degf = _deg_sc(cold, ones, zeros1)
    degp = degf.reshape(NC, DEG_PAD)
    degT = (degp[0, :N] + degp[1, :N]).reshape(N, 1)

    agg = _agg_kernel()
    xp = _tc_scale(x, degT)
    p1 = agg(row32, col32, xp, zeros2)
    ha = _tc_layer1_half(p1, x, degT, W1[:, :D_IN], b1[:D_IN].reshape(1, D_IN))
    pa = agg(row32, col32, ha, zeros2)
    hb = _tc_layer1_half(p1, x, degT, W1[:, D_IN:], b1[D_IN:].reshape(1, D_IN))
    pb = agg(row32, col32, hb, zeros2)
    mu, lv = _tc_latent(pa, pb, ha, hb, degT,
                        W_mu.reshape(NC, D_IN, LAT), b_mu.reshape(1, LAT),
                        W_lv.reshape(NC, D_IN, LAT), b_lv.reshape(1, LAT))
    return (mu, lv)

# --- scband reference (transcript-rebuilt; emitter-appended) ---
"""Pipeline reference for scband-gcnencoder-15178414424698 (READ-ONLY COPY).

The authoritative reference and input builder live on the scoring server;
editing this copy changes nothing except your own understanding.
"""

import jax, jax.numpy as jnp
import numpy as np

N_NODES = 10000
N_EDGES = 320000
IN_DIM = 128
HID = 256
LAT = 128


def _add_self_loops(edge_index, num_nodes):
    loop = jnp.arange(num_nodes, dtype=edge_index.dtype)
    row = jnp.concatenate([edge_index[0], loop])
    col = jnp.concatenate([edge_index[1], loop])
    return row, col


def gcn_conv(x, edge_index, W, b):
    # Faithful PyG GCNConv: add self-loops, symmetric normalization, scatter-add aggregation.
    N = x.shape[0]
    row, col = _add_self_loops(edge_index, N)
    ew = jnp.ones(row.shape[0], dtype=x.dtype)
    deg = jnp.zeros((N,), dtype=x.dtype).at[col].add(ew)
    deg_inv_sqrt = jnp.where(deg > 0, jax.lax.rsqrt(jnp.maximum(deg, 1e-12)), 0.0)
    norm = deg_inv_sqrt[row] * ew * deg_inv_sqrt[col]
    h = x @ W
    msg = h[row] * norm[:, None]
    out = jnp.zeros((N, W.shape[1]), dtype=x.dtype).at[col].add(msg)
    return out + b


def setup_inputs(seed: int = 0) -> dict:
    key = jax.random.key(seed)
    k1, k2, k3, k4, k5 = jax.random.split(key, 5)
    x = jax.random.normal(k1, (N_NODES, IN_DIM), dtype=jnp.float32)
    edge_index = jax.random.randint(k2, (2, N_EDGES), 0, N_NODES, dtype=jnp.int64)
    W1 = jax.random.normal(k3, (IN_DIM, HID), dtype=jnp.float32) * (1.0 / np.sqrt(IN_DIM))
    b1 = jnp.zeros((HID,), dtype=jnp.float32)
    W_mu = jax.random.normal(k4, (HID, LAT), dtype=jnp.float32) * (1.0 / np.sqrt(HID))
    b_mu = jnp.zeros((LAT,), dtype=jnp.float32)
    W_lv = jax.random.normal(k5, (HID, LAT), dtype=jnp.float32) * (1.0 / np.sqrt(HID))
    b_lv = jnp.zeros((LAT,), dtype=jnp.float32)
    return {"x": x, "edge_index": edge_index, "W1": W1, "b1": b1, "W_mu": W_mu, "b_mu": b_mu, "W_lv": W_lv, "b_lv": b_lv}


def reference(x, edge_index, W1, b1, W_mu, b_mu, W_lv, b_lv):
    h = jax.nn.elu(gcn_conv(x, edge_index, W1, b1))
    # dropout p=0.0 -> identity (eval mode)
    mu = gcn_conv(h, edge_index, W_mu, b_mu)
    logvar = gcn_conv(h, edge_index, W_lv, b_lv)
    return (mu, logvar)

if __name__ == "__main__":
    import jax
    _d = setup_inputs()
    print(jax.jit(kernel)(*tuple(_d.values())))

</pallas_src>

<mosaic_0001>
#map = affine_map<(d0, d1) -> (0, 0, 0, 0)>
#map1 = affine_map<(d0, d1) -> (0, 0)>
#map2 = affine_map<(d0, d1) -> (0, 0, 0)>
module attributes {stable_mosaic.version = 14 : i64} {
  func.func @k(%arg0: i32, %arg1: i32, %arg2: memref<32x25x5x80xi32, #tpu.memory_space<hbm>>, %arg3: memref<32x25x5x80xi32, #tpu.memory_space<hbm>>, %arg4: memref<10000x128xf32, #tpu.memory_space<hbm>>, %arg5: memref<632x128xf32, #tpu.memory_space<hbm>>, %arg6: memref<2x10112x128xf32, #tpu.memory_space<hbm>>, %arg7: memref<2x5x80xi32, #tpu.memory_space<vmem>>, %arg8: memref<2x5x80xi32, #tpu.memory_space<vmem>>, %arg9: memref<4x80x128xf32, #tpu.memory_space<vmem>>, %arg10: memref<10112x128xf32, #tpu.memory_space<vmem_shared>>, %arg11: memref<!tpu.dma_semaphore, #tpu.memory_space<semaphore_mem>>, %arg12: memref<!tpu.dma_semaphore, #tpu.memory_space<semaphore_mem>>, %arg13: memref<!tpu.dma_semaphore, #tpu.memory_space<semaphore_mem>>) attributes {dimension_semantics = [#tpu.dimension_semantics<core_parallel>, #tpu.dimension_semantics<subcore_parallel>], iteration_bounds = array<i64: 2, 16>, scalar_prefetch = 0 : i64, scratch_operands = 7 : i64, tpu.core_type = #tpu.core_type<sc_vector_subcore>, window_params = [{transform_indices = #map}, {transform_indices = #map}, {transform_indices = #map1}, {transform_indices = #map1}, {transform_indices = #map2}]} {
    %mul3A = arith.constant 16 : i32
    %mul3A_0 = arith.muli %arg0, %mul3A : i32
    %add3A = arith.addi %mul3A_0, %arg1 : i32
    %dma_start3A = arith.constant 0 : i32
    %dma_start3A_1 = arith.constant 0 : i32
    %dma_start3A_2 = arith.constant 0 : i32
    %dma_start3A_3 = arith.constant 0 : i32
    %dma_start3A_4 = tpu.memref_slice %arg7[%dma_start3A_1, %dma_start3A_2, %dma_start3A_3] : memref<2x5x80xi32, #tpu.memory_space<vmem>> -> memref<1x5x80xi32, #tpu.memory_space<vmem>>
    %dma_start3A_5 = tpu.memref_squeeze %dma_start3A_4 : memref<1x5x80xi32, #tpu.memory_space<vmem>> -> memref<5x80xi32, #tpu.memory_space<vmem>>
    %dma_start3A_6 = arith.constant 0 : i32
    %dma_start3A_7 = arith.constant 0 : i32
    %dma_start3A_8 = tpu.memref_slice %arg2[%add3A, %dma_start3A, %dma_start3A_6, %dma_start3A_7] : memref<32x25x5x80xi32, #tpu.memory_space<hbm>> -> memref<1x1x5x80xi32, #tpu.memory_space<hbm>>
    %dma_start3A_9 = tpu.memref_squeeze %dma_start3A_8 : memref<1x1x5x80xi32, #tpu.memory_space<hbm>> -> memref<5x80xi32, #tpu.memory_space<hbm>>
    %dma_start3A_10 = arith.constant 0 : i32
    %dma_start3A_11 = arith.constant 0 : i32
    %dma_start3A_12 = tpu.memref_slice %arg7[%dma_start3A_1, %dma_start3A_10, %dma_start3A_11] : memref<2x5x80xi32, #tpu.memory_space<vmem>> -> memref<1x5x80xi32, #tpu.memory_space<vmem>>
    %dma_start3A_13 = tpu.memref_squeeze %dma_start3A_12 : memref<1x5x80xi32, #tpu.memory_space<vmem>> -> memref<5x80xi32, #tpu.memory_space<vmem>>
    %dma_start3A_14 = arith.constant 0 : i32
    %dma_start3A_15 = arith.constant 0 : i32
    %dma_start3A_16 = tpu.memref_slice %arg2[%add3A, %dma_start3A, %dma_start3A_14, %dma_start3A_15] : memref<32x25x5x80xi32, #tpu.memory_space<hbm>> -> memref<1x1x5x80xi32, #tpu.memory_space<hbm>>
    %dma_start3A_17 = tpu.memref_squeeze %dma_start3A_16 : memref<1x1x5x80xi32, #tpu.memory_space<hbm>> -> memref<5x80xi32, #tpu.memory_space<hbm>>
    tpu.enqueue_dma source(%dma_start3A_17 : memref<5x80xi32, #tpu.memory_space<hbm>>) target(%dma_start3A_13 : memref<5x80xi32, #tpu.memory_space<vmem>>) target_semaphore(%arg13 : memref<!tpu.dma_semaphore, #tpu.memory_space<semaphore_mem>>)
    %dma_start3A_18 = arith.constant 0 : i32
    %dma_start3A_19 = arith.constant 0 : i32
    %dma_start3A_20 = arith.constant 0 : i32
    %dma_start3A_21 = arith.constant 0 : i32
    %dma_start3A_22 = tpu.memref_slice %arg8[%dma_start3A_19, %dma_start3A_20, %dma_start3A_21] : memref<2x5x80xi32, #tpu.memory_space<vmem>> -> memref<1x5x80xi32, #tpu.memory_space<vmem>>
    %dma_start3A_23 = tpu.memref_squeeze %dma_start3A_22 : memref<1x5x80xi32, #tpu.memory_space<vmem>> -> memref<5x80xi32, #tpu.memory_space<vmem>>
    %dma_start3A_24 = arith.constant 0 : i32
    %dma_start3A_25 = arith.constant 0 : i32
    %dma_start3A_26 = tpu.memref_slice %arg3[%add3A, %dma_start3A_18, %dma_start3A_24, %dma_start3A_25] : memref<32x25x5x80xi32, #tpu.memory_space<hbm>> -> memref<1x1x5x80xi32, #tpu.memory_space<hbm>>
    %dma_start3A_27 = tpu.memref_squeeze %dma_start3A_26 : memref<1x1x5x80xi32, #tpu.memory_space<hbm>> -> memref<5x80xi32, #tpu.memory_space<hbm>>
    %dma_start3A_28 = arith.constant 0 : i32
    %dma_start3A_29 = arith.constant 0 : i32
    %dma_start3A_30 = tpu.memref_slice %arg8[%dma_start3A_19, %dma_start3A_28, %dma_start3A_29] : memref<2x5x80xi32, #tpu.memory_space<vmem>> -> memref<1x5x80xi32, #tpu.memory_space<vmem>>
    %dma_start3A_31 = tpu.memref_squeeze %dma_start3A_30 : memref<1x5x80xi32, #tpu.memory_space<vmem>> -> memref<5x80xi32, #tpu.memory_space<vmem>>
    %dma_start3A_32 = arith.constant 0 : i32
    %dma_start3A_33 = arith.constant 0 : i32
    %dma_start3A_34 = tpu.memref_slice %arg3[%add3A, %dma_start3A_18, %dma_start3A_32, %dma_start3A_33] : memref<32x25x5x80xi32, #tpu.memory_space<hbm>> -> memref<1x1x5x80xi32, #tpu.memory_space<hbm>>
    %dma_start3A_35 = tpu.memref_squeeze %dma_start3A_34 : memref<1x1x5x80xi32, #tpu.memory_space<hbm>> -> memref<5x80xi32, #tpu.memory_space<hbm>>
    tpu.enqueue_dma source(%dma_start3A_35 : memref<5x80xi32, #tpu.memory_space<hbm>>) target(%dma_start3A_31 : memref<5x80xi32, #tpu.memory_space<vmem>>) target_semaphore(%arg13 : memref<!tpu.dma_semaphore, #tpu.memory_space<semaphore_mem>>)
    %dma_wait3A = arith.constant 0 : i32
    %dma_wait3A_36 = arith.constant 0 : i32
    %dma_wait3A_37 = arith.constant 0 : i32
    %dma_wait3A_38 = arith.constant 0 : i32
    %dma_wait3A_39 = tpu.memref_slice %arg7[%dma_wait3A_36, %dma_wait3A_37, %dma_wait3A_38] : memref<2x5x80xi32, #tpu.memory_space<vmem>> -> memref<1x5x80xi32, #tpu.memory_space<vmem>>
    %dma_wait3A_40 = tpu.memref_squeeze %dma_wait3A_39 : memref<1x5x80xi32, #tpu.memory_space<vmem>> -> memref<5x80xi32, #tpu.memory_space<vmem>>
    %dma_wait3A_41 = arith.constant 0 : i32
    %dma_wait3A_42 = arith.constant 0 : i32
    %dma_wait3A_43 = tpu.memref_slice %arg2[%add3A, %dma_wait3A, %dma_wait3A_41, %dma_wait3A_42] : memref<32x25x5x80xi32, #tpu.memory_space<hbm>> -> memref<1x1x5x80xi32, #tpu.memory_space<hbm>>
    %dma_wait3A_44 = tpu.memref_squeeze %dma_wait3A_43 : memref<1x1x5x80xi32, #tpu.memory_space<hbm>> -> memref<5x80xi32, #tpu.memory_space<hbm>>
    %dma_wait3A_45 = arith.constant 0 : i32
    %dma_wait3A_46 = arith.constant 0 : i32
    %dma_wait3A_47 = tpu.memref_slice %arg7[%dma_wait3A_36, %dma_wait3A_45, %dma_wait3A_46] : memref<2x5x80xi32, #tpu.memory_space<vmem>> -> memref<1x5x80xi32, #tpu.memory_space<vmem>>
    %dma_wait3A_48 = tpu.memref_squeeze %dma_wait3A_47 : memref<1x5x80xi32, #tpu.memory_space<vmem>> -> memref<5x80xi32, #tpu.memory_space<vmem>>
    %dma_wait3A_49 = arith.constant 0 : i32
    %dma_wait3A_50 = arith.constant 0 : i32
    %dma_wait3A_51 = tpu.memref_slice %arg2[%add3A, %dma_wait3A, %dma_wait3A_49, %dma_wait3A_50] : memref<32x25x5x80xi32, #tpu.memory_space<hbm>> -> memref<1x1x5x80xi32, #tpu.memory_space<hbm>>
    %dma_wait3A_52 = tpu.memref_squeeze %dma_wait3A_51 : memref<1x1x5x80xi32, #tpu.memory_space<hbm>> -> memref<5x80xi32, #tpu.memory_space<hbm>>
    tpu.wait_dma2 semaphore(%arg13 : memref<!tpu.dma_semaphore, #tpu.memory_space<semaphore_mem>>) src(%dma_wait3A_52 : memref<5x80xi32, #tpu.memory_space<hbm>>) dst(%dma_wait3A_48 : memref<5x80xi32, #tpu.memory_space<vmem>>)
    %dma_wait3A_53 = arith.constant 0 : i32
    %dma_wait3A_54 = arith.constant 0 : i32
    %dma_wait3A_55 = arith.constant 0 : i32
    %dma_wait3A_56 = arith.constant 0 : i32
    %dma_wait3A_57 = tpu.memref_slice %arg8[%dma_wait3A_54, %dma_wait3A_55, %dma_wait3A_56] : memref<2x5x80xi32, #tpu.memory_space<vmem>> -> memref<1x5x80xi32, #tpu.memory_space<vmem>>
    %dma_wait3A_58 = tpu.memref_squeeze %dma_wait3A_57 : memref<1x5x80xi32, #tpu.memory_space<vmem>> -> memref<5x80xi32, #tpu.memory_space<vmem>>
    %dma_wait3A_59 = arith.constant 0 : i32
    %dma_wait3A_60 = arith.constant 0 : i32
    %dma_wait3A_61 = tpu.memref_slice %arg3[%add3A, %dma_wait3A_53, %dma_wait3A_59, %dma_wait3A_60] : memref<32x25x5x80xi32, #tpu.memory_space<hbm>> -> memref<1x1x5x80xi32, #tpu.memory_space<hbm>>
    %dma_wait3A_62 = tpu.memref_squeeze %dma_wait3A_61 : memref<1x1x5x80xi32, #tpu.memory_space<hbm>> -> memref<5x80xi32, #tpu.memory_space<hbm>>
    %dma_wait3A_63 = arith.constant 0 : i32
    %dma_wait3A_64 = arith.constant 0 : i32
    %dma_wait3A_65 = tpu.memref_slice %arg8[%dma_wait3A_54, %dma_wait3A_63, %dma_wait3A_64] : memref<2x5x80xi32, #tpu.memory_space<vmem>> -> memref<1x5x80xi32, #tpu.memory_space<vmem>>
    %dma_wait3A_66 = tpu.memref_squeeze %dma_wait3A_65 : memref<1x5x80xi32, #tpu.memory_space<vmem>> -> memref<5x80xi32, #tpu.memory_space<vmem>>
    %dma_wait3A_67 = arith.constant 0 : i32
    %dma_wait3A_68 = arith.constant 0 : i32
    %dma_wait3A_69 = tpu.memref_slice %arg3[%add3A, %dma_wait3A_53, %dma_wait3A_67, %dma_wait3A_68] : memref<32x25x5x80xi32, #tpu.memory_space<hbm>> -> memref<1x1x5x80xi32, #tpu.memory_space<hbm>>
    %dma_wait3A_70 = tpu.memref_squeeze %dma_wait3A_69 : memref<1x1x5x80xi32, #tpu.memory_space<hbm>> -> memref<5x80xi32, #tpu.memory_space<hbm>>
    tpu.wait_dma2 semaphore(%arg13 : memref<!tpu.dma_semaphore, #tpu.memory_space<semaphore_mem>>) src(%dma_wait3A_70 : memref<5x80xi32, #tpu.memory_space<hbm>>) dst(%dma_wait3A_66 : memref<5x80xi32, #tpu.memory_space<vmem>>)
    %rem3A = arith.constant 0 : i32
    %rem3A_71 = arith.constant 5 : i32
    %rem3A_72 = arith.remsi %rem3A, %rem3A_71 : i32
    %rem3A_73 = arith.constant 0 : i32
    %rem3A_74 = arith.constant 2 : i32
    %rem3A_75 = arith.remsi %rem3A_73, %rem3A_74 : i32
    %rem3A_76 = arith.constant 0 : i32
    %rem3A_77 = arith.constant 4 : i32
    %rem3A_78 = arith.remsi %rem3A_76, %rem3A_77 : i32
    %dma_start3A_79 = arith.constant 0 : i32
    %dma_start3A_80 = arith.constant 0 : i32
    %dma_start3A_81 = tpu.memref_slice %arg9[%rem3A_78, %dma_start3A_79, %dma_start3A_80] : memref<4x80x128xf32, #tpu.memory_space<vmem>> -> memref<1x80x128xf32, #tpu.memory_space<vmem>>
    %dma_start3A_82 = tpu.memref_squeeze %dma_start3A_81 : memref<1x80x128xf32, #tpu.memory_space<vmem>> -> memref<80x128xf32, #tpu.memory_space<vmem>>
    %dma_start3A_83 = arith.constant 0 : i32
    %dma_start3A_84 = tpu.memref_slice %arg7[%rem3A_75, %rem3A_72, %dma_start3A_83] : memref<2x5x80xi32, #tpu.memory_space<vmem>> -> memref<1x1x80xi32, #tpu.memory_space<vmem>>
    %dma_start3A_85 = tpu.memref_squeeze %dma_start3A_84 : memref<1x1x80xi32, #tpu.memory_space<vmem>> -> memref<80xi32, #tpu.memory_space<vmem>>
    %dma_start3A_86 = arith.constant 0 : i32
    %dma_start3A_87 = arith.constant 0 : i32
    %dma_start3A_88 = tpu.memref_slice %arg4[%dma_start3A_86, %dma_start3A_87] : memref<10000x128xf32, #tpu.memory_space<hbm>> -> memref<10000x128xf32, #tpu.memory_space<hbm>>
    tpu.enqueue_indirect_dma source(%dma_start3A_88 : memref<10000x128xf32, #tpu.memory_space<hbm>>) target(%dma_start3A_82 : memref<80x128xf32, #tpu.memory_space<vmem>>) offsets(%dma_start3A_85 : memref<80xi32, #tpu.memory_space<vmem>>) semaphore(%arg11 : memref<!tpu.dma_semaphore, #tpu.memory_space<semaphore_mem>>)
    %rem3A_89 = arith.constant 1 : i32
    %rem3A_90 = arith.constant 5 : i32
    %rem3A_91 = arith.remsi %rem3A_89, %rem3A_90 : i32
    %rem3A_92 = arith.constant 0 : i32
    %rem3A_93 = arith.constant 2 : i32
    %rem3A_94 = arith.remsi %rem3A_92, %rem3A_93 : i32
    %rem3A_95 = arith.constant 1 : i32
    %rem3A_96 = arith.constant 4 : i32
    %rem3A_97 = arith.remsi %rem3A_95, %rem3A_96 : i32
    %dma_start3A_98 = arith.constant 0 : i32
    %dma_start3A_99 = arith.constant 0 : i32
    %dma_start3A_100 = tpu.memref_slice %arg9[%rem3A_97, %dma_start3A_98, %dma_start3A_99] : memref<4x80x128xf32, #tpu.memory_space<vmem>> -> memref<1x80x128xf32, #tpu.memory_space<vmem>>
    %dma_start3A_101 = tpu.memref_squeeze %dma_start3A_100 : memref<1x80x128xf32, #tpu.memory_space<vmem>> -> memref<80x128xf32, #tpu.memory_space<vmem>>
    %dma_start3A_102 = arith.constant 0 : i32
    %dma_start3A_103 = tpu.memref_slice %arg7[%rem3A_94, %rem3A_91, %dma_start3A_102] : memref<2x5x80xi32, #tpu.memory_space<vmem>> -> memref<1x1x80xi32, #tpu.memory_space<vmem>>
    %dma_start3A_104 = tpu.memref_squeeze %dma_start3A_103 : memref<1x1x80xi32, #tpu.memory_space<vmem>> -> memref<80xi32, #tpu.memory_space<vmem>>
    %dma_start3A_105 = arith.constant 0 : i32
    %dma_start3A_106 = arith.constant 0 : i32
    %dma_start3A_107 = tpu.memref_slice %arg4[%dma_start3A_105, %dma_start3A_106] : memref<10000x128xf32, #tpu.memory_space<hbm>> -> memref<10000x128xf32, #tpu.memory_space<hbm>>
    tpu.enqueue_indirect_dma source(%dma_start3A_107 : memref<10000x128xf32, #tpu.memory_space<hbm>>) target(%dma_start3A_101 : memref<80x128xf32, #tpu.memory_space<vmem>>) offsets(%dma_start3A_104 : memref<80xi32, #tpu.memory_space<vmem>>) semaphore(%arg11 : memref<!tpu.dma_semaphore, #tpu.memory_space<semaphore_mem>>)
    %rem3A_108 = arith.constant 2 : i32
    %rem3A_109 = arith.constant 5 : i32
    %rem3A_110 = arith.remsi %rem3A_108, %rem3A_109 : i32
    %rem3A_111 = arith.constant 0 : i32
    %rem3A_112 = arith.constant 2 : i32
    %rem3A_113 = arith.remsi %rem3A_111, %rem3A_112 : i32
    %rem3A_114 = arith.constant 2 : i32
    %rem3A_115 = arith.constant 4 : i32
    %rem3A_116 = arith.remsi %rem3A_114, %rem3A_115 : i32
    %dma_start3A_117 = arith.constant 0 : i32
    %dma_start3A_118 = arith.constant 0 : i32
    %dma_start3A_119 = tpu.memref_slice %arg9[%rem3A_116, %dma_start3A_117, %dma_start3A_118] : memref<4x80x128xf32, #tpu.memory_space<vmem>> -> memref<1x80x128xf32, #tpu.memory_space<vmem>>
    %dma_start3A_120 = tpu.memref_squeeze %dma_start3A_119 : memref<1x80x128xf32, #tpu.memory_space<vmem>> -> memref<80x128xf32, #tpu.memory_space<vmem>>
    %dma_start3A_121 = arith.constant 0 : i32
    %dma_start3A_122 = tpu.memref_slice %arg7[%rem3A_113, %rem3A_110, %dma_start3A_121] : memref<2x5x80xi32, #tpu.memory_space<vmem>> -> memref<1x1x80xi32, #tpu.memory_space<vmem>>
    %dma_start3A_123 = tpu.memref_squeeze %dma_start3A_122 : memref<1x1x80xi32, #tpu.memory_space<vmem>> -> memref<80xi32, #tpu.memory_space<vmem>>
    %dma_start3A_124 = arith.constant 0 : i32
    %dma_start3A_125 = arith.constant 0 : i32
    %dma_start3A_126 = tpu.memref_slice %arg4[%dma_start3A_124, %dma_start3A_125] : memref<10000x128xf32, #tpu.memory_space<hbm>> -> memref<10000x128xf32, #tpu.memory_space<hbm>>
    tpu.enqueue_indirect_dma source(%dma_start3A_126 : memref<10000x128xf32, #tpu.memory_space<hbm>>) target(%dma_start3A_120 : memref<80x128xf32, #tpu.memory_space<vmem>>) offsets(%dma_start3A_123 : memref<80xi32, #tpu.memory_space<vmem>>) semaphore(%arg11 : memref<!tpu.dma_semaphore, #tpu.memory_space<semaphore_mem>>)
    %mul3A_127 = arith.constant 632 : i32
    %mul3A_128 = arith.muli %arg1, %mul3A_127 : i32
    "tpu.region"() ({
      %run_scoped3A = tpu.sem_alloc : memref<!tpu.dma_semaphore, #tpu.memory_space<semaphore_mem>>
      %dma_start3A_215 = arith.constant 0 : i32
      %dma_start3A_216 = tpu.memref_slice %arg10[%mul3A_128, %dma_start3A_215] : memref<10112x128xf32, #tpu.memory_space<vmem_shared>> -> memref<632x128xf32, #tpu.memory_space<vmem_shared>>
      tpu.enqueue_dma source(%arg5 : memref<632x128xf32, #tpu.memory_space<hbm>>) target(%dma_start3A_216 : memref<632x128xf32, #tpu.memory_space<vmem_shared>>) target_semaphore(%run_scoped3A : memref<!tpu.dma_semaphore, #tpu.memory_space<semaphore_mem>>)
      %dma_wait3A_217 = arith.constant 0 : i32
      %dma_wait3A_218 = tpu.memref_slice %arg10[%mul3A_128, %dma_wait3A_217] : memref<10112x128xf32, #tpu.memory_space<vmem_shared>> -> memref<632x128xf32, #tpu.memory_space<vmem_shared>>
      tpu.wait_dma2 semaphore(%run_scoped3A : memref<!tpu.dma_semaphore, #tpu.memory_space<semaphore_mem>>) src(%arg5 : memref<632x128xf32, #tpu.memory_space<hbm>>) dst(%dma_wait3A_218 : memref<632x128xf32, #tpu.memory_space<vmem_shared>>)
      tpu.yield
    }) : () -> ()
    %barrier3A = arith.constant 0 : index
    tpu.barrier barrier_id(%barrier3A)
    %scan3A = arith.constant 0 : i32
    %scan3A_129 = arith.constant 0 : i32
    %scan3A_130 = arith.constant 125 : i32
    %scan3A_131 = arith.addi %scan3A_129, %scan3A_130 : i32
    %scan3A_132 = arith.constant 1 : i32
    scf.for %scan3A_215 = %scan3A_129 to %scan3A_131 step %scan3A_132  : i32 {
      %jit3A = arith.constant 5 : i32
      %div3A = arith.divsi %scan3A_215, %jit3A : i32
      %sign3A = arith.constant 0 : i32
      %sign3A_216 = arith.cmpi sgt, %scan3A_215, %sign3A : i32
      %sign3A_217 = arith.extui %sign3A_216 : i1 to i32
      %sign3A_218 = arith.constant 0 : i32
      %sign3A_219 = arith.cmpi slt, %scan3A_215, %sign3A_218 : i32
      %sign3A_220 = arith.extui %sign3A_219 : i1 to i32
      %sign3A_221 = arith.subi %sign3A_217, %sign3A_220 : i32
      %sign3A_222 = arith.constant 0 : i32
      %sign3A_223 = arith.cmpi sgt, %jit3A, %sign3A_222 : i32
      %sign3A_224 = arith.extui %sign3A_223 : i1 to i32
      %sign3A_225 = arith.constant 0 : i32
      %sign3A_226 = arith.cmpi slt, %jit3A, %sign3A_225 : i32
      %sign3A_227 = arith.extui %sign3A_226 : i1 to i32
      %sign3A_228 = arith.subi %sign3A_224, %sign3A_227 : i32
      %ne3A = arith.cmpi ne, %sign3A_221, %sign3A_228 : i32
      %rem3A_229 = arith.remsi %scan3A_215, %jit3A : i32
      %ne3A_230 = arith.constant 0 : i32
      %ne3A_231 = arith.cmpi ne, %rem3A_229, %ne3A_230 : i32
      %and3A = arith.andi %ne3A, %ne3A_231 : i1
      %sub3A = arith.constant 1 : i32
      %sub3A_232 = arith.subi %div3A, %sub3A : i32
      %select_n3A = arith.select %and3A, %sub3A_232, %div3A : i32
      %rem3A_233 = arith.constant 5 : i32
      %rem3A_234 = arith.remsi %scan3A_215, %rem3A_233 : i32
      %add3A_235 = arith.constant 3 : i32
      %add3A_236 = arith.addi %scan3A_215, %add3A_235 : i32
      %jit3A_237 = arith.constant 5 : i32
      %div3A_238 = arith.divsi %add3A_236, %jit3A_237 : i32
      %sign3A_239 = arith.constant 0 : i32
      %sign3A_240 = arith.cmpi sgt, %add3A_236, %sign3A_239 : i32
      %sign3A_241 = arith.extui %sign3A_240 : i1 to i32
      %sign3A_242 = arith.constant 0 : i32
      %sign3A_243 = arith.cmpi slt, %add3A_236, %sign3A_242 : i32
      %sign3A_244 = arith.extui %sign3A_243 : i1 to i32
      %sign3A_245 = arith.subi %sign3A_241, %sign3A_244 : i32
      %sign3A_246 = arith.constant 0 : i32
      %sign3A_247 = arith.cmpi sgt, %jit3A_237, %sign3A_246 : i32
      %sign3A_248 = arith.extui %sign3A_247 : i1 to i32
      %sign3A_249 = arith.constant 0 : i32
      %sign3A_250 = arith.cmpi slt, %jit3A_237, %sign3A_249 : i32
      %sign3A_251 = arith.extui %sign3A_250 : i1 to i32
      %sign3A_252 = arith.subi %sign3A_248, %sign3A_251 : i32
      %ne3A_253 = arith.cmpi ne, %sign3A_245, %sign3A_252 : i32
      %rem3A_254 = arith.remsi %add3A_236, %jit3A_237 : i32
      %ne3A_255 = arith.constant 0 : i32
      %ne3A_256 = arith.cmpi ne, %rem3A_254, %ne3A_255 : i32
      %and3A_257 = arith.andi %ne3A_253, %ne3A_256 : i1
      %sub3A_258 = arith.constant 1 : i32
      %sub3A_259 = arith.subi %div3A_238, %sub3A_258 : i32
      %select_n3A_260 = arith.select %and3A_257, %sub3A_259, %div3A_238 : i32
      %jit3A_261 = arith.constant 5 : i32
      %div3A_262 = arith.divsi %scan3A_215, %jit3A_261 : i32
      %sign3A_263 = arith.constant 0 : i32
      %sign3A_264 = arith.cmpi sgt, %scan3A_215, %sign3A_263 : i32
      %sign3A_265 = arith.extui %sign3A_264 : i1 to i32
      %sign3A_266 = arith.constant 0 : i32
      %sign3A_267 = arith.cmpi slt, %scan3A_215, %sign3A_266 : i32
      %sign3A_268 = arith.extui %sign3A_267 : i1 to i32
      %sign3A_269 = arith.subi %sign3A_265, %sign3A_268 : i32
      %sign3A_270 = arith.constant 0 : i32
      %sign3A_271 = arith.cmpi sgt, %jit3A_261, %sign3A_270 : i32
      %sign3A_272 = arith.extui %sign3A_271 : i1 to i32
      %sign3A_273 = arith.constant 0 : i32
      %sign3A_274 = arith.cmpi slt, %jit3A_261, %sign3A_273 : i32
      %sign3A_275 = arith.extui %sign3A_274 : i1 to i32
      %sign3A_276 = arith.subi %sign3A_272, %sign3A_275 : i32
      %ne3A_277 = arith.cmpi ne, %sign3A_269, %sign3A_276 : i32
      %rem3A_278 = arith.remsi %scan3A_215, %jit3A_261 : i32
      %ne3A_279 = arith.constant 0 : i32
      %ne3A_280 = arith.cmpi ne, %rem3A_278, %ne3A_279 : i32
      %and3A_281 = arith.andi %ne3A_277, %ne3A_280 : i1
      %sub3A_282 = arith.constant 1 : i32
      %sub3A_283 = arith.subi %div3A_262, %sub3A_282 : i32
      %select_n3A_284 = arith.select %and3A_281, %sub3A_283, %div3A_262 : i32
      %rem3A_285 = arith.constant 5 : i32
      %rem3A_286 = arith.remsi %scan3A_215, %rem3A_285 : i32
      %rem3A_287 = arith.constant 2 : i32
      %rem3A_288 = arith.remsi %select_n3A_284, %rem3A_287 : i32
      %rem3A_289 = arith.constant 4 : i32
      %rem3A_290 = arith.remsi %scan3A_215, %rem3A_289 : i32
      %dma_wait3A_291 = arith.constant 0 : i32
      %dma_wait3A_292 = arith.constant 0 : i32
      %dma_wait3A_293 = tpu.memref_slice %arg9[%rem3A_290, %dma_wait3A_291, %dma_wait3A_292] : memref<4x80x128xf32, #tpu.memory_space<vmem>> -> memref<1x80x128xf32, #tpu.memory_space<vmem>>
      %dma_wait3A_294 = tpu.memref_squeeze %dma_wait3A_293 : memref<1x80x128xf32, #tpu.memory_space<vmem>> -> memref<80x128xf32, #tpu.memory_space<vmem>>
      %dma_wait3A_295 = arith.constant 0 : i32
      %dma_wait3A_296 = tpu.memref_slice %arg7[%rem3A_288, %rem3A_286, %dma_wait3A_295] : memref<2x5x80xi32, #tpu.memory_space<vmem>> -> memref<1x1x80xi32, #tpu.memory_space<vmem>>
      %dma_wait3A_297 = tpu.memref_squeeze %dma_wait3A_296 : memref<1x1x80xi32, #tpu.memory_space<vmem>> -> memref<80xi32, #tpu.memory_space<vmem>>
      %dma_wait3A_298 = arith.constant 0 : i32
      %dma_wait3A_299 = arith.constant 0 : i32
      %dma_wait3A_300 = tpu.memref_slice %arg4[%dma_wait3A_298, %dma_wait3A_299] : memref<10000x128xf32, #tpu.memory_space<hbm>> -> memref<10000x128xf32, #tpu.memory_space<hbm>>
      tpu.wait_indirect_dma semaphore(%arg11 : memref<!tpu.dma_semaphore, #tpu.memory_space<semaphore_mem>>) src(%dma_wait3A_300 : memref<10000x128xf32, #tpu.memory_space<hbm>>) dst(%dma_wait3A_294 : memref<80x128xf32, #tpu.memory_space<vmem>>)
      %eq3A = arith.constant 0 : i32
      %eq3A_301 = arith.cmpi eq, %rem3A_234, %eq3A : i32
      %add3A_302 = arith.constant 1 : i32
      %add3A_303 = arith.addi %select_n3A, %add3A_302 : i32
      %lt3A = arith.constant 25 : i32
      %lt3A_304 = arith.cmpi slt, %add3A_303, %lt3A : i32
      %and3A_305 = arith.andi %eq3A_301, %lt3A_304 : i1
      %convert_element_type3A = arith.extui %and3A_305 : i1 to i32
      %cond3A = arith.constant 0 : i32
      %cond3A_306 = arith.cmpi ne, %convert_element_type3A, %cond3A : i32
      scf.if %cond3A_306 {
        %add3A_366 = arith.constant 1 : i32
        %add3A_367 = arith.addi %select_n3A, %add3A_366 : i32
        %add3A_368 = arith.constant 1 : i32
        %add3A_369 = arith.addi %select_n3A, %add3A_368 : i32
        %rem3A_370 = arith.constant 2 : i32
        %rem3A_371 = arith.remsi %add3A_369, %rem3A_370 : i32
        %dma_start3A_372 = arith.constant 0 : i32
        %dma_start3A_373 = arith.constant 0 : i32
        %dma_start3A_374 = tpu.memref_slice %arg7[%rem3A_371, %dma_start3A_372, %dma_start3A_373] : memref<2x5x80xi32, #tpu.memory_space<vmem>> -> memref<1x5x80xi32, #tpu.memory_space<vmem>>
        %dma_start3A_375 = tpu.memref_squeeze %dma_start3A_374 : memref<1x5x80xi32, #tpu.memory_space<vmem>> -> memref<5x80xi32, #tpu.memory_space<vmem>>
        %dma_start3A_376 = arith.constant 0 : i32
        %dma_start3A_377 = arith.constant 0 : i32
        %dma_start3A_378 = tpu.memref_slice %arg2[%add3A, %add3A_367, %dma_start3A_376, %dma_start3A_377] : memref<32x25x5x80xi32, #tpu.memory_space<hbm>> -> memref<1x1x5x80xi32, #tpu.memory_space<hbm>>
        %dma_start3A_379 = tpu.memref_squeeze %dma_start3A_378 : memref<1x1x5x80xi32, #tpu.memory_space<hbm>> -> memref<5x80xi32, #tpu.memory_space<hbm>>
        %dma_start3A_380 = arith.constant 0 : i32
        %dma_start3A_381 = arith.constant 0 : i32
        %dma_start3A_382 = tpu.memref_slice %arg7[%rem3A_371, %dma_start3A_380, %dma_start3A_381] : memref<2x5x80xi32, #tpu.memory_space<vmem>> -> memref<1x5x80xi32, #tpu.memory_space<vmem>>
        %dma_start3A_383 = tpu.memref_squeeze %dma_start3A_382 : memref<1x5x80xi32, #tpu.memory_space<vmem>> -> memref<5x80xi32, #tpu.memory_space<vmem>>
        %dma_start3A_384 = arith.constant 0 : i32
        %dma_start3A_385 = arith.constant 0 : i32
        %dma_start3A_386 = tpu.memref_slice %arg2[%add3A, %add3A_367, %dma_start3A_384, %dma_start3A_385] : memref<32x25x5x80xi32, #tpu.memory_space<hbm>> -> memref<1x1x5x80xi32, #tpu.memory_space<hbm>>
        %dma_start3A_387 = tpu.memref_squeeze %dma_start3A_386 : memref<1x1x5x80xi32, #tpu.memory_space<hbm>> -> memref<5x80xi32, #tpu.memory_space<hbm>>
        tpu.enqueue_dma source(%dma_start3A_387 : memref<5x80xi32, #tpu.memory_space<hbm>>) target(%dma_start3A_383 : memref<5x80xi32, #tpu.memory_space<vmem>>) target_semaphore(%arg13 : memref<!tpu.dma_semaphore, #tpu.memory_space<semaphore_mem>>)
        %dma_start3A_388 = arith.constant 0 : i32
        %dma_start3A_389 = arith.constant 0 : i32
        %dma_start3A_390 = tpu.memref_slice %arg8[%rem3A_371, %dma_start3A_388, %dma_start3A_389] : memref<2x5x80xi32, #tpu.memory_space<vmem>> -> memref<1x5x80xi32, #tpu.memory_space<vmem>>
        %dma_start3A_391 = tpu.memref_squeeze %dma_start3A_390 : memref<1x5x80xi32, #tpu.memory_space<vmem>> -> memref<5x80xi32, #tpu.memory_space<vmem>>
        %dma_start3A_392 = arith.constant 0 : i32
        %dma_start3A_393 = arith.constant 0 : i32
        %dma_start3A_394 = tpu.memref_slice %arg3[%add3A, %add3A_367, %dma_start3A_392, %dma_start3A_393] : memref<32x25x5x80xi32, #tpu.memory_space<hbm>> -> memref<1x1x5x80xi32, #tpu.memory_space<hbm>>
        %dma_start3A_395 = tpu.memref_squeeze %dma_start3A_394 : memref<1x1x5x80xi32, #tpu.memory_space<hbm>> -> memref<5x80xi32, #tpu.memory_space<hbm>>
        %dma_start3A_396 = arith.constant 0 : i32
        %dma_start3A_397 = arith.constant 0 : i32
        %dma_start3A_398 = tpu.memref_slice %arg8[%rem3A_371, %dma_start3A_396, %dma_start3A_397] : memref<2x5x80xi32, #tpu.memory_space<vmem>> -> memref<1x5x80xi32, #tpu.memory_space<vmem>>
        %dma_start3A_399 = tpu.memref_squeeze %dma_start3A_398 : memref<1x5x80xi32, #tpu.memory_space<vmem>> -> memref<5x80xi32, #tpu.memory_space<vmem>>
        %dma_start3A_400 = arith.constant 0 : i32
        %dma_start3A_401 = arith.constant 0 : i32
        %dma_start3A_402 = tpu.memref_slice %arg3[%add3A, %add3A_367, %dma_start3A_400, %dma_start3A_401] : memref<32x25x5x80xi32, #tpu.memory_space<hbm>> -> memref<1x1x5x80xi32, #tpu.memory_space<hbm>>
        %dma_start3A_403 = tpu.memref_squeeze %dma_start3A_402 : memref<1x1x5x80xi32, #tpu.memory_space<hbm>> -> memref<5x80xi32, #tpu.memory_space<hbm>>
        tpu.enqueue_dma source(%dma_start3A_403 : memref<5x80xi32, #tpu.memory_space<hbm>>) target(%dma_start3A_399 : memref<5x80xi32, #tpu.memory_space<vmem>>) target_semaphore(%arg13 : memref<!tpu.dma_semaphore, #tpu.memory_space<semaphore_mem>>)
      } else {
      }
      %jit3A_307 = arith.constant 5 : i32
      %div3A_308 = arith.divsi %scan3A_215, %jit3A_307 : i32
      %sign3A_309 = arith.constant 0 : i32
      %sign3A_310 = arith.cmpi sgt, %scan3A_215, %sign3A_309 : i32
      %sign3A_311 = arith.extui %sign3A_310 : i1 to i32
      %sign3A_312 = arith.constant 0 : i32
      %sign3A_313 = arith.cmpi slt, %scan3A_215, %sign3A_312 : i32
      %sign3A_314 = arith.extui %sign3A_313 : i1 to i32
      %sign3A_315 = arith.subi %sign3A_311, %sign3A_314 : i32
      %sign3A_316 = arith.constant 0 : i32
      %sign3A_317 = arith.cmpi sgt, %jit3A_307, %sign3A_316 : i32
      %sign3A_318 = arith.extui %sign3A_317 : i1 to i32
      %sign3A_319 = arith.constant 0 : i32
      %sign3A_320 = arith.cmpi slt, %jit3A_307, %sign3A_319 : i32
      %sign3A_321 = arith.extui %sign3A_320 : i1 to i32
      %sign3A_322 = arith.subi %sign3A_318, %sign3A_321 : i32
      %ne3A_323 = arith.cmpi ne, %sign3A_315, %sign3A_322 : i32
      %rem3A_324 = arith.remsi %scan3A_215, %jit3A_307 : i32
      %ne3A_325 = arith.constant 0 : i32
      %ne3A_326 = arith.cmpi ne, %rem3A_324, %ne3A_325 : i32
      %and3A_327 = arith.andi %ne3A_323, %ne3A_326 : i1
      %sub3A_328 = arith.constant 1 : i32
      %sub3A_329 = arith.subi %div3A_308, %sub3A_328 : i32
      %select_n3A_330 = arith.select %and3A_327, %sub3A_329, %div3A_308 : i32
      %rem3A_331 = arith.constant 5 : i32
      %rem3A_332 = arith.remsi %scan3A_215, %rem3A_331 : i32
      %rem3A_333 = arith.constant 2 : i32
      %rem3A_334 = arith.remsi %select_n3A_330, %rem3A_333 : i32
      %rem3A_335 = arith.constant 4 : i32
      %rem3A_336 = arith.remsi %scan3A_215, %rem3A_335 : i32
      %dma_start3A_337 = arith.constant 0 : i32
      %dma_start3A_338 = arith.constant 0 : i32
      %dma_start3A_339 = tpu.memref_slice %arg9[%rem3A_336, %dma_start3A_337, %dma_start3A_338] : memref<4x80x128xf32, #tpu.memory_space<vmem>> -> memref<1x80x128xf32, #tpu.memory_space<vmem>>
      %dma_start3A_340 = tpu.memref_squeeze %dma_start3A_339 : memref<1x80x128xf32, #tpu.memory_space<vmem>> -> memref<80x128xf32, #tpu.memory_space<vmem>>
      %dma_start3A_341 = arith.constant 0 : i32
      %dma_start3A_342 = tpu.memref_slice %arg8[%rem3A_334, %rem3A_332, %dma_start3A_341] : memref<2x5x80xi32, #tpu.memory_space<vmem>> -> memref<1x1x80xi32, #tpu.memory_space<vmem>>
      %dma_start3A_343 = tpu.memref_squeeze %dma_start3A_342 : memref<1x1x80xi32, #tpu.memory_space<vmem>> -> memref<80xi32, #tpu.memory_space<vmem>>
      %dma_start3A_344 = arith.constant 0 : i32
      %dma_start3A_345 = arith.constant 0 : i32
      %dma_start3A_346 = tpu.memref_slice %arg10[%dma_start3A_344, %dma_start3A_345] : memref<10112x128xf32, #tpu.memory_space<vmem_shared>> -> memref<10112x128xf32, #tpu.memory_space<vmem_shared>>
      tpu.enqueue_indirect_dma source(%dma_start3A_340 : memref<80x128xf32, #tpu.memory_space<vmem>>) target(%dma_start3A_346 : memref<10112x128xf32, #tpu.memory_space<vmem_shared>>) offsets(%dma_start3A_343 : memref<80xi32, #tpu.memory_space<vmem>>) semaphore(%arg12 : memref<!tpu.dma_semaphore, #tpu.memory_space<semaphore_mem>>) {add = true}
      %add3A_347 = arith.constant 3 : i32
      %add3A_348 = arith.addi %scan3A_215, %add3A_347 : i32
      %rem3A_349 = arith.constant 5 : i32
      %rem3A_350 = arith.remsi %add3A_348, %rem3A_349 : i32
      %eq3A_351 = arith.constant 0 : i32
      %eq3A_352 = arith.cmpi eq, %rem3A_350, %eq3A_351 : i32
      %lt3A_353 = arith.constant 25 : i32
      %lt3A_354 = arith.cmpi slt, %select_n3A_260, %lt3A_353 : i32
      %and3A_355 = arith.andi %eq3A_352, %lt3A_354 : i1
      %convert_element_type3A_356 = arith.extui %and3A_355 : i1 to i32
      %cond3A_357 = arith.constant 0 : i32
      %cond3A_358 = arith.cmpi ne, %convert_element_type3A_356, %cond3A_357 : i32
      scf.if %cond3A_358 {
        %rem3A_366 = arith.constant 2 : i32
        %rem3A_367 = arith.remsi %select_n3A_260, %rem3A_366 : i32
        %dma_wait3A_368 = arith.constant 0 : i32
        %dma_wait3A_369 = arith.constant 0 : i32
        %dma_wait3A_370 = tpu.memref_slice %arg7[%rem3A_367, %dma_wait3A_368, %dma_wait3A_369] : memref<2x5x80xi32, #tpu.memory_space<vmem>> -> memref<1x5x80xi32, #tpu.memory_space<vmem>>
        %dma_wait3A_371 = tpu.memref_squeeze %dma_wait3A_370 : memref<1x5x80xi32, #tpu.memory_space<vmem>> -> memref<5x80xi32, #tpu.memory_space<vmem>>
        %dma_wait3A_372 = arith.constant 0 : i32
        %dma_wait3A_373 = arith.constant 0 : i32
        %dma_wait3A_374 = tpu.memref_slice %arg2[%add3A, %select_n3A_260, %dma_wait3A_372, %dma_wait3A_373] : memref<32x25x5x80xi32, #tpu.memory_space<hbm>> -> memref<1x1x5x80xi32, #tpu.memory_space<hbm>>
        %dma_wait3A_375 = tpu.memref_squeeze %dma_wait3A_374 : memref<1x1x5x80xi32, #tpu.memory_space<hbm>> -> memref<5x80xi32, #tpu.memory_space<hbm>>
        %dma_wait3A_376 = arith.constant 0 : i32
        %dma_wait3A_377 = arith.constant 0 : i32
        %dma_wait3A_378 = tpu.memref_slice %arg7[%rem3A_367, %dma_wait3A_376, %dma_wait3A_377] : memref<2x5x80xi32, #tpu.memory_space<vmem>> -> memref<1x5x80xi32, #tpu.memory_space<vmem>>
        %dma_wait3A_379 = tpu.memref_squeeze %dma_wait3A_378 : memref<1x5x80xi32, #tpu.memory_space<vmem>> -> memref<5x80xi32, #tpu.memory_space<vmem>>
        %dma_wait3A_380 = arith.constant 0 : i32
        %dma_wait3A_381 = arith.constant 0 : i32
        %dma_wait3A_382 = tpu.memref_slice %arg2[%add3A, %select_n3A_260, %dma_wait3A_380, %dma_wait3A_381] : memref<32x25x5x80xi32, #tpu.memory_space<hbm>> -> memref<1x1x5x80xi32, #tpu.memory_space<hbm>>
        %dma_wait3A_383 = tpu.memref_squeeze %dma_wait3A_382 : memref<1x1x5x80xi32, #tpu.memory_space<hbm>> -> memref<5x80xi32, #tpu.memory_space<hbm>>
        tpu.wait_dma2 semaphore(%arg13 : memref<!tpu.dma_semaphore, #tpu.memory_space<semaphore_mem>>) src(%dma_wait3A_383 : memref<5x80xi32, #tpu.memory_space<hbm>>) dst(%dma_wait3A_379 : memref<5x80xi32, #tpu.memory_space<vmem>>)
        %dma_wait3A_384 = arith.constant 0 : i32
        %dma_wait3A_385 = arith.constant 0 : i32
        %dma_wait3A_386 = tpu.memref_slice %arg8[%rem3A_367, %dma_wait3A_384, %dma_wait3A_385] : memref<2x5x80xi32, #tpu.memory_space<vmem>> -> memref<1x5x80xi32, #tpu.memory_space<vmem>>
        %dma_wait3A_387 = tpu.memref_squeeze %dma_wait3A_386 : memref<1x5x80xi32, #tpu.memory_space<vmem>> -> memref<5x80xi32, #tpu.memory_space<vmem>>
        %dma_wait3A_388 = arith.constant 0 : i32
        %dma_wait3A_389 = arith.constant 0 : i32
        %dma_wait3A_390 = tpu.memref_slice %arg3[%add3A, %select_n3A_260, %dma_wait3A_388, %dma_wait3A_389] : memref<32x25x5x80xi32, #tpu.memory_space<hbm>> -> memref<1x1x5x80xi32, #tpu.memory_space<hbm>>
        %dma_wait3A_391 = tpu.memref_squeeze %dma_wait3A_390 : memref<1x1x5x80xi32, #tpu.memory_space<hbm>> -> memref<5x80xi32, #tpu.memory_space<hbm>>
        %dma_wait3A_392 = arith.constant 0 : i32
        %dma_wait3A_393 = arith.constant 0 : i32
        %dma_wait3A_394 = tpu.memref_slice %arg8[%rem3A_367, %dma_wait3A_392, %dma_wait3A_393] : memref<2x5x80xi32, #tpu.memory_space<vmem>> -> memref<1x5x80xi32, #tpu.memory_space<vmem>>
        %dma_wait3A_395 = tpu.memref_squeeze %dma_wait3A_394 : memref<1x5x80xi32, #tpu.memory_space<vmem>> -> memref<5x80xi32, #tpu.memory_space<vmem>>
        %dma_wait3A_396 = arith.constant 0 : i32
        %dma_wait3A_397 = arith.constant 0 : i32
        %dma_wait3A_398 = tpu.memref_slice %arg3[%add3A, %select_n3A_260, %dma_wait3A_396, %dma_wait3A_397] : memref<32x25x5x80xi32, #tpu.memory_space<hbm>> -> memref<1x1x5x80xi32, #tpu.memory_space<hbm>>
        %dma_wait3A_399 = tpu.memref_squeeze %dma_wait3A_398 : memref<1x1x5x80xi32, #tpu.memory_space<hbm>> -> memref<5x80xi32, #tpu.memory_space<hbm>>
        tpu.wait_dma2 semaphore(%arg13 : memref<!tpu.dma_semaphore, #tpu.memory_space<semaphore_mem>>) src(%dma_wait3A_399 : memref<5x80xi32, #tpu.memory_space<hbm>>) dst(%dma_wait3A_395 : memref<5x80xi32, #tpu.memory_space<vmem>>)
      } else {
      }
      %add3A_359 = arith.constant 3 : i32
      %add3A_360 = arith.addi %scan3A_215, %add3A_359 : i32
      %lt3A_361 = arith.constant 125 : i32
      %lt3A_362 = arith.cmpi slt, %add3A_360, %lt3A_361 : i32
      %convert_element_type3A_363 = arith.extui %lt3A_362 : i1 to i32
      %cond3A_364 = arith.constant 0 : i32
      %cond3A_365 = arith.cmpi ne, %convert_element_type3A_363, %cond3A_364 : i32
      scf.if %cond3A_365 {
        %ge3A = arith.constant 1 : i32
        %ge3A_366 = arith.cmpi sge, %scan3A_215, %ge3A : i32
        %convert_element_type3A_367 = arith.extui %ge3A_366 : i1 to i32
        %cond3A_368 = arith.constant 0 : i32
        %cond3A_369 = arith.cmpi ne, %convert_element_type3A_367, %cond3A_368 : i32
        scf.if %cond3A_369 {
          %sub3A_412 = arith.constant 1 : i32
          %sub3A_413 = arith.subi %scan3A_215, %sub3A_412 : i32
          %jit3A_414 = arith.constant 5 : i32
          %div3A_415 = arith.divsi %sub3A_413, %jit3A_414 : i32
          %sign3A_416 = arith.constant 0 : i32
          %sign3A_417 = arith.cmpi sgt, %sub3A_413, %sign3A_416 : i32
          %sign3A_418 = arith.extui %sign3A_417 : i1 to i32
          %sign3A_419 = arith.constant 0 : i32
          %sign3A_420 = arith.cmpi slt, %sub3A_413, %sign3A_419 : i32
          %sign3A_421 = arith.extui %sign3A_420 : i1 to i32
          %sign3A_422 = arith.subi %sign3A_418, %sign3A_421 : i32
          %sign3A_423 = arith.constant 0 : i32
          %sign3A_424 = arith.cmpi sgt, %jit3A_414, %sign3A_423 : i32
          %sign3A_425 = arith.extui %sign3A_424 : i1 to i32
          %sign3A_426 = arith.constant 0 : i32
          %sign3A_427 = arith.cmpi slt, %jit3A_414, %sign3A_426 : i32
          %sign3A_428 = arith.extui %sign3A_427 : i1 to i32
          %sign3A_429 = arith.subi %sign3A_425, %sign3A_428 : i32
          %ne3A_430 = arith.cmpi ne, %sign3A_422, %sign3A_429 : i32
          %rem3A_431 = arith.remsi %sub3A_413, %jit3A_414 : i32
          %ne3A_432 = arith.constant 0 : i32
          %ne3A_433 = arith.cmpi ne, %rem3A_431, %ne3A_432 : i32
          %and3A_434 = arith.andi %ne3A_430, %ne3A_433 : i1
          %sub3A_435 = arith.constant 1 : i32
          %sub3A_436 = arith.subi %div3A_415, %sub3A_435 : i32
          %select_n3A_437 = arith.select %and3A_434, %sub3A_436, %div3A_415 : i32
          %rem3A_438 = arith.constant 5 : i32
          %rem3A_439 = arith.remsi %sub3A_413, %rem3A_438 : i32
          %rem3A_440 = arith.constant 2 : i32
          %rem3A_441 = arith.remsi %select_n3A_437, %rem3A_440 : i32
          %rem3A_442 = arith.constant 4 : i32
          %rem3A_443 = arith.remsi %sub3A_413, %rem3A_442 : i32
          %dma_wait3A_444 = arith.constant 0 : i32
          %dma_wait3A_445 = arith.constant 0 : i32
          %dma_wait3A_446 = tpu.memref_slice %arg9[%rem3A_443, %dma_wait3A_444, %dma_wait3A_445] : memref<4x80x128xf32, #tpu.memory_space<vmem>> -> memref<1x80x128xf32, #tpu.memory_space<vmem>>
          %dma_wait3A_447 = tpu.memref_squeeze %dma_wait3A_446 : memref<1x80x128xf32, #tpu.memory_space<vmem>> -> memref<80x128xf32, #tpu.memory_space<vmem>>
          %dma_wait3A_448 = arith.constant 0 : i32
          %dma_wait3A_449 = tpu.memref_slice %arg8[%rem3A_441, %rem3A_439, %dma_wait3A_448] : memref<2x5x80xi32, #tpu.memory_space<vmem>> -> memref<1x1x80xi32, #tpu.memory_space<vmem>>
          %dma_wait3A_450 = tpu.memref_squeeze %dma_wait3A_449 : memref<1x1x80xi32, #tpu.memory_space<vmem>> -> memref<80xi32, #tpu.memory_space<vmem>>
          %dma_wait3A_451 = arith.constant 0 : i32
          %dma_wait3A_452 = arith.constant 0 : i32
          %dma_wait3A_453 = tpu.memref_slice %arg10[%dma_wait3A_451, %dma_wait3A_452] : memref<10112x128xf32, #tpu.memory_space<vmem_shared>> -> memref<10112x128xf32, #tpu.memory_space<vmem_shared>>
          tpu.wait_indirect_dma semaphore(%arg12 : memref<!tpu.dma_semaphore, #tpu.memory_space<semaphore_mem>>) src(%dma_wait3A_447 : memref<80x128xf32, #tpu.memory_space<vmem>>) dst(%dma_wait3A_453 : memref<10112x128xf32, #tpu.memory_space<vmem_shared>>)
        } else {
        }
        %add3A_370 = arith.constant 3 : i32
        %add3A_371 = arith.addi %scan3A_215, %add3A_370 : i32
        %jit3A_372 = arith.constant 5 : i32
        %div3A_373 = arith.divsi %add3A_371, %jit3A_372 : i32
        %sign3A_374 = arith.constant 0 : i32
        %sign3A_375 = arith.cmpi sgt, %add3A_371, %sign3A_374 : i32
        %sign3A_376 = arith.extui %sign3A_375 : i1 to i32
        %sign3A_377 = arith.constant 0 : i32
        %sign3A_378 = arith.cmpi slt, %add3A_371, %sign3A_377 : i32
        %sign3A_379 = arith.extui %sign3A_378 : i1 to i32
        %sign3A_380 = arith.subi %sign3A_376, %sign3A_379 : i32
        %sign3A_381 = arith.constant 0 : i32
        %sign3A_382 = arith.cmpi sgt, %jit3A_372, %sign3A_381 : i32
        %sign3A_383 = arith.extui %sign3A_382 : i1 to i32
        %sign3A_384 = arith.constant 0 : i32
        %sign3A_385 = arith.cmpi slt, %jit3A_372, %sign3A_384 : i32
        %sign3A_386 = arith.extui %sign3A_385 : i1 to i32
        %sign3A_387 = arith.subi %sign3A_383, %sign3A_386 : i32
        %ne3A_388 = arith.cmpi ne, %sign3A_380, %sign3A_387 : i32
        %rem3A_389 = arith.remsi %add3A_371, %jit3A_372 : i32
        %ne3A_390 = arith.constant 0 : i32
        %ne3A_391 = arith.cmpi ne, %rem3A_389, %ne3A_390 : i32
        %and3A_392 = arith.andi %ne3A_388, %ne3A_391 : i1
        %sub3A_393 = arith.constant 1 : i32
        %sub3A_394 = arith.subi %div3A_373, %sub3A_393 : i32
        %select_n3A_395 = arith.select %and3A_392, %sub3A_394, %div3A_373 : i32
        %rem3A_396 = arith.constant 5 : i32
        %rem3A_397 = arith.remsi %add3A_371, %rem3A_396 : i32
        %rem3A_398 = arith.constant 2 : i32
        %rem3A_399 = arith.remsi %select_n3A_395, %rem3A_398 : i32
        %rem3A_400 = arith.constant 4 : i32
        %rem3A_401 = arith.remsi %add3A_371, %rem3A_400 : i32
        %dma_start3A_402 = arith.constant 0 : i32
        %dma_start3A_403 = arith.constant 0 : i32
        %dma_start3A_404 = tpu.memref_slice %arg9[%rem3A_401, %dma_start3A_402, %dma_start3A_403] : memref<4x80x128xf32, #tpu.memory_space<vmem>> -> memref<1x80x128xf32, #tpu.memory_space<vmem>>
        %dma_start3A_405 = tpu.memref_squeeze %dma_start3A_404 : memref<1x80x128xf32, #tpu.memory_space<vmem>> -> memref<80x128xf32, #tpu.memory_space<vmem>>
        %dma_start3A_406 = arith.constant 0 : i32
        %dma_start3A_407 = tpu.memref_slice %arg7[%rem3A_399, %rem3A_397, %dma_start3A_406] : memref<2x5x80xi32, #tpu.memory_space<vmem>> -> memref<1x1x80xi32, #tpu.memory_space<vmem>>
        %dma_start3A_408 = tpu.memref_squeeze %dma_start3A_407 : memref<1x1x80xi32, #tpu.memory_space<vmem>> -> memref<80xi32, #tpu.memory_space<vmem>>
        %dma_start3A_409 = arith.constant 0 : i32
        %dma_start3A_410 = arith.constant 0 : i32
        %dma_start3A_411 = tpu.memref_slice %arg4[%dma_start3A_409, %dma_start3A_410] : memref<10000x128xf32, #tpu.memory_space<hbm>> -> memref<10000x128xf32, #tpu.memory_space<hbm>>
        tpu.enqueue_indirect_dma source(%dma_start3A_411 : memref<10000x128xf32, #tpu.memory_space<hbm>>) target(%dma_start3A_405 : memref<80x128xf32, #tpu.memory_space<vmem>>) offsets(%dma_start3A_408 : memref<80xi32, #tpu.memory_space<vmem>>) semaphore(%arg11 : memref<!tpu.dma_semaphore, #tpu.memory_space<semaphore_mem>>)
      } else {
      }
    }
    %scan3A_133 = arith.constant 125 : i32
    %rem3A_134 = arith.constant 121 : i32
    %rem3A_135 = arith.constant 5 : i32
    %rem3A_136 = arith.remsi %rem3A_134, %rem3A_135 : i32
    %rem3A_137 = arith.constant 24 : i32
    %rem3A_138 = arith.constant 2 : i32
    %rem3A_139 = arith.remsi %rem3A_137, %rem3A_138 : i32
    %rem3A_140 = arith.constant 121 : i32
    %rem3A_141 = arith.constant 4 : i32
    %rem3A_142 = arith.remsi %rem3A_140, %rem3A_141 : i32
    %dma_wait3A_143 = arith.constant 0 : i32
    %dma_wait3A_144 = arith.constant 0 : i32
    %dma_wait3A_145 = tpu.memref_slice %arg9[%rem3A_142, %dma_wait3A_143, %dma_wait3A_144] : memref<4x80x128xf32, #tpu.memory_space<vmem>> -> memref<1x80x128xf32, #tpu.memory_space<vmem>>
    %dma_wait3A_146 = tpu.memref_squeeze %dma_wait3A_145 : memref<1x80x128xf32, #tpu.memory_space<vmem>> -> memref<80x128xf32, #tpu.memory_space<vmem>>
    %dma_wait3A_147 = arith.constant 0 : i32
    %dma_wait3A_148 = tpu.memref_slice %arg8[%rem3A_139, %rem3A_136, %dma_wait3A_147] : memref<2x5x80xi32, #tpu.memory_space<vmem>> -> memref<1x1x80xi32, #tpu.memory_space<vmem>>
    %dma_wait3A_149 = tpu.memref_squeeze %dma_wait3A_148 : memref<1x1x80xi32, #tpu.memory_space<vmem>> -> memref<80xi32, #tpu.memory_space<vmem>>
    %dma_wait3A_150 = arith.constant 0 : i32
    %dma_wait3A_151 = arith.constant 0 : i32
    %dma_wait3A_152 = tpu.memref_slice %arg10[%dma_wait3A_150, %dma_wait3A_151] : memref<10112x128xf32, #tpu.memory_space<vmem_shared>> -> memref<10112x128xf32, #tpu.memory_space<vmem_shared>>
    tpu.wait_indirect_dma semaphore(%arg12 : memref<!tpu.dma_semaphore, #tpu.memory_space<semaphore_mem>>) src(%dma_wait3A_146 : memref<80x128xf32, #tpu.memory_space<vmem>>) dst(%dma_wait3A_152 : memref<10112x128xf32, #tpu.memory_space<vmem_shared>>)
    %rem3A_153 = arith.constant 122 : i32
    %rem3A_154 = arith.constant 5 : i32
    %rem3A_155 = arith.remsi %rem3A_153, %rem3A_154 : i32
    %rem3A_156 = arith.constant 24 : i32
    %rem3A_157 = arith.constant 2 : i32
    %rem3A_158 = arith.remsi %rem3A_156, %rem3A_157 : i32
    %rem3A_159 = arith.constant 122 : i32
    %rem3A_160 = arith.constant 4 : i32
    %rem3A_161 = arith.remsi %rem3A_159, %rem3A_160 : i32
    %dma_wait3A_162 = arith.constant 0 : i32
    %dma_wait3A_163 = arith.constant 0 : i32
    %dma_wait3A_164 = tpu.memref_slice %arg9[%rem3A_161, %dma_wait3A_162, %dma_wait3A_163] : memref<4x80x128xf32, #tpu.memory_space<vmem>> -> memref<1x80x128xf32, #tpu.memory_space<vmem>>
    %dma_wait3A_165 = tpu.memref_squeeze %dma_wait3A_164 : memref<1x80x128xf32, #tpu.memory_space<vmem>> -> memref<80x128xf32, #tpu.memory_space<vmem>>
    %dma_wait3A_166 = arith.constant 0 : i32
    %dma_wait3A_167 = tpu.memref_slice %arg8[%rem3A_158, %rem3A_155, %dma_wait3A_166] : memref<2x5x80xi32, #tpu.memory_space<vmem>> -> memref<1x1x80xi32, #tpu.memory_space<vmem>>
    %dma_wait3A_168 = tpu.memref_squeeze %dma_wait3A_167 : memref<1x1x80xi32, #tpu.memory_space<vmem>> -> memref<80xi32, #tpu.memory_space<vmem>>
    %dma_wait3A_169 = arith.constant 0 : i32
    %dma_wait3A_170 = arith.constant 0 : i32
    %dma_wait3A_171 = tpu.memref_slice %arg10[%dma_wait3A_169, %dma_wait3A_170] : memref<10112x128xf32, #tpu.memory_space<vmem_shared>> -> memref<10112x128xf32, #tpu.memory_space<vmem_shared>>
    tpu.wait_indirect_dma semaphore(%arg12 : memref<!tpu.dma_semaphore, #tpu.memory_space<semaphore_mem>>) src(%dma_wait3A_165 : memref<80x128xf32, #tpu.memory_space<vmem>>) dst(%dma_wait3A_171 : memref<10112x128xf32, #tpu.memory_space<vmem_shared>>)
    %rem3A_172 = arith.constant 123 : i32
    %rem3A_173 = arith.constant 5 : i32
    %rem3A_174 = arith.remsi %rem3A_172, %rem3A_173 : i32
    %rem3A_175 = arith.constant 24 : i32
    %rem3A_176 = arith.constant 2 : i32
    %rem3A_177 = arith.remsi %rem3A_175, %rem3A_176 : i32
    %rem3A_178 = arith.constant 123 : i32
    %rem3A_179 = arith.constant 4 : i32
    %rem3A_180 = arith.remsi %rem3A_178, %rem3A_179 : i32
    %dma_wait3A_181 = arith.constant 0 : i32
    %dma_wait3A_182 = arith.constant 0 : i32
    %dma_wait3A_183 = tpu.memref_slice %arg9[%rem3A_180, %dma_wait3A_181, %dma_wait3A_182] : memref<4x80x128xf32, #tpu.memory_space<vmem>> -> memref<1x80x128xf32, #tpu.memory_space<vmem>>
    %dma_wait3A_184 = tpu.memref_squeeze %dma_wait3A_183 : memref<1x80x128xf32, #tpu.memory_space<vmem>> -> memref<80x128xf32, #tpu.memory_space<vmem>>
    %dma_wait3A_185 = arith.constant 0 : i32
    %dma_wait3A_186 = tpu.memref_slice %arg8[%rem3A_177, %rem3A_174, %dma_wait3A_185] : memref<2x5x80xi32, #tpu.memory_space<vmem>> -> memref<1x1x80xi32, #tpu.memory_space<vmem>>
    %dma_wait3A_187 = tpu.memref_squeeze %dma_wait3A_186 : memref<1x1x80xi32, #tpu.memory_space<vmem>> -> memref<80xi32, #tpu.memory_space<vmem>>
    %dma_wait3A_188 = arith.constant 0 : i32
    %dma_wait3A_189 = arith.constant 0 : i32
    %dma_wait3A_190 = tpu.memref_slice %arg10[%dma_wait3A_188, %dma_wait3A_189] : memref<10112x128xf32, #tpu.memory_space<vmem_shared>> -> memref<10112x128xf32, #tpu.memory_space<vmem_shared>>
    tpu.wait_indirect_dma semaphore(%arg12 : memref<!tpu.dma_semaphore, #tpu.memory_space<semaphore_mem>>) src(%dma_wait3A_184 : memref<80x128xf32, #tpu.memory_space<vmem>>) dst(%dma_wait3A_190 : memref<10112x128xf32, #tpu.memory_space<vmem_shared>>)
    %rem3A_191 = arith.constant 124 : i32
    %rem3A_192 = arith.constant 5 : i32
    %rem3A_193 = arith.remsi %rem3A_191, %rem3A_192 : i32
    %rem3A_194 = arith.constant 24 : i32
    %rem3A_195 = arith.constant 2 : i32
    %rem3A_196 = arith.remsi %rem3A_194, %rem3A_195 : i32
    %rem3A_197 = arith.constant 124 : i32
    %rem3A_198 = arith.constant 4 : i32
    %rem3A_199 = arith.remsi %rem3A_197, %rem3A_198 : i32
    %dma_wait3A_200 = arith.constant 0 : i32
    %dma_wait3A_201 = arith.constant 0 : i32
    %dma_wait3A_202 = tpu.memref_slice %arg9[%rem3A_199, %dma_wait3A_200, %dma_wait3A_201] : memref<4x80x128xf32, #tpu.memory_space<vmem>> -> memref<1x80x128xf32, #tpu.memory_space<vmem>>
    %dma_wait3A_203 = tpu.memref_squeeze %dma_wait3A_202 : memref<1x80x128xf32, #tpu.memory_space<vmem>> -> memref<80x128xf32, #tpu.memory_space<vmem>>
    %dma_wait3A_204 = arith.constant 0 : i32
    %dma_wait3A_205 = tpu.memref_slice %arg8[%rem3A_196, %rem3A_193, %dma_wait3A_204] : memref<2x5x80xi32, #tpu.memory_space<vmem>> -> memref<1x1x80xi32, #tpu.memory_space<vmem>>
    %dma_wait3A_206 = tpu.memref_squeeze %dma_wait3A_205 : memref<1x1x80xi32, #tpu.memory_space<vmem>> -> memref<80xi32, #tpu.memory_space<vmem>>
    %dma_wait3A_207 = arith.constant 0 : i32
    %dma_wait3A_208 = arith.constant 0 : i32
    %dma_wait3A_209 = tpu.memref_slice %arg10[%dma_wait3A_207, %dma_wait3A_208] : memref<10112x128xf32, #tpu.memory_space<vmem_shared>> -> memref<10112x128xf32, #tpu.memory_space<vmem_shared>>
    tpu.wait_indirect_dma semaphore(%arg12 : memref<!tpu.dma_semaphore, #tpu.memory_space<semaphore_mem>>) src(%dma_wait3A_203 : memref<80x128xf32, #tpu.memory_space<vmem>>) dst(%dma_wait3A_209 : memref<10112x128xf32, #tpu.memory_space<vmem_shared>>)
    %barrier3A_210 = arith.constant 0 : index
    tpu.barrier barrier_id(%barrier3A_210)
    %mul3A_211 = arith.constant 632 : i32
    %mul3A_212 = arith.muli %arg1, %mul3A_211 : i32
    %mul3A_213 = arith.constant 632 : i32
    %mul3A_214 = arith.muli %arg1, %mul3A_213 : i32
    "tpu.region"() ({
      %run_scoped3A = tpu.sem_alloc : memref<!tpu.dma_semaphore, #tpu.memory_space<semaphore_mem>>
      %dma_start3A_215 = arith.constant 0 : i32
      %dma_start3A_216 = tpu.memref_slice %arg6[%arg0, %mul3A_214, %dma_start3A_215] : memref<2x10112x128xf32, #tpu.memory_space<hbm>> -> memref<1x632x128xf32, #tpu.memory_space<hbm>>
      %dma_start3A_217 = tpu.memref_squeeze %dma_start3A_216 : memref<1x632x128xf32, #tpu.memory_space<hbm>> -> memref<632x128xf32, #tpu.memory_space<hbm>>
      %dma_start3A_218 = arith.constant 0 : i32
      %dma_start3A_219 = tpu.memref_slice %arg10[%mul3A_212, %dma_start3A_218] : memref<10112x128xf32, #tpu.memory_space<vmem_shared>> -> memref<632x128xf32, #tpu.memory_space<vmem_shared>>
      tpu.enqueue_dma source(%dma_start3A_219 : memref<632x128xf32, #tpu.memory_space<vmem_shared>>) target(%dma_start3A_217 : memref<632x128xf32, #tpu.memory_space<hbm>>) target_semaphore(%run_scoped3A : memref<!tpu.dma_semaphore, #tpu.memory_space<semaphore_mem>>)
      %dma_wait3A_220 = arith.constant 0 : i32
      %dma_wait3A_221 = tpu.memref_slice %arg6[%arg0, %mul3A_214, %dma_wait3A_220] : memref<2x10112x128xf32, #tpu.memory_space<hbm>> -> memref<1x632x128xf32, #tpu.memory_space<hbm>>
      %dma_wait3A_222 = tpu.memref_squeeze %dma_wait3A_221 : memref<1x632x128xf32, #tpu.memory_space<hbm>> -> memref<632x128xf32, #tpu.memory_space<hbm>>
      %dma_wait3A_223 = arith.constant 0 : i32
      %dma_wait3A_224 = tpu.memref_slice %arg10[%mul3A_212, %dma_wait3A_223] : memref<10112x128xf32, #tpu.memory_space<vmem_shared>> -> memref<632x128xf32, #tpu.memory_space<vmem_shared>>
      tpu.wait_dma2 semaphore(%run_scoped3A : memref<!tpu.dma_semaphore, #tpu.memory_space<semaphore_mem>>) src(%dma_wait3A_224 : memref<632x128xf32, #tpu.memory_space<vmem_shared>>) dst(%dma_wait3A_222 : memref<632x128xf32, #tpu.memory_space<hbm>>)
      tpu.yield
    }) : () -> ()
    return
  }
}

#map = affine_map<(d0, d1) -> (0, 0, 0, 0)>
#map1 = affine_map<(d0, d1) -> (0)>
module attributes {stable_mosaic.version = 14 : i64} {
  func.func @k(%arg0: i32, %arg1: i32, %arg2: memref<32x16x5x128xi32, #tpu.memory_space<hbm>>, %arg3: memref<128xf32, #tpu.memory_space<hbm>>, %arg4: memref<640xf32, #tpu.memory_space<hbm>>, %arg5: memref<20480xf32, #tpu.memory_space<hbm>>, %arg6: memref<2x5x128xi32, #tpu.memory_space<vmem>>, %arg7: memref<128xf32, #tpu.memory_space<vmem>>, %arg8: memref<10240xf32, #tpu.memory_space<vmem_shared>>, %arg9: memref<!tpu.dma_semaphore, #tpu.memory_space<semaphore_mem>>, %arg10: memref<!tpu.dma_semaphore, #tpu.memory_space<semaphore_mem>>) attributes {dimension_semantics = [#tpu.dimension_semantics<core_parallel>, #tpu.dimension_semantics<subcore_parallel>], iteration_bounds = array<i64: 2, 16>, scalar_prefetch = 0 : i64, scratch_operands = 5 : i64, tpu.core_type = #tpu.core_type<sc_vector_subcore>, window_params = [{transform_indices = #map}, {transform_indices = #map1}, {transform_indices = #map1}, {transform_indices = #map1}]} {
    %mul3A = arith.constant 16 : i32
    %mul3A_0 = arith.muli %arg0, %mul3A : i32
    %add3A = arith.addi %mul3A_0, %arg1 : i32
    %dma_start3A = arith.constant 0 : i32
    %dma_start3A_1 = arith.constant 0 : i32
    %dma_start3A_2 = arith.constant 0 : i32
    %dma_start3A_3 = arith.constant 0 : i32
    %dma_start3A_4 = tpu.memref_slice %arg6[%dma_start3A_1, %dma_start3A_2, %dma_start3A_3] : memref<2x5x128xi32, #tpu.memory_space<vmem>> -> memref<1x5x128xi32, #tpu.memory_space<vmem>>
    %dma_start3A_5 = tpu.memref_squeeze %dma_start3A_4 : memref<1x5x128xi32, #tpu.memory_space<vmem>> -> memref<5x128xi32, #tpu.memory_space<vmem>>
    %dma_start3A_6 = arith.constant 0 : i32
    %dma_start3A_7 = arith.constant 0 : i32
    %dma_start3A_8 = tpu.memref_slice %arg2[%add3A, %dma_start3A, %dma_start3A_6, %dma_start3A_7] : memref<32x16x5x128xi32, #tpu.memory_space<hbm>> -> memref<1x1x5x128xi32, #tpu.memory_space<hbm>>
    %dma_start3A_9 = tpu.memref_squeeze %dma_start3A_8 : memref<1x1x5x128xi32, #tpu.memory_space<hbm>> -> memref<5x128xi32, #tpu.memory_space<hbm>>
    %dma_start3A_10 = arith.constant 0 : i32
    %dma_start3A_11 = arith.constant 0 : i32
    %dma_start3A_12 = tpu.memref_slice %arg6[%dma_start3A_1, %dma_start3A_10, %dma_start3A_11] : memref<2x5x128xi32, #tpu.memory_space<vmem>> -> memref<1x5x128xi32, #tpu.memory_space<vmem>>
    %dma_start3A_13 = tpu.memref_squeeze %dma_start3A_12 : memref<1x5x128xi32, #tpu.memory_space<vmem>> -> memref<5x128xi32, #tpu.memory_space<vmem>>
    %dma_start3A_14 = arith.constant 0 : i32
    %dma_start3A_15 = arith.constant 0 : i32
    %dma_start3A_16 = tpu.memref_slice %arg2[%add3A, %dma_start3A, %dma_start3A_14, %dma_start3A_15] : memref<32x16x5x128xi32, #tpu.memory_space<hbm>> -> memref<1x1x5x128xi32, #tpu.memory_space<hbm>>
    %dma_start3A_17 = tpu.memref_squeeze %dma_start3A_16 : memref<1x1x5x128xi32, #tpu.memory_space<hbm>> -> memref<5x128xi32, #tpu.memory_space<hbm>>
    tpu.enqueue_dma source(%dma_start3A_17 : memref<5x128xi32, #tpu.memory_space<hbm>>) target(%dma_start3A_13 : memref<5x128xi32, #tpu.memory_space<vmem>>) target_semaphore(%arg10 : memref<!tpu.dma_semaphore, #tpu.memory_space<semaphore_mem>>)
    "tpu.region"() ({
      %run_scoped3A = tpu.sem_alloc : memref<!tpu.dma_semaphore, #tpu.memory_space<semaphore_mem>>
      tpu.enqueue_dma source(%arg3 : memref<128xf32, #tpu.memory_space<hbm>>) target(%arg7 : memref<128xf32, #tpu.memory_space<vmem>>) target_semaphore(%run_scoped3A : memref<!tpu.dma_semaphore, #tpu.memory_space<semaphore_mem>>)
      tpu.wait_dma2 semaphore(%run_scoped3A : memref<!tpu.dma_semaphore, #tpu.memory_space<semaphore_mem>>) src(%arg3 : memref<128xf32, #tpu.memory_space<hbm>>) dst(%arg7 : memref<128xf32, #tpu.memory_space<vmem>>)
      tpu.yield
    }) : () -> ()
    %mul3A_18 = arith.constant 640 : i32
    %mul3A_19 = arith.muli %arg1, %mul3A_18 : i32
    "tpu.region"() ({
      %run_scoped3A = tpu.sem_alloc : memref<!tpu.dma_semaphore, #tpu.memory_space<semaphore_mem>>
      %dma_start3A_104 = tpu.memref_slice %arg8[%mul3A_19] : memref<10240xf32, #tpu.memory_space<vmem_shared>> -> memref<640xf32, #tpu.memory_space<vmem_shared>>
      tpu.enqueue_dma source(%arg4 : memref<640xf32, #tpu.memory_space<hbm>>) target(%dma_start3A_104 : memref<640xf32, #tpu.memory_space<vmem_shared>>) target_semaphore(%run_scoped3A : memref<!tpu.dma_semaphore, #tpu.memory_space<semaphore_mem>>)
      %dma_wait3A_105 = tpu.memref_slice %arg8[%mul3A_19] : memref<10240xf32, #tpu.memory_space<vmem_shared>> -> memref<640xf32, #tpu.memory_space<vmem_shared>>
      tpu.wait_dma2 semaphore(%run_scoped3A : memref<!tpu.dma_semaphore, #tpu.memory_space<semaphore_mem>>) src(%arg4 : memref<640xf32, #tpu.memory_space<hbm>>) dst(%dma_wait3A_105 : memref<640xf32, #tpu.memory_space<vmem_shared>>)
      tpu.yield
    }) : () -> ()
    %barrier3A = arith.constant 0 : index
    tpu.barrier barrier_id(%barrier3A)
    %dma_wait3A = arith.constant 0 : i32
    %dma_wait3A_20 = arith.constant 0 : i32
    %dma_wait3A_21 = arith.constant 0 : i32
    %dma_wait3A_22 = arith.constant 0 : i32
    %dma_wait3A_23 = tpu.memref_slice %arg6[%dma_wait3A_20, %dma_wait3A_21, %dma_wait3A_22] : memref<2x5x128xi32, #tpu.memory_space<vmem>> -> memref<1x5x128xi32, #tpu.memory_space<vmem>>
    %dma_wait3A_24 = tpu.memref_squeeze %dma_wait3A_23 : memref<1x5x128xi32, #tpu.memory_space<vmem>> -> memref<5x128xi32, #tpu.memory_space<vmem>>
    %dma_wait3A_25 = arith.constant 0 : i32
    %dma_wait3A_26 = arith.constant 0 : i32
    %dma_wait3A_27 = tpu.memref_slice %arg2[%add3A, %dma_wait3A, %dma_wait3A_25, %dma_wait3A_26] : memref<32x16x5x128xi32, #tpu.memory_space<hbm>> -> memref<1x1x5x128xi32, #tpu.memory_space<hbm>>
    %dma_wait3A_28 = tpu.memref_squeeze %dma_wait3A_27 : memref<1x1x5x128xi32, #tpu.memory_space<hbm>> -> memref<5x128xi32, #tpu.memory_space<hbm>>
    %dma_wait3A_29 = arith.constant 0 : i32
    %dma_wait3A_30 = arith.constant 0 : i32
    %dma_wait3A_31 = tpu.memref_slice %arg6[%dma_wait3A_20, %dma_wait3A_29, %dma_wait3A_30] : memref<2x5x128xi32, #tpu.memory_space<vmem>> -> memref<1x5x128xi32, #tpu.memory_space<vmem>>
    %dma_wait3A_32 = tpu.memref_squeeze %dma_wait3A_31 : memref<1x5x128xi32, #tpu.memory_space<vmem>> -> memref<5x128xi32, #tpu.memory_space<vmem>>
    %dma_wait3A_33 = arith.constant 0 : i32
    %dma_wait3A_34 = arith.constant 0 : i32
    %dma_wait3A_35 = tpu.memref_slice %arg2[%add3A, %dma_wait3A, %dma_wait3A_33, %dma_wait3A_34] : memref<32x16x5x128xi32, #tpu.memory_space<hbm>> -> memref<1x1x5x128xi32, #tpu.memory_space<hbm>>
    %dma_wait3A_36 = tpu.memref_squeeze %dma_wait3A_35 : memref<1x1x5x128xi32, #tpu.memory_space<hbm>> -> memref<5x128xi32, #tpu.memory_space<hbm>>
    tpu.wait_dma2 semaphore(%arg10 : memref<!tpu.dma_semaphore, #tpu.memory_space<semaphore_mem>>) src(%dma_wait3A_36 : memref<5x128xi32, #tpu.memory_space<hbm>>) dst(%dma_wait3A_32 : memref<5x128xi32, #tpu.memory_space<vmem>>)
    %scan3A = arith.constant 0 : i32
    %scan3A_37 = arith.constant 0 : i32
    %scan3A_38 = arith.constant 80 : i32
    %scan3A_39 = arith.addi %scan3A_37, %scan3A_38 : i32
    %scan3A_40 = arith.constant 1 : i32
    scf.for %scan3A_104 = %scan3A_37 to %scan3A_39 step %scan3A_40  : i32 {
      %jit3A = arith.constant 5 : i32
      %div3A = arith.divsi %scan3A_104, %jit3A : i32
      %sign3A = arith.constant 0 : i32
      %sign3A_105 = arith.cmpi sgt, %scan3A_104, %sign3A : i32
      %sign3A_106 = arith.extui %sign3A_105 : i1 to i32
      %sign3A_107 = arith.constant 0 : i32
      %sign3A_108 = arith.cmpi slt, %scan3A_104, %sign3A_107 : i32
      %sign3A_109 = arith.extui %sign3A_108 : i1 to i32
      %sign3A_110 = arith.subi %sign3A_106, %sign3A_109 : i32
      %sign3A_111 = arith.constant 0 : i32
      %sign3A_112 = arith.cmpi sgt, %jit3A, %sign3A_111 : i32
      %sign3A_113 = arith.extui %sign3A_112 : i1 to i32
      %sign3A_114 = arith.constant 0 : i32
      %sign3A_115 = arith.cmpi slt, %jit3A, %sign3A_114 : i32
      %sign3A_116 = arith.extui %sign3A_115 : i1 to i32
      %sign3A_117 = arith.subi %sign3A_113, %sign3A_116 : i32
      %ne3A = arith.cmpi ne, %sign3A_110, %sign3A_117 : i32
      %rem3A_118 = arith.remsi %scan3A_104, %jit3A : i32
      %ne3A_119 = arith.constant 0 : i32
      %ne3A_120 = arith.cmpi ne, %rem3A_118, %ne3A_119 : i32
      %and3A = arith.andi %ne3A, %ne3A_120 : i1
      %sub3A = arith.constant 1 : i32
      %sub3A_121 = arith.subi %div3A, %sub3A : i32
      %select_n3A = arith.select %and3A, %sub3A_121, %div3A : i32
      %rem3A_122 = arith.constant 5 : i32
      %rem3A_123 = arith.remsi %scan3A_104, %rem3A_122 : i32
      %eq3A = arith.constant 0 : i32
      %eq3A_124 = arith.cmpi eq, %rem3A_123, %eq3A : i32
      %ge3A = arith.constant 1 : i32
      %ge3A_125 = arith.cmpi sge, %select_n3A, %ge3A : i32
      %and3A_126 = arith.andi %eq3A_124, %ge3A_125 : i1
      %convert_element_type3A = arith.extui %and3A_126 : i1 to i32
      %cond3A = arith.constant 0 : i32
      %cond3A_127 = arith.cmpi ne, %convert_element_type3A, %cond3A : i32
      scf.if %cond3A_127 {
        %sub3A_170 = arith.constant 5 : i32
        %sub3A_171 = arith.subi %scan3A_104, %sub3A_170 : i32
        %add3A_172 = arith.constant 0 : i32
        %add3A_173 = arith.addi %sub3A_171, %add3A_172 : i32
        %jit3A_174 = arith.constant 5 : i32
        %div3A_175 = arith.divsi %add3A_173, %jit3A_174 : i32
        %sign3A_176 = arith.constant 0 : i32
        %sign3A_177 = arith.cmpi sgt, %add3A_173, %sign3A_176 : i32
        %sign3A_178 = arith.extui %sign3A_177 : i1 to i32
        %sign3A_179 = arith.constant 0 : i32
        %sign3A_180 = arith.cmpi slt, %add3A_173, %sign3A_179 : i32
        %sign3A_181 = arith.extui %sign3A_180 : i1 to i32
        %sign3A_182 = arith.subi %sign3A_178, %sign3A_181 : i32
        %sign3A_183 = arith.constant 0 : i32
        %sign3A_184 = arith.cmpi sgt, %jit3A_174, %sign3A_183 : i32
        %sign3A_185 = arith.extui %sign3A_184 : i1 to i32
        %sign3A_186 = arith.constant 0 : i32
        %sign3A_187 = arith.cmpi slt, %jit3A_174, %sign3A_186 : i32
        %sign3A_188 = arith.extui %sign3A_187 : i1 to i32
        %sign3A_189 = arith.subi %sign3A_185, %sign3A_188 : i32
        %ne3A_190 = arith.cmpi ne, %sign3A_182, %sign3A_189 : i32
        %rem3A_191 = arith.remsi %add3A_173, %jit3A_174 : i32
        %ne3A_192 = arith.constant 0 : i32
        %ne3A_193 = arith.cmpi ne, %rem3A_191, %ne3A_192 : i32
        %and3A_194 = arith.andi %ne3A_190, %ne3A_193 : i1
        %sub3A_195 = arith.constant 1 : i32
        %sub3A_196 = arith.subi %div3A_175, %sub3A_195 : i32
        %select_n3A_197 = arith.select %and3A_194, %sub3A_196, %div3A_175 : i32
        %rem3A_198 = arith.constant 5 : i32
        %rem3A_199 = arith.remsi %add3A_173, %rem3A_198 : i32
        %rem3A_200 = arith.constant 2 : i32
        %rem3A_201 = arith.remsi %select_n3A_197, %rem3A_200 : i32
        %dma_wait3A_202 = arith.constant 0 : i32
        %dma_wait3A_203 = tpu.memref_slice %arg6[%rem3A_201, %rem3A_199, %dma_wait3A_202] : memref<2x5x128xi32, #tpu.memory_space<vmem>> -> memref<1x1x128xi32, #tpu.memory_space<vmem>>
        %dma_wait3A_204 = tpu.memref_squeeze %dma_wait3A_203 : memref<1x1x128xi32, #tpu.memory_space<vmem>> -> memref<128xi32, #tpu.memory_space<vmem>>
        %dma_wait3A_205 = arith.constant 0 : i32
        %dma_wait3A_206 = tpu.memref_slice %arg8[%dma_wait3A_205] : memref<10240xf32, #tpu.memory_space<vmem_shared>> -> memref<10240xf32, #tpu.memory_space<vmem_shared>>
        tpu.wait_indirect_dma semaphore(%arg9 : memref<!tpu.dma_semaphore, #tpu.memory_space<semaphore_mem>>) src(%arg7 : memref<128xf32, #tpu.memory_space<vmem>>) dst(%dma_wait3A_206 : memref<10240xf32, #tpu.memory_space<vmem_shared>>)
        %sub3A_207 = arith.constant 5 : i32
        %sub3A_208 = arith.subi %scan3A_104, %sub3A_207 : i32
        %add3A_209 = arith.constant 1 : i32
        %add3A_210 = arith.addi %sub3A_208, %add3A_209 : i32
        %jit3A_211 = arith.constant 5 : i32
        %div3A_212 = arith.divsi %add3A_210, %jit3A_211 : i32
        %sign3A_213 = arith.constant 0 : i32
        %sign3A_214 = arith.cmpi sgt, %add3A_210, %sign3A_213 : i32
        %sign3A_215 = arith.extui %sign3A_214 : i1 to i32
        %sign3A_216 = arith.constant 0 : i32
        %sign3A_217 = arith.cmpi slt, %add3A_210, %sign3A_216 : i32
        %sign3A_218 = arith.extui %sign3A_217 : i1 to i32
        %sign3A_219 = arith.subi %sign3A_215, %sign3A_218 : i32
        %sign3A_220 = arith.constant 0 : i32
        %sign3A_221 = arith.cmpi sgt, %jit3A_211, %sign3A_220 : i32
        %sign3A_222 = arith.extui %sign3A_221 : i1 to i32
        %sign3A_223 = arith.constant 0 : i32
        %sign3A_224 = arith.cmpi slt, %jit3A_211, %sign3A_223 : i32
        %sign3A_225 = arith.extui %sign3A_224 : i1 to i32
        %sign3A_226 = arith.subi %sign3A_222, %sign3A_225 : i32
        %ne3A_227 = arith.cmpi ne, %sign3A_219, %sign3A_226 : i32
        %rem3A_228 = arith.remsi %add3A_210, %jit3A_211 : i32
        %ne3A_229 = arith.constant 0 : i32
        %ne3A_230 = arith.cmpi ne, %rem3A_228, %ne3A_229 : i32
        %and3A_231 = arith.andi %ne3A_227, %ne3A_230 : i1
        %sub3A_232 = arith.constant 1 : i32
        %sub3A_233 = arith.subi %div3A_212, %sub3A_232 : i32
        %select_n3A_234 = arith.select %and3A_231, %sub3A_233, %div3A_212 : i32
        %rem3A_235 = arith.constant 5 : i32
        %rem3A_236 = arith.remsi %add3A_210, %rem3A_235 : i32
        %rem3A_237 = arith.constant 2 : i32
        %rem3A_238 = arith.remsi %select_n3A_234, %rem3A_237 : i32
        %dma_wait3A_239 = arith.constant 0 : i32
        %dma_wait3A_240 = tpu.memref_slice %arg6[%rem3A_238, %rem3A_236, %dma_wait3A_239] : memref<2x5x128xi32, #tpu.memory_space<vmem>> -> memref<1x1x128xi32, #tpu.memory_space<vmem>>
        %dma_wait3A_241 = tpu.memref_squeeze %dma_wait3A_240 : memref<1x1x128xi32, #tpu.memory_space<vmem>> -> memref<128xi32, #tpu.memory_space<vmem>>
        %dma_wait3A_242 = arith.constant 0 : i32
        %dma_wait3A_243 = tpu.memref_slice %arg8[%dma_wait3A_242] : memref<10240xf32, #tpu.memory_space<vmem_shared>> -> memref<10240xf32, #tpu.memory_space<vmem_shared>>
        tpu.wait_indirect_dma semaphore(%arg9 : memref<!tpu.dma_semaphore, #tpu.memory_space<semaphore_mem>>) src(%arg7 : memref<128xf32, #tpu.memory_space<vmem>>) dst(%dma_wait3A_243 : memref<10240xf32, #tpu.memory_space<vmem_shared>>)
        %sub3A_244 = arith.constant 5 : i32
        %sub3A_245 = arith.subi %scan3A_104, %sub3A_244 : i32
        %add3A_246 = arith.constant 2 : i32
        %add3A_247 = arith.addi %sub3A_245, %add3A_246 : i32
        %jit3A_248 = arith.constant 5 : i32
        %div3A_249 = arith.divsi %add3A_247, %jit3A_248 : i32
        %sign3A_250 = arith.constant 0 : i32
        %sign3A_251 = arith.cmpi sgt, %add3A_247, %sign3A_250 : i32
        %sign3A_252 = arith.extui %sign3A_251 : i1 to i32
        %sign3A_253 = arith.constant 0 : i32
        %sign3A_254 = arith.cmpi slt, %add3A_247, %sign3A_253 : i32
        %sign3A_255 = arith.extui %sign3A_254 : i1 to i32
        %sign3A_256 = arith.subi %sign3A_252, %sign3A_255 : i32
        %sign3A_257 = arith.constant 0 : i32
        %sign3A_258 = arith.cmpi sgt, %jit3A_248, %sign3A_257 : i32
        %sign3A_259 = arith.extui %sign3A_258 : i1 to i32
        %sign3A_260 = arith.constant 0 : i32
        %sign3A_261 = arith.cmpi slt, %jit3A_248, %sign3A_260 : i32
        %sign3A_262 = arith.extui %sign3A_261 : i1 to i32
        %sign3A_263 = arith.subi %sign3A_259, %sign3A_262 : i32
        %ne3A_264 = arith.cmpi ne, %sign3A_256, %sign3A_263 : i32
        %rem3A_265 = arith.remsi %add3A_247, %jit3A_248 : i32
        %ne3A_266 = arith.constant 0 : i32
        %ne3A_267 = arith.cmpi ne, %rem3A_265, %ne3A_266 : i32
        %and3A_268 = arith.andi %ne3A_264, %ne3A_267 : i1
        %sub3A_269 = arith.constant 1 : i32
        %sub3A_270 = arith.subi %div3A_249, %sub3A_269 : i32
        %select_n3A_271 = arith.select %and3A_268, %sub3A_270, %div3A_249 : i32
        %rem3A_272 = arith.constant 5 : i32
        %rem3A_273 = arith.remsi %add3A_247, %rem3A_272 : i32
        %rem3A_274 = arith.constant 2 : i32
        %rem3A_275 = arith.remsi %select_n3A_271, %rem3A_274 : i32
        %dma_wait3A_276 = arith.constant 0 : i32
        %dma_wait3A_277 = tpu.memref_slice %arg6[%rem3A_275, %rem3A_273, %dma_wait3A_276] : memref<2x5x128xi32, #tpu.memory_space<vmem>> -> memref<1x1x128xi32, #tpu.memory_space<vmem>>
        %dma_wait3A_278 = tpu.memref_squeeze %dma_wait3A_277 : memref<1x1x128xi32, #tpu.memory_space<vmem>> -> memref<128xi32, #tpu.memory_space<vmem>>
        %dma_wait3A_279 = arith.constant 0 : i32
        %dma_wait3A_280 = tpu.memref_slice %arg8[%dma_wait3A_279] : memref<10240xf32, #tpu.memory_space<vmem_shared>> -> memref<10240xf32, #tpu.memory_space<vmem_shared>>
        tpu.wait_indirect_dma semaphore(%arg9 : memref<!tpu.dma_semaphore, #tpu.memory_space<semaphore_mem>>) src(%arg7 : memref<128xf32, #tpu.memory_space<vmem>>) dst(%dma_wait3A_280 : memref<10240xf32, #tpu.memory_space<vmem_shared>>)
        %sub3A_281 = arith.constant 5 : i32
        %sub3A_282 = arith.subi %scan3A_104, %sub3A_281 : i32
        %add3A_283 = arith.constant 3 : i32
        %add3A_284 = arith.addi %sub3A_282, %add3A_283 : i32
        %jit3A_285 = arith.constant 5 : i32
        %div3A_286 = arith.divsi %add3A_284, %jit3A_285 : i32
        %sign3A_287 = arith.constant 0 : i32
        %sign3A_288 = arith.cmpi sgt, %add3A_284, %sign3A_287 : i32
        %sign3A_289 = arith.extui %sign3A_288 : i1 to i32
        %sign3A_290 = arith.constant 0 : i32
        %sign3A_291 = arith.cmpi slt, %add3A_284, %sign3A_290 : i32
        %sign3A_292 = arith.extui %sign3A_291 : i1 to i32
        %sign3A_293 = arith.subi %sign3A_289, %sign3A_292 : i32
        %sign3A_294 = arith.constant 0 : i32
        %sign3A_295 = arith.cmpi sgt, %jit3A_285, %sign3A_294 : i32
        %sign3A_296 = arith.extui %sign3A_295 : i1 to i32
        %sign3A_297 = arith.constant 0 : i32
        %sign3A_298 = arith.cmpi slt, %jit3A_285, %sign3A_297 : i32
        %sign3A_299 = arith.extui %sign3A_298 : i1 to i32
        %sign3A_300 = arith.subi %sign3A_296, %sign3A_299 : i32
        %ne3A_301 = arith.cmpi ne, %sign3A_293, %sign3A_300 : i32
        %rem3A_302 = arith.remsi %add3A_284, %jit3A_285 : i32
        %ne3A_303 = arith.constant 0 : i32
        %ne3A_304 = arith.cmpi ne, %rem3A_302, %ne3A_303 : i32
        %and3A_305 = arith.andi %ne3A_301, %ne3A_304 : i1
        %sub3A_306 = arith.constant 1 : i32
        %sub3A_307 = arith.subi %div3A_286, %sub3A_306 : i32
        %select_n3A_308 = arith.select %and3A_305, %sub3A_307, %div3A_286 : i32
        %rem3A_309 = arith.constant 5 : i32
        %rem3A_310 = arith.remsi %add3A_284, %rem3A_309 : i32
        %rem3A_311 = arith.constant 2 : i32
        %rem3A_312 = arith.remsi %select_n3A_308, %rem3A_311 : i32
        %dma_wait3A_313 = arith.constant 0 : i32
        %dma_wait3A_314 = tpu.memref_slice %arg6[%rem3A_312, %rem3A_310, %dma_wait3A_313] : memref<2x5x128xi32, #tpu.memory_space<vmem>> -> memref<1x1x128xi32, #tpu.memory_space<vmem>>
        %dma_wait3A_315 = tpu.memref_squeeze %dma_wait3A_314 : memref<1x1x128xi32, #tpu.memory_space<vmem>> -> memref<128xi32, #tpu.memory_space<vmem>>
        %dma_wait3A_316 = arith.constant 0 : i32
        %dma_wait3A_317 = tpu.memref_slice %arg8[%dma_wait3A_316] : memref<10240xf32, #tpu.memory_space<vmem_shared>> -> memref<10240xf32, #tpu.memory_space<vmem_shared>>
        tpu.wait_indirect_dma semaphore(%arg9 : memref<!tpu.dma_semaphore, #tpu.memory_space<semaphore_mem>>) src(%arg7 : memref<128xf32, #tpu.memory_space<vmem>>) dst(%dma_wait3A_317 : memref<10240xf32, #tpu.memory_space<vmem_shared>>)
        %sub3A_318 = arith.constant 5 : i32
        %sub3A_319 = arith.subi %scan3A_104, %sub3A_318 : i32
        %add3A_320 = arith.constant 4 : i32
        %add3A_321 = arith.addi %sub3A_319, %add3A_320 : i32
        %jit3A_322 = arith.constant 5 : i32
        %div3A_323 = arith.divsi %add3A_321, %jit3A_322 : i32
        %sign3A_324 = arith.constant 0 : i32
        %sign3A_325 = arith.cmpi sgt, %add3A_321, %sign3A_324 : i32
        %sign3A_326 = arith.extui %sign3A_325 : i1 to i32
        %sign3A_327 = arith.constant 0 : i32
        %sign3A_328 = arith.cmpi slt, %add3A_321, %sign3A_327 : i32
        %sign3A_329 = arith.extui %sign3A_328 : i1 to i32
        %sign3A_330 = arith.subi %sign3A_326, %sign3A_329 : i32
        %sign3A_331 = arith.constant 0 : i32
        %sign3A_332 = arith.cmpi sgt, %jit3A_322, %sign3A_331 : i32
        %sign3A_333 = arith.extui %sign3A_332 : i1 to i32
        %sign3A_334 = arith.constant 0 : i32
        %sign3A_335 = arith.cmpi slt, %jit3A_322, %sign3A_334 : i32
        %sign3A_336 = arith.extui %sign3A_335 : i1 to i32
        %sign3A_337 = arith.subi %sign3A_333, %sign3A_336 : i32
        %ne3A_338 = arith.cmpi ne, %sign3A_330, %sign3A_337 : i32
        %rem3A_339 = arith.remsi %add3A_321, %jit3A_322 : i32
        %ne3A_340 = arith.constant 0 : i32
        %ne3A_341 = arith.cmpi ne, %rem3A_339, %ne3A_340 : i32
        %and3A_342 = arith.andi %ne3A_338, %ne3A_341 : i1
        %sub3A_343 = arith.constant 1 : i32
        %sub3A_344 = arith.subi %div3A_323, %sub3A_343 : i32
        %select_n3A_345 = arith.select %and3A_342, %sub3A_344, %div3A_323 : i32
        %rem3A_346 = arith.constant 5 : i32
        %rem3A_347 = arith.remsi %add3A_321, %rem3A_346 : i32
        %rem3A_348 = arith.constant 2 : i32
        %rem3A_349 = arith.remsi %select_n3A_345, %rem3A_348 : i32
        %dma_wait3A_350 = arith.constant 0 : i32
        %dma_wait3A_351 = tpu.memref_slice %arg6[%rem3A_349, %rem3A_347, %dma_wait3A_350] : memref<2x5x128xi32, #tpu.memory_space<vmem>> -> memref<1x1x128xi32, #tpu.memory_space<vmem>>
        %dma_wait3A_352 = tpu.memref_squeeze %dma_wait3A_351 : memref<1x1x128xi32, #tpu.memory_space<vmem>> -> memref<128xi32, #tpu.memory_space<vmem>>
        %dma_wait3A_353 = arith.constant 0 : i32
        %dma_wait3A_354 = tpu.memref_slice %arg8[%dma_wait3A_353] : memref<10240xf32, #tpu.memory_space<vmem_shared>> -> memref<10240xf32, #tpu.memory_space<vmem_shared>>
        tpu.wait_indirect_dma semaphore(%arg9 : memref<!tpu.dma_semaphore, #tpu.memory_space<semaphore_mem>>) src(%arg7 : memref<128xf32, #tpu.memory_space<vmem>>) dst(%dma_wait3A_354 : memref<10240xf32, #tpu.memory_space<vmem_shared>>)
        %rem3A_355 = arith.constant 2 : i32
        %rem3A_356 = arith.remsi %select_n3A, %rem3A_355 : i32
        %dma_wait3A_357 = arith.constant 0 : i32
        %dma_wait3A_358 = arith.constant 0 : i32
        %dma_wait3A_359 = tpu.memref_slice %arg6[%rem3A_356, %dma_wait3A_357, %dma_wait3A_358] : memref<2x5x128xi32, #tpu.memory_space<vmem>> -> memref<1x5x128xi32, #tpu.memory_space<vmem>>
        %dma_wait3A_360 = tpu.memref_squeeze %dma_wait3A_359 : memref<1x5x128xi32, #tpu.memory_space<vmem>> -> memref<5x128xi32, #tpu.memory_space<vmem>>
        %dma_wait3A_361 = arith.constant 0 : i32
        %dma_wait3A_362 = arith.constant 0 : i32
        %dma_wait3A_363 = tpu.memref_slice %arg2[%add3A, %select_n3A, %dma_wait3A_361, %dma_wait3A_362] : memref<32x16x5x128xi32, #tpu.memory_space<hbm>> -> memref<1x1x5x128xi32, #tpu.memory_space<hbm>>
        %dma_wait3A_364 = tpu.memref_squeeze %dma_wait3A_363 : memref<1x1x5x128xi32, #tpu.memory_space<hbm>> -> memref<5x128xi32, #tpu.memory_space<hbm>>
        %dma_wait3A_365 = arith.constant 0 : i32
        %dma_wait3A_366 = arith.constant 0 : i32
        %dma_wait3A_367 = tpu.memref_slice %arg6[%rem3A_356, %dma_wait3A_365, %dma_wait3A_366] : memref<2x5x128xi32, #tpu.memory_space<vmem>> -> memref<1x5x128xi32, #tpu.memory_space<vmem>>
        %dma_wait3A_368 = tpu.memref_squeeze %dma_wait3A_367 : memref<1x5x128xi32, #tpu.memory_space<vmem>> -> memref<5x128xi32, #tpu.memory_space<vmem>>
        %dma_wait3A_369 = arith.constant 0 : i32
        %dma_wait3A_370 = arith.constant 0 : i32
        %dma_wait3A_371 = tpu.memref_slice %arg2[%add3A, %select_n3A, %dma_wait3A_369, %dma_wait3A_370] : memref<32x16x5x128xi32, #tpu.memory_space<hbm>> -> memref<1x1x5x128xi32, #tpu.memory_space<hbm>>
        %dma_wait3A_372 = tpu.memref_squeeze %dma_wait3A_371 : memref<1x1x5x128xi32, #tpu.memory_space<hbm>> -> memref<5x128xi32, #tpu.memory_space<hbm>>
        tpu.wait_dma2 semaphore(%arg10 : memref<!tpu.dma_semaphore, #tpu.memory_space<semaphore_mem>>) src(%dma_wait3A_372 : memref<5x128xi32, #tpu.memory_space<hbm>>) dst(%dma_wait3A_368 : memref<5x128xi32, #tpu.memory_space<vmem>>)
      } else {
      }
      %eq3A_128 = arith.constant 0 : i32
      %eq3A_129 = arith.cmpi eq, %rem3A_123, %eq3A_128 : i32
      %add3A_130 = arith.constant 1 : i32
      %add3A_131 = arith.addi %select_n3A, %add3A_130 : i32
      %lt3A = arith.constant 16 : i32
      %lt3A_132 = arith.cmpi slt, %add3A_131, %lt3A : i32
      %and3A_133 = arith.andi %eq3A_129, %lt3A_132 : i1
      %convert_element_type3A_134 = arith.extui %and3A_133 : i1 to i32
      %cond3A_135 = arith.constant 0 : i32
      %cond3A_136 = arith.cmpi ne, %convert_element_type3A_134, %cond3A_135 : i32
      scf.if %cond3A_136 {
        %add3A_170 = arith.constant 1 : i32
        %add3A_171 = arith.addi %select_n3A, %add3A_170 : i32
        %add3A_172 = arith.constant 1 : i32
        %add3A_173 = arith.addi %select_n3A, %add3A_172 : i32
        %rem3A_174 = arith.constant 2 : i32
        %rem3A_175 = arith.remsi %add3A_173, %rem3A_174 : i32
        %dma_start3A_176 = arith.constant 0 : i32
        %dma_start3A_177 = arith.constant 0 : i32
        %dma_start3A_178 = tpu.memref_slice %arg6[%rem3A_175, %dma_start3A_176, %dma_start3A_177] : memref<2x5x128xi32, #tpu.memory_space<vmem>> -> memref<1x5x128xi32, #tpu.memory_space<vmem>>
        %dma_start3A_179 = tpu.memref_squeeze %dma_start3A_178 : memref<1x5x128xi32, #tpu.memory_space<vmem>> -> memref<5x128xi32, #tpu.memory_space<vmem>>
        %dma_start3A_180 = arith.constant 0 : i32
        %dma_start3A_181 = arith.constant 0 : i32
        %dma_start3A_182 = tpu.memref_slice %arg2[%add3A, %add3A_171, %dma_start3A_180, %dma_start3A_181] : memref<32x16x5x128xi32, #tpu.memory_space<hbm>> -> memref<1x1x5x128xi32, #tpu.memory_space<hbm>>
        %dma_start3A_183 = tpu.memref_squeeze %dma_start3A_182 : memref<1x1x5x128xi32, #tpu.memory_space<hbm>> -> memref<5x128xi32, #tpu.memory_space<hbm>>
        %dma_start3A_184 = arith.constant 0 : i32
        %dma_start3A_185 = arith.constant 0 : i32
        %dma_start3A_186 = tpu.memref_slice %arg6[%rem3A_175, %dma_start3A_184, %dma_start3A_185] : memref<2x5x128xi32, #tpu.memory_space<vmem>> -> memref<1x5x128xi32, #tpu.memory_space<vmem>>
        %dma_start3A_187 = tpu.memref_squeeze %dma_start3A_186 : memref<1x5x128xi32, #tpu.memory_space<vmem>> -> memref<5x128xi32, #tpu.memory_space<vmem>>
        %dma_start3A_188 = arith.constant 0 : i32
        %dma_start3A_189 = arith.constant 0 : i32
        %dma_start3A_190 = tpu.memref_slice %arg2[%add3A, %add3A_171, %dma_start3A_188, %dma_start3A_189] : memref<32x16x5x128xi32, #tpu.memory_space<hbm>> -> memref<1x1x5x128xi32, #tpu.memory_space<hbm>>
        %dma_start3A_191 = tpu.memref_squeeze %dma_start3A_190 : memref<1x1x5x128xi32, #tpu.memory_space<hbm>> -> memref<5x128xi32, #tpu.memory_space<hbm>>
        tpu.enqueue_dma source(%dma_start3A_191 : memref<5x128xi32, #tpu.memory_space<hbm>>) target(%dma_start3A_187 : memref<5x128xi32, #tpu.memory_space<vmem>>) target_semaphore(%arg10 : memref<!tpu.dma_semaphore, #tpu.memory_space<semaphore_mem>>)
      } else {
      }
      %jit3A_137 = arith.constant 5 : i32
      %div3A_138 = arith.divsi %scan3A_104, %jit3A_137 : i32
      %sign3A_139 = arith.constant 0 : i32
      %sign3A_140 = arith.cmpi sgt, %scan3A_104, %sign3A_139 : i32
      %sign3A_141 = arith.extui %sign3A_140 : i1 to i32
      %sign3A_142 = arith.constant 0 : i32
      %sign3A_143 = arith.cmpi slt, %scan3A_104, %sign3A_142 : i32
      %sign3A_144 = arith.extui %sign3A_143 : i1 to i32
      %sign3A_145 = arith.subi %sign3A_141, %sign3A_144 : i32
      %sign3A_146 = arith.constant 0 : i32
      %sign3A_147 = arith.cmpi sgt, %jit3A_137, %sign3A_146 : i32
      %sign3A_148 = arith.extui %sign3A_147 : i1 to i32
      %sign3A_149 = arith.constant 0 : i32
      %sign3A_150 = arith.cmpi slt, %jit3A_137, %sign3A_149 : i32
      %sign3A_151 = arith.extui %sign3A_150 : i1 to i32
      %sign3A_152 = arith.subi %sign3A_148, %sign3A_151 : i32
      %ne3A_153 = arith.cmpi ne, %sign3A_145, %sign3A_152 : i32
      %rem3A_154 = arith.remsi %scan3A_104, %jit3A_137 : i32
      %ne3A_155 = arith.constant 0 : i32
      %ne3A_156 = arith.cmpi ne, %rem3A_154, %ne3A_155 : i32
      %and3A_157 = arith.andi %ne3A_153, %ne3A_156 : i1
      %sub3A_158 = arith.constant 1 : i32
      %sub3A_159 = arith.subi %div3A_138, %sub3A_158 : i32
      %select_n3A_160 = arith.select %and3A_157, %sub3A_159, %div3A_138 : i32
      %rem3A_161 = arith.constant 5 : i32
      %rem3A_162 = arith.remsi %scan3A_104, %rem3A_161 : i32
      %rem3A_163 = arith.constant 2 : i32
      %rem3A_164 = arith.remsi %select_n3A_160, %rem3A_163 : i32
      %dma_start3A_165 = arith.constant 0 : i32
      %dma_start3A_166 = tpu.memref_slice %arg6[%rem3A_164, %rem3A_162, %dma_start3A_165] : memref<2x5x128xi32, #tpu.memory_space<vmem>> -> memref<1x1x128xi32, #tpu.memory_space<vmem>>
      %dma_start3A_167 = tpu.memref_squeeze %dma_start3A_166 : memref<1x1x128xi32, #tpu.memory_space<vmem>> -> memref<128xi32, #tpu.memory_space<vmem>>
      %dma_start3A_168 = arith.constant 0 : i32
      %dma_start3A_169 = tpu.memref_slice %arg8[%dma_start3A_168] : memref<10240xf32, #tpu.memory_space<vmem_shared>> -> memref<10240xf32, #tpu.memory_space<vmem_shared>>
      tpu.enqueue_indirect_dma source(%arg7 : memref<128xf32, #tpu.memory_space<vmem>>) target(%dma_start3A_169 : memref<10240xf32, #tpu.memory_space<vmem_shared>>) offsets(%dma_start3A_167 : memref<128xi32, #tpu.memory_space<vmem>>) semaphore(%arg9 : memref<!tpu.dma_semaphore, #tpu.memory_space<semaphore_mem>>) {add = true}
    }
    %scan3A_41 = arith.constant 80 : i32
    %rem3A = arith.constant 75 : i32
    %rem3A_42 = arith.constant 5 : i32
    %rem3A_43 = arith.remsi %rem3A, %rem3A_42 : i32
    %rem3A_44 = arith.constant 15 : i32
    %rem3A_45 = arith.constant 2 : i32
    %rem3A_46 = arith.remsi %rem3A_44, %rem3A_45 : i32
    %dma_wait3A_47 = arith.constant 0 : i32
    %dma_wait3A_48 = tpu.memref_slice %arg6[%rem3A_46, %rem3A_43, %dma_wait3A_47] : memref<2x5x128xi32, #tpu.memory_space<vmem>> -> memref<1x1x128xi32, #tpu.memory_space<vmem>>
    %dma_wait3A_49 = tpu.memref_squeeze %dma_wait3A_48 : memref<1x1x128xi32, #tpu.memory_space<vmem>> -> memref<128xi32, #tpu.memory_space<vmem>>
    %dma_wait3A_50 = arith.constant 0 : i32
    %dma_wait3A_51 = tpu.memref_slice %arg8[%dma_wait3A_50] : memref<10240xf32, #tpu.memory_space<vmem_shared>> -> memref<10240xf32, #tpu.memory_space<vmem_shared>>
    tpu.wait_indirect_dma semaphore(%arg9 : memref<!tpu.dma_semaphore, #tpu.memory_space<semaphore_mem>>) src(%arg7 : memref<128xf32, #tpu.memory_space<vmem>>) dst(%dma_wait3A_51 : memref<10240xf32, #tpu.memory_space<vmem_shared>>)
    %rem3A_52 = arith.constant 76 : i32
    %rem3A_53 = arith.constant 5 : i32
    %rem3A_54 = arith.remsi %rem3A_52, %rem3A_53 : i32
    %rem3A_55 = arith.constant 15 : i32
    %rem3A_56 = arith.constant 2 : i32
    %rem3A_57 = arith.remsi %rem3A_55, %rem3A_56 : i32
    %dma_wait3A_58 = arith.constant 0 : i32
    %dma_wait3A_59 = tpu.memref_slice %arg6[%rem3A_57, %rem3A_54, %dma_wait3A_58] : memref<2x5x128xi32, #tpu.memory_space<vmem>> -> memref<1x1x128xi32, #tpu.memory_space<vmem>>
    %dma_wait3A_60 = tpu.memref_squeeze %dma_wait3A_59 : memref<1x1x128xi32, #tpu.memory_space<vmem>> -> memref<128xi32, #tpu.memory_space<vmem>>
    %dma_wait3A_61 = arith.constant 0 : i32
    %dma_wait3A_62 = tpu.memref_slice %arg8[%dma_wait3A_61] : memref<10240xf32, #tpu.memory_space<vmem_shared>> -> memref<10240xf32, #tpu.memory_space<vmem_shared>>
    tpu.wait_indirect_dma semaphore(%arg9 : memref<!tpu.dma_semaphore, #tpu.memory_space<semaphore_mem>>) src(%arg7 : memref<128xf32, #tpu.memory_space<vmem>>) dst(%dma_wait3A_62 : memref<10240xf32, #tpu.memory_space<vmem_shared>>)
    %rem3A_63 = arith.constant 77 : i32
    %rem3A_64 = arith.constant 5 : i32
    %rem3A_65 = arith.remsi %rem3A_63, %rem3A_64 : i32
    %rem3A_66 = arith.constant 15 : i32
    %rem3A_67 = arith.constant 2 : i32
    %rem3A_68 = arith.remsi %rem3A_66, %rem3A_67 : i32
    %dma_wait3A_69 = arith.constant 0 : i32
    %dma_wait3A_70 = tpu.memref_slice %arg6[%rem3A_68, %rem3A_65, %dma_wait3A_69] : memref<2x5x128xi32, #tpu.memory_space<vmem>> -> memref<1x1x128xi32, #tpu.memory_space<vmem>>
    %dma_wait3A_71 = tpu.memref_squeeze %dma_wait3A_70 : memref<1x1x128xi32, #tpu.memory_space<vmem>> -> memref<128xi32, #tpu.memory_space<vmem>>
    %dma_wait3A_72 = arith.constant 0 : i32
    %dma_wait3A_73 = tpu.memref_slice %arg8[%dma_wait3A_72] : memref<10240xf32, #tpu.memory_space<vmem_shared>> -> memref<10240xf32, #tpu.memory_space<vmem_shared>>
    tpu.wait_indirect_dma semaphore(%arg9 : memref<!tpu.dma_semaphore, #tpu.memory_space<semaphore_mem>>) src(%arg7 : memref<128xf32, #tpu.memory_space<vmem>>) dst(%dma_wait3A_73 : memref<10240xf32, #tpu.memory_space<vmem_shared>>)
    %rem3A_74 = arith.constant 78 : i32
    %rem3A_75 = arith.constant 5 : i32
    %rem3A_76 = arith.remsi %rem3A_74, %rem3A_75 : i32
    %rem3A_77 = arith.constant 15 : i32
    %rem3A_78 = arith.constant 2 : i32
    %rem3A_79 = arith.remsi %rem3A_77, %rem3A_78 : i32
    %dma_wait3A_80 = arith.constant 0 : i32
    %dma_wait3A_81 = tpu.memref_slice %arg6[%rem3A_79, %rem3A_76, %dma_wait3A_80] : memref<2x5x128xi32, #tpu.memory_space<vmem>> -> memref<1x1x128xi32, #tpu.memory_space<vmem>>
    %dma_wait3A_82 = tpu.memref_squeeze %dma_wait3A_81 : memref<1x1x128xi32, #tpu.memory_space<vmem>> -> memref<128xi32, #tpu.memory_space<vmem>>
    %dma_wait3A_83 = arith.constant 0 : i32
    %dma_wait3A_84 = tpu.memref_slice %arg8[%dma_wait3A_83] : memref<10240xf32, #tpu.memory_space<vmem_shared>> -> memref<10240xf32, #tpu.memory_space<vmem_shared>>
    tpu.wait_indirect_dma semaphore(%arg9 : memref<!tpu.dma_semaphore, #tpu.memory_space<semaphore_mem>>) src(%arg7 : memref<128xf32, #tpu.memory_space<vmem>>) dst(%dma_wait3A_84 : memref<10240xf32, #tpu.memory_space<vmem_shared>>)
    %rem3A_85 = arith.constant 79 : i32
    %rem3A_86 = arith.constant 5 : i32
    %rem3A_87 = arith.remsi %rem3A_85, %rem3A_86 : i32
    %rem3A_88 = arith.constant 15 : i32
    %rem3A_89 = arith.constant 2 : i32
    %rem3A_90 = arith.remsi %rem3A_88, %rem3A_89 : i32
    %dma_wait3A_91 = arith.constant 0 : i32
    %dma_wait3A_92 = tpu.memref_slice %arg6[%rem3A_90, %rem3A_87, %dma_wait3A_91] : memref<2x5x128xi32, #tpu.memory_space<vmem>> -> memref<1x1x128xi32, #tpu.memory_space<vmem>>
    %dma_wait3A_93 = tpu.memref_squeeze %dma_wait3A_92 : memref<1x1x128xi32, #tpu.memory_space<vmem>> -> memref<128xi32, #tpu.memory_space<vmem>>
    %dma_wait3A_94 = arith.constant 0 : i32
    %dma_wait3A_95 = tpu.memref_slice %arg8[%dma_wait3A_94] : memref<10240xf32, #tpu.memory_space<vmem_shared>> -> memref<10240xf32, #tpu.memory_space<vmem_shared>>
    tpu.wait_indirect_dma semaphore(%arg9 : memref<!tpu.dma_semaphore, #tpu.memory_space<semaphore_mem>>) src(%arg7 : memref<128xf32, #tpu.memory_space<vmem>>) dst(%dma_wait3A_95 : memref<10240xf32, #tpu.memory_space<vmem_shared>>)
    %barrier3A_96 = arith.constant 0 : index
    tpu.barrier barrier_id(%barrier3A_96)
    %mul3A_97 = arith.constant 640 : i32
    %mul3A_98 = arith.muli %arg1, %mul3A_97 : i32
    %mul3A_99 = arith.constant 10240 : i32
    %mul3A_100 = arith.muli %arg0, %mul3A_99 : i32
    %mul3A_101 = arith.constant 640 : i32
    %mul3A_102 = arith.muli %arg1, %mul3A_101 : i32
    %add3A_103 = arith.addi %mul3A_100, %mul3A_102 : i32
    "tpu.region"() ({
      %run_scoped3A = tpu.sem_alloc : memref<!tpu.dma_semaphore, #tpu.memory_space<semaphore_mem>>
      %dma_start3A_104 = tpu.memref_slice %arg5[%add3A_103] : memref<20480xf32, #tpu.memory_space<hbm>> -> memref<640xf32, #tpu.memory_space<hbm>>
      %dma_start3A_105 = tpu.memref_slice %arg8[%mul3A_98] : memref<10240xf32, #tpu.memory_space<vmem_shared>> -> memref<640xf32, #tpu.memory_space<vmem_shared>>
      tpu.enqueue_dma source(%dma_start3A_105 : memref<640xf32, #tpu.memory_space<vmem_shared>>) target(%dma_start3A_104 : memref<640xf32, #tpu.memory_space<hbm>>) target_semaphore(%run_scoped3A : memref<!tpu.dma_semaphore, #tpu.memory_space<semaphore_mem>>)
      %dma_wait3A_106 = tpu.memref_slice %arg5[%add3A_103] : memref<20480xf32, #tpu.memory_space<hbm>> -> memref<640xf32, #tpu.memory_space<hbm>>
      %dma_wait3A_107 = tpu.memref_slice %arg8[%mul3A_98] : memref<10240xf32, #tpu.memory_space<vmem_shared>> -> memref<640xf32, #tpu.memory_space<vmem_shared>>
      tpu.wait_dma2 semaphore(%run_scoped3A : memref<!tpu.dma_semaphore, #tpu.memory_space<semaphore_mem>>) src(%dma_wait3A_107 : memref<640xf32, #tpu.memory_space<vmem_shared>>) dst(%dma_wait3A_106 : memref<640xf32, #tpu.memory_space<hbm>>)
      tpu.yield
    }) : () -> ()
    return
  }
}

#map = affine_map<(d0, d1) -> (0, 0, 0, 0)>
#map1 = affine_map<(d0, d1) -> (0, 0)>
#map2 = affine_map<(d0, d1) -> (0, 0, 0)>
module attributes {stable_mosaic.version = 14 : i64} {
  func.func @k(%arg0: i32, %arg1: i32, %arg2: memref<32x25x5x80xi32, #tpu.memory_space<hbm>>, %arg3: memref<32x25x5x80xi32, #tpu.memory_space<hbm>>, %arg4: memref<10000x128xf32, #tpu.memory_space<hbm>>, %arg5: memref<632x128xf32, #tpu.memory_space<hbm>>, %arg6: memref<2x10112x128xf32, #tpu.memory_space<hbm>>, %arg7: memref<2x5x80xi32, #tpu.memory_space<vmem>>, %arg8: memref<2x5x80xi32, #tpu.memory_space<vmem>>, %arg9: memref<4x80x128xf32, #tpu.memory_space<vmem>>, %arg10: memref<10112x128xf32, #tpu.memory_space<vmem_shared>>, %arg11: memref<!tpu.dma_semaphore, #tpu.memory_space<semaphore_mem>>, %arg12: memref<!tpu.dma_semaphore, #tpu.memory_space<semaphore_mem>>, %arg13: memref<!tpu.dma_semaphore, #tpu.memory_space<semaphore_mem>>) attributes {dimension_semantics = [#tpu.dimension_semantics<core_parallel>, #tpu.dimension_semantics<subcore_parallel>], iteration_bounds = array<i64: 2, 16>, scalar_prefetch = 0 : i64, scratch_operands = 7 : i64, tpu.core_type = #tpu.core_type<sc_vector_subcore>, window_params = [{transform_indices = #map}, {transform_indices = #map}, {transform_indices = #map1}, {transform_indices = #map1}, {transform_indices = #map2}]} {
    %mul3A = arith.constant 16 : i32
    %mul3A_0 = arith.muli %arg0, %mul3A : i32
    %add3A = arith.addi %mul3A_0, %arg1 : i32
    %dma_start3A = arith.constant 0 : i32
    %dma_start3A_1 = arith.constant 0 : i32
    %dma_start3A_2 = arith.constant 0 : i32
    %dma_start3A_3 = arith.constant 0 : i32
    %dma_start3A_4 = tpu.memref_slice %arg7[%dma_start3A_1, %dma_start3A_2, %dma_start3A_3] : memref<2x5x80xi32, #tpu.memory_space<vmem>> -> memref<1x5x80xi32, #tpu.memory_space<vmem>>
    %dma_start3A_5 = tpu.memref_squeeze %dma_start3A_4 : memref<1x5x80xi32, #tpu.memory_space<vmem>> -> memref<5x80xi32, #tpu.memory_space<vmem>>
    %dma_start3A_6 = arith.constant 0 : i32
    %dma_start3A_7 = arith.constant 0 : i32
    %dma_start3A_8 = tpu.memref_slice %arg2[%add3A, %dma_start3A, %dma_start3A_6, %dma_start3A_7] : memref<32x25x5x80xi32, #tpu.memory_space<hbm>> -> memref<1x1x5x80xi32, #tpu.memory_space<hbm>>
    %dma_start3A_9 = tpu.memref_squeeze %dma_start3A_8 : memref<1x1x5x80xi32, #tpu.memory_space<hbm>> -> memref<5x80xi32, #tpu.memory_space<hbm>>
    %dma_start3A_10 = arith.constant 0 : i32
    %dma_start3A_11 = arith.constant 0 : i32
    %dma_start3A_12 = tpu.memref_slice %arg7[%dma_start3A_1, %dma_start3A_10, %dma_start3A_11] : memref<2x5x80xi32, #tpu.memory_space<vmem>> -> memref<1x5x80xi32, #tpu.memory_space<vmem>>
    %dma_start3A_13 = tpu.memref_squeeze %dma_start3A_12 : memref<1x5x80xi32, #tpu.memory_space<vmem>> -> memref<5x80xi32, #tpu.memory_space<vmem>>
    %dma_start3A_14 = arith.constant 0 : i32
    %dma_start3A_15 = arith.constant 0 : i32
    %dma_start3A_16 = tpu.memref_slice %arg2[%add3A, %dma_start3A, %dma_start3A_14, %dma_start3A_15] : memref<32x25x5x80xi32, #tpu.memory_space<hbm>> -> memref<1x1x5x80xi32, #tpu.memory_space<hbm>>
    %dma_start3A_17 = tpu.memref_squeeze %dma_start3A_16 : memref<1x1x5x80xi32, #tpu.memory_space<hbm>> -> memref<5x80xi32, #tpu.memory_space<hbm>>
    tpu.enqueue_dma source(%dma_start3A_17 : memref<5x80xi32, #tpu.memory_space<hbm>>) target(%dma_start3A_13 : memref<5x80xi32, #tpu.memory_space<vmem>>) target_semaphore(%arg13 : memref<!tpu.dma_semaphore, #tpu.memory_space<semaphore_mem>>)
    %dma_start3A_18 = arith.constant 0 : i32
    %dma_start3A_19 = arith.constant 0 : i32
    %dma_start3A_20 = arith.constant 0 : i32
    %dma_start3A_21 = arith.constant 0 : i32
    %dma_start3A_22 = tpu.memref_slice %arg8[%dma_start3A_19, %dma_start3A_20, %dma_start3A_21] : memref<2x5x80xi32, #tpu.memory_space<vmem>> -> memref<1x5x80xi32, #tpu.memory_space<vmem>>
    %dma_start3A_23 = tpu.memref_squeeze %dma_start3A_22 : memref<1x5x80xi32, #tpu.memory_space<vmem>> -> memref<5x80xi32, #tpu.memory_space<vmem>>
    %dma_start3A_24 = arith.constant 0 : i32
    %dma_start3A_25 = arith.constant 0 : i32
    %dma_start3A_26 = tpu.memref_slice %arg3[%add3A, %dma_start3A_18, %dma_start3A_24, %dma_start3A_25] : memref<32x25x5x80xi32, #tpu.memory_space<hbm>> -> memref<1x1x5x80xi32, #tpu.memory_space<hbm>>
    %dma_start3A_27 = tpu.memref_squeeze %dma_start3A_26 : memref<1x1x5x80xi32, #tpu.memory_space<hbm>> -> memref<5x80xi32, #tpu.memory_space<hbm>>
    %dma_start3A_28 = arith.constant 0 : i32
    %dma_start3A_29 = arith.constant 0 : i32
    %dma_start3A_30 = tpu.memref_slice %arg8[%dma_start3A_19, %dma_start3A_28, %dma_start3A_29] : memref<2x5x80xi32, #tpu.memory_space<vmem>> -> memref<1x5x80xi32, #tpu.memory_space<vmem>>
    %dma_start3A_31 = tpu.memref_squeeze %dma_start3A_30 : memref<1x5x80xi32, #tpu.memory_space<vmem>> -> memref<5x80xi32, #tpu.memory_space<vmem>>
    %dma_start3A_32 = arith.constant 0 : i32
    %dma_start3A_33 = arith.constant 0 : i32
    %dma_start3A_34 = tpu.memref_slice %arg3[%add3A, %dma_start3A_18, %dma_start3A_32, %dma_start3A_33] : memref<32x25x5x80xi32, #tpu.memory_space<hbm>> -> memref<1x1x5x80xi32, #tpu.memory_space<hbm>>
    %dma_start3A_35 = tpu.memref_squeeze %dma_start3A_34 : memref<1x1x5x80xi32, #tpu.memory_space<hbm>> -> memref<5x80xi32, #tpu.memory_space<hbm>>
    tpu.enqueue_dma source(%dma_start3A_35 : memref<5x80xi32, #tpu.memory_space<hbm>>) target(%dma_start3A_31 : memref<5x80xi32, #tpu.memory_space<vmem>>) target_semaphore(%arg13 : memref<!tpu.dma_semaphore, #tpu.memory_space<semaphore_mem>>)
    %dma_wait3A = arith.constant 0 : i32
    %dma_wait3A_36 = arith.constant 0 : i32
    %dma_wait3A_37 = arith.constant 0 : i32
    %dma_wait3A_38 = arith.constant 0 : i32
    %dma_wait3A_39 = tpu.memref_slice %arg7[%dma_wait3A_36, %dma_wait3A_37, %dma_wait3A_38] : memref<2x5x80xi32, #tpu.memory_space<vmem>> -> memref<1x5x80xi32, #tpu.memory_space<vmem>>
    %dma_wait3A_40 = tpu.memref_squeeze %dma_wait3A_39 : memref<1x5x80xi32, #tpu.memory_space<vmem>> -> memref<5x80xi32, #tpu.memory_space<vmem>>
    %dma_wait3A_41 = arith.constant 0 : i32
    %dma_wait3A_42 = arith.constant 0 : i32
    %dma_wait3A_43 = tpu.memref_slice %arg2[%add3A, %dma_wait3A, %dma_wait3A_41, %dma_wait3A_42] : memref<32x25x5x80xi32, #tpu.memory_space<hbm>> -> memref<1x1x5x80xi32, #tpu.memory_space<hbm>>
    %dma_wait3A_44 = tpu.memref_squeeze %dma_wait3A_43 : memref<1x1x5x80xi32, #tpu.memory_space<hbm>> -> memref<5x80xi32, #tpu.memory_space<hbm>>
    %dma_wait3A_45 = arith.constant 0 : i32
    %dma_wait3A_46 = arith.constant 0 : i32
    %dma_wait3A_47 = tpu.memref_slice %arg7[%dma_wait3A_36, %dma_wait3A_45, %dma_wait3A_46] : memref<2x5x80xi32, #tpu.memory_space<vmem>> -> memref<1x5x80xi32, #tpu.memory_space<vmem>>
    %dma_wait3A_48 = tpu.memref_squeeze %dma_wait3A_47 : memref<1x5x80xi32, #tpu.memory_space<vmem>> -> memref<5x80xi32, #tpu.memory_space<vmem>>
    %dma_wait3A_49 = arith.constant 0 : i32
    %dma_wait3A_50 = arith.constant 0 : i32
    %dma_wait3A_51 = tpu.memref_slice %arg2[%add3A, %dma_wait3A, %dma_wait3A_49, %dma_wait3A_50] : memref<32x25x5x80xi32, #tpu.memory_space<hbm>> -> memref<1x1x5x80xi32, #tpu.memory_space<hbm>>
    %dma_wait3A_52 = tpu.memref_squeeze %dma_wait3A_51 : memref<1x1x5x80xi32, #tpu.memory_space<hbm>> -> memref<5x80xi32, #tpu.memory_space<hbm>>
    tpu.wait_dma2 semaphore(%arg13 : memref<!tpu.dma_semaphore, #tpu.memory_space<semaphore_mem>>) src(%dma_wait3A_52 : memref<5x80xi32, #tpu.memory_space<hbm>>) dst(%dma_wait3A_48 : memref<5x80xi32, #tpu.memory_space<vmem>>)
    %dma_wait3A_53 = arith.constant 0 : i32
    %dma_wait3A_54 = arith.constant 0 : i32
    %dma_wait3A_55 = arith.constant 0 : i32
    %dma_wait3A_56 = arith.constant 0 : i32
    %dma_wait3A_57 = tpu.memref_slice %arg8[%dma_wait3A_54, %dma_wait3A_55, %dma_wait3A_56] : memref<2x5x80xi32, #tpu.memory_space<vmem>> -> memref<1x5x80xi32, #tpu.memory_space<vmem>>
    %dma_wait3A_58 = tpu.memref_squeeze %dma_wait3A_57 : memref<1x5x80xi32, #tpu.memory_space<vmem>> -> memref<5x80xi32, #tpu.memory_space<vmem>>
    %dma_wait3A_59 = arith.constant 0 : i32
    %dma_wait3A_60 = arith.constant 0 : i32
    %dma_wait3A_61 = tpu.memref_slice %arg3[%add3A, %dma_wait3A_53, %dma_wait3A_59, %dma_wait3A_60] : memref<32x25x5x80xi32, #tpu.memory_space<hbm>> -> memref<1x1x5x80xi32, #tpu.memory_space<hbm>>
    %dma_wait3A_62 = tpu.memref_squeeze %dma_wait3A_61 : memref<1x1x5x80xi32, #tpu.memory_space<hbm>> -> memref<5x80xi32, #tpu.memory_space<hbm>>
    %dma_wait3A_63 = arith.constant 0 : i32
    %dma_wait3A_64 = arith.constant 0 : i32
    %dma_wait3A_65 = tpu.memref_slice %arg8[%dma_wait3A_54, %dma_wait3A_63, %dma_wait3A_64] : memref<2x5x80xi32, #tpu.memory_space<vmem>> -> memref<1x5x80xi32, #tpu.memory_space<vmem>>
    %dma_wait3A_66 = tpu.memref_squeeze %dma_wait3A_65 : memref<1x5x80xi32, #tpu.memory_space<vmem>> -> memref<5x80xi32, #tpu.memory_space<vmem>>
    %dma_wait3A_67 = arith.constant 0 : i32
    %dma_wait3A_68 = arith.constant 0 : i32
    %dma_wait3A_69 = tpu.memref_slice %arg3[%add3A, %dma_wait3A_53, %dma_wait3A_67, %dma_wait3A_68] : memref<32x25x5x80xi32, #tpu.memory_space<hbm>> -> memref<1x1x5x80xi32, #tpu.memory_space<hbm>>
    %dma_wait3A_70 = tpu.memref_squeeze %dma_wait3A_69 : memref<1x1x5x80xi32, #tpu.memory_space<hbm>> -> memref<5x80xi32, #tpu.memory_space<hbm>>
    tpu.wait_dma2 semaphore(%arg13 : memref<!tpu.dma_semaphore, #tpu.memory_space<semaphore_mem>>) src(%dma_wait3A_70 : memref<5x80xi32, #tpu.memory_space<hbm>>) dst(%dma_wait3A_66 : memref<5x80xi32, #tpu.memory_space<vmem>>)
    %rem3A = arith.constant 0 : i32
    %rem3A_71 = arith.constant 5 : i32
    %rem3A_72 = arith.remsi %rem3A, %rem3A_71 : i32
    %rem3A_73 = arith.constant 0 : i32
    %rem3A_74 = arith.constant 2 : i32
    %rem3A_75 = arith.remsi %rem3A_73, %rem3A_74 : i32
    %rem3A_76 = arith.constant 0 : i32
    %rem3A_77 = arith.constant 4 : i32
    %rem3A_78 = arith.remsi %rem3A_76, %rem3A_77 : i32
    %dma_start3A_79 = arith.constant 0 : i32
    %dma_start3A_80 = arith.constant 0 : i32
    %dma_start3A_81 = tpu.memref_slice %arg9[%rem3A_78, %dma_start3A_79, %dma_start3A_80] : memref<4x80x128xf32, #tpu.memory_space<vmem>> -> memref<1x80x128xf32, #tpu.memory_space<vmem>>
    %dma_start3A_82 = tpu.memref_squeeze %dma_start3A_81 : memref<1x80x128xf32, #tpu.memory_space<vmem>> -> memref<80x128xf32, #tpu.memory_space<vmem>>
    %dma_start3A_83 = arith.constant 0 : i32
    %dma_start3A_84 = tpu.memref_slice %arg7[%rem3A_75, %rem3A_72, %dma_start3A_83] : memref<2x5x80xi32, #tpu.memory_space<vmem>> -> memref<1x1x80xi32, #tpu.memory_space<vmem>>
    %dma_start3A_85 = tpu.memref_squeeze %dma_start3A_84 : memref<1x1x80xi32, #tpu.memory_space<vmem>> -> memref<80xi32, #tpu.memory_space<vmem>>
    %dma_start3A_86 = arith.constant 0 : i32
    %dma_start3A_87 = arith.constant 0 : i32
    %dma_start3A_88 = tpu.memref_slice %arg4[%dma_start3A_86, %dma_start3A_87] : memref<10000x128xf32, #tpu.memory_space<hbm>> -> memref<10000x128xf32, #tpu.memory_space<hbm>>
    tpu.enqueue_indirect_dma source(%dma_start3A_88 : memref<10000x128xf32, #tpu.memory_space<hbm>>) target(%dma_start3A_82 : memref<80x128xf32, #tpu.memory_space<vmem>>) offsets(%dma_start3A_85 : memref<80xi32, #tpu.memory_space<vmem>>) semaphore(%arg11 : memref<!tpu.dma_semaphore, #tpu.memory_space<semaphore_mem>>)
    %rem3A_89 = arith.constant 1 : i32
    %rem3A_90 = arith.constant 5 : i32
    %rem3A_91 = arith.remsi %rem3A_89, %rem3A_90 : i32
    %rem3A_92 = arith.constant 0 : i32
    %rem3A_93 = arith.constant 2 : i32
    %rem3A_94 = arith.remsi %rem3A_92, %rem3A_93 : i32
    %rem3A_95 = arith.constant 1 : i32
    %rem3A_96 = arith.constant 4 : i32
    %rem3A_97 = arith.remsi %rem3A_95, %rem3A_96 : i32
    %dma_start3A_98 = arith.constant 0 : i32
    %dma_start3A_99 = arith.constant 0 : i32
    %dma_start3A_100 = tpu.memref_slice %arg9[%rem3A_97, %dma_start3A_98, %dma_start3A_99] : memref<4x80x128xf32, #tpu.memory_space<vmem>> -> memref<1x80x128xf32, #tpu.memory_space<vmem>>
    %dma_start3A_101 = tpu.memref_squeeze %dma_start3A_100 : memref<1x80x128xf32, #tpu.memory_space<vmem>> -> memref<80x128xf32, #tpu.memory_space<vmem>>
    %dma_start3A_102 = arith.constant 0 : i32
    %dma_start3A_103 = tpu.memref_slice %arg7[%rem3A_94, %rem3A_91, %dma_start3A_102] : memref<2x5x80xi32, #tpu.memory_space<vmem>> -> memref<1x1x80xi32, #tpu.memory_space<vmem>>
    %dma_start3A_104 = tpu.memref_squeeze %dma_start3A_103 : memref<1x1x80xi32, #tpu.memory_space<vmem>> -> memref<80xi32, #tpu.memory_space<vmem>>
    %dma_start3A_105 = arith.constant 0 : i32
    %dma_start3A_106 = arith.constant 0 : i32
    %dma_start3A_107 = tpu.memref_slice %arg4[%dma_start3A_105, %dma_start3A_106] : memref<10000x128xf32, #tpu.memory_space<hbm>> -> memref<10000x128xf32, #tpu.memory_space<hbm>>
    tpu.enqueue_indirect_dma source(%dma_start3A_107 : memref<10000x128xf32, #tpu.memory_space<hbm>>) target(%dma_start3A_101 : memref<80x128xf32, #tpu.memory_space<vmem>>) offsets(%dma_start3A_104 : memref<80xi32, #tpu.memory_space<vmem>>) semaphore(%arg11 : memref<!tpu.dma_semaphore, #tpu.memory_space<semaphore_mem>>)
    %rem3A_108 = arith.constant 2 : i32
    %rem3A_109 = arith.constant 5 : i32
    %rem3A_110 = arith.remsi %rem3A_108, %rem3A_109 : i32
    %rem3A_111 = arith.constant 0 : i32
    %rem3A_112 = arith.constant 2 : i32
    %rem3A_113 = arith.remsi %rem3A_111, %rem3A_112 : i32
    %rem3A_114 = arith.constant 2 : i32
    %rem3A_115 = arith.constant 4 : i32
    %rem3A_116 = arith.remsi %rem3A_114, %rem3A_115 : i32
    %dma_start3A_117 = arith.constant 0 : i32
    %dma_start3A_118 = arith.constant 0 : i32
    %dma_start3A_119 = tpu.memref_slice %arg9[%rem3A_116, %dma_start3A_117, %dma_start3A_118] : memref<4x80x128xf32, #tpu.memory_space<vmem>> -> memref<1x80x128xf32, #tpu.memory_space<vmem>>
    %dma_start3A_120 = tpu.memref_squeeze %dma_start3A_119 : memref<1x80x128xf32, #tpu.memory_space<vmem>> -> memref<80x128xf32, #tpu.memory_space<vmem>>
    %dma_start3A_121 = arith.constant 0 : i32
    %dma_start3A_122 = tpu.memref_slice %arg7[%rem3A_113, %rem3A_110, %dma_start3A_121] : memref<2x5x80xi32, #tpu.memory_space<vmem>> -> memref<1x1x80xi32, #tpu.memory_space<vmem>>
    %dma_start3A_123 = tpu.memref_squeeze %dma_start3A_122 : memref<1x1x80xi32, #tpu.memory_space<vmem>> -> memref<80xi32, #tpu.memory_space<vmem>>
    %dma_start3A_124 = arith.constant 0 : i32
    %dma_start3A_125 = arith.constant 0 : i32
    %dma_start3A_126 = tpu.memref_slice %arg4[%dma_start3A_124, %dma_start3A_125] : memref<10000x128xf32, #tpu.memory_space<hbm>> -> memref<10000x128xf32, #tpu.memory_space<hbm>>
    tpu.enqueue_indirect_dma source(%dma_start3A_126 : memref<10000x128xf32, #tpu.memory_space<hbm>>) target(%dma_start3A_120 : memref<80x128xf32, #tpu.memory_space<vmem>>) offsets(%dma_start3A_123 : memref<80xi32, #tpu.memory_space<vmem>>) semaphore(%arg11 : memref<!tpu.dma_semaphore, #tpu.memory_space<semaphore_mem>>)
    %mul3A_127 = arith.constant 632 : i32
    %mul3A_128 = arith.muli %arg1, %mul3A_127 : i32
    "tpu.region"() ({
      %run_scoped3A = tpu.sem_alloc : memref<!tpu.dma_semaphore, #tpu.memory_space<semaphore_mem>>
      %dma_start3A_215 = arith.constant 0 : i32
      %dma_start3A_216 = tpu.memref_slice %arg10[%mul3A_128, %dma_start3A_215] : memref<10112x128xf32, #tpu.memory_space<vmem_shared>> -> memref<632x128xf32, #tpu.memory_space<vmem_shared>>
      tpu.enqueue_dma source(%arg5 : memref<632x128xf32, #tpu.memory_space<hbm>>) target(%dma_start3A_216 : memref<632x128xf32, #tpu.memory_space<vmem_shared>>) target_semaphore(%run_scoped3A : memref<!tpu.dma_semaphore, #tpu.memory_space<semaphore_mem>>)
      %dma_wait3A_217 = arith.constant 0 : i32
      %dma_wait3A_218 = tpu.memref_slice %arg10[%mul3A_128, %dma_wait3A_217] : memref<10112x128xf32, #tpu.memory_space<vmem_shared>> -> memref<632x128xf32, #tpu.memory_space<vmem_shared>>
      tpu.wait_dma2 semaphore(%run_scoped3A : memref<!tpu.dma_semaphore, #tpu.memory_space<semaphore_mem>>) src(%arg5 : memref<632x128xf32, #tpu.memory_space<hbm>>) dst(%dma_wait3A_218 : memref<632x128xf32, #tpu.memory_space<vmem_shared>>)
      tpu.yield
    }) : () -> ()
    %barrier3A = arith.constant 0 : index
    tpu.barrier barrier_id(%barrier3A)
    %scan3A = arith.constant 0 : i32
    %scan3A_129 = arith.constant 0 : i32
    %scan3A_130 = arith.constant 125 : i32
    %scan3A_131 = arith.addi %scan3A_129, %scan3A_130 : i32
    %scan3A_132 = arith.constant 1 : i32
    scf.for %scan3A_215 = %scan3A_129 to %scan3A_131 step %scan3A_132  : i32 {
      %jit3A = arith.constant 5 : i32
      %div3A = arith.divsi %scan3A_215, %jit3A : i32
      %sign3A = arith.constant 0 : i32
      %sign3A_216 = arith.cmpi sgt, %scan3A_215, %sign3A : i32
      %sign3A_217 = arith.extui %sign3A_216 : i1 to i32
      %sign3A_218 = arith.constant 0 : i32
      %sign3A_219 = arith.cmpi slt, %scan3A_215, %sign3A_218 : i32
      %sign3A_220 = arith.extui %sign3A_219 : i1 to i32
      %sign3A_221 = arith.subi %sign3A_217, %sign3A_220 : i32
      %sign3A_222 = arith.constant 0 : i32
      %sign3A_223 = arith.cmpi sgt, %jit3A, %sign3A_222 : i32
      %sign3A_224 = arith.extui %sign3A_223 : i1 to i32
      %sign3A_225 = arith.constant 0 : i32
      %sign3A_226 = arith.cmpi slt, %jit3A, %sign3A_225 : i32
      %sign3A_227 = arith.extui %sign3A_226 : i1 to i32
      %sign3A_228 = arith.subi %sign3A_224, %sign3A_227 : i32
      %ne3A = arith.cmpi ne, %sign3A_221, %sign3A_228 : i32
      %rem3A_229 = arith.remsi %scan3A_215, %jit3A : i32
      %ne3A_230 = arith.constant 0 : i32
      %ne3A_231 = arith.cmpi ne, %rem3A_229, %ne3A_230 : i32
      %and3A = arith.andi %ne3A, %ne3A_231 : i1
      %sub3A = arith.constant 1 : i32
      %sub3A_232 = arith.subi %div3A, %sub3A : i32
      %select_n3A = arith.select %and3A, %sub3A_232, %div3A : i32
      %rem3A_233 = arith.constant 5 : i32
      %rem3A_234 = arith.remsi %scan3A_215, %rem3A_233 : i32
      %add3A_235 = arith.constant 3 : i32
      %add3A_236 = arith.addi %scan3A_215, %add3A_235 : i32
      %jit3A_237 = arith.constant 5 : i32
      %div3A_238 = arith.divsi %add3A_236, %jit3A_237 : i32
      %sign3A_239 = arith.constant 0 : i32
      %sign3A_240 = arith.cmpi sgt, %add3A_236, %sign3A_239 : i32
      %sign3A_241 = arith.extui %sign3A_240 : i1 to i32
      %sign3A_242 = arith.constant 0 : i32
      %sign3A_243 = arith.cmpi slt, %add3A_236, %sign3A_242 : i32
      %sign3A_244 = arith.extui %sign3A_243 : i1 to i32
      %sign3A_245 = arith.subi %sign3A_241, %sign3A_244 : i32
      %sign3A_246 = arith.constant 0 : i32
      %sign3A_247 = arith.cmpi sgt, %jit3A_237, %sign3A_246 : i32
      %sign3A_248 = arith.extui %sign3A_247 : i1 to i32
      %sign3A_249 = arith.constant 0 : i32
      %sign3A_250 = arith.cmpi slt, %jit3A_237, %sign3A_249 : i32
      %sign3A_251 = arith.extui %sign3A_250 : i1 to i32
      %sign3A_252 = arith.subi %sign3A_248, %sign3A_251 : i32
      %ne3A_253 = arith.cmpi ne, %sign3A_245, %sign3A_252 : i32
      %rem3A_254 = arith.remsi %add3A_236, %jit3A_237 : i32
      %ne3A_255 = arith.constant 0 : i32
      %ne3A_256 = arith.cmpi ne, %rem3A_254, %ne3A_255 : i32
      %and3A_257 = arith.andi %ne3A_253, %ne3A_256 : i1
      %sub3A_258 = arith.constant 1 : i32
      %sub3A_259 = arith.subi %div3A_238, %sub3A_258 : i32
      %select_n3A_260 = arith.select %and3A_257, %sub3A_259, %div3A_238 : i32
      %jit3A_261 = arith.constant 5 : i32
      %div3A_262 = arith.divsi %scan3A_215, %jit3A_261 : i32
      %sign3A_263 = arith.constant 0 : i32
      %sign3A_264 = arith.cmpi sgt, %scan3A_215, %sign3A_263 : i32
      %sign3A_265 = arith.extui %sign3A_264 : i1 to i32
      %sign3A_266 = arith.constant 0 : i32
      %sign3A_267 = arith.cmpi slt, %scan3A_215, %sign3A_266 : i32
      %sign3A_268 = arith.extui %sign3A_267 : i1 to i32
      %sign3A_269 = arith.subi %sign3A_265, %sign3A_268 : i32
      %sign3A_270 = arith.constant 0 : i32
      %sign3A_271 = arith.cmpi sgt, %jit3A_261, %sign3A_270 : i32
      %sign3A_272 = arith.extui %sign3A_271 : i1 to i32
      %sign3A_273 = arith.constant 0 : i32
      %sign3A_274 = arith.cmpi slt, %jit3A_261, %sign3A_273 : i32
      %sign3A_275 = arith.extui %sign3A_274 : i1 to i32
      %sign3A_276 = arith.subi %sign3A_272, %sign3A_275 : i32
      %ne3A_277 = arith.cmpi ne, %sign3A_269, %sign3A_276 : i32
      %rem3A_278 = arith.remsi %scan3A_215, %jit3A_261 : i32
      %ne3A_279 = arith.constant 0 : i32
      %ne3A_280 = arith.cmpi ne, %rem3A_278, %ne3A_279 : i32
      %and3A_281 = arith.andi %ne3A_277, %ne3A_280 : i1
      %sub3A_282 = arith.constant 1 : i32
      %sub3A_283 = arith.subi %div3A_262, %sub3A_282 : i32
      %select_n3A_284 = arith.select %and3A_281, %sub3A_283, %div3A_262 : i32
      %rem3A_285 = arith.constant 5 : i32
      %rem3A_286 = arith.remsi %scan3A_215, %rem3A_285 : i32
      %rem3A_287 = arith.constant 2 : i32
      %rem3A_288 = arith.remsi %select_n3A_284, %rem3A_287 : i32
      %rem3A_289 = arith.constant 4 : i32
      %rem3A_290 = arith.remsi %scan3A_215, %rem3A_289 : i32
      %dma_wait3A_291 = arith.constant 0 : i32
      %dma_wait3A_292 = arith.constant 0 : i32
      %dma_wait3A_293 = tpu.memref_slice %arg9[%rem3A_290, %dma_wait3A_291, %dma_wait3A_292] : memref<4x80x128xf32, #tpu.memory_space<vmem>> -> memref<1x80x128xf32, #tpu.memory_space<vmem>>
      %dma_wait3A_294 = tpu.memref_squeeze %dma_wait3A_293 : memref<1x80x128xf32, #tpu.memory_space<vmem>> -> memref<80x128xf32, #tpu.memory_space<vmem>>
      %dma_wait3A_295 = arith.constant 0 : i32
      %dma_wait3A_296 = tpu.memref_slice %arg7[%rem3A_288, %rem3A_286, %dma_wait3A_295] : memref<2x5x80xi32, #tpu.memory_space<vmem>> -> memref<1x1x80xi32, #tpu.memory_space<vmem>>
      %dma_wait3A_297 = tpu.memref_squeeze %dma_wait3A_296 : memref<1x1x80xi32, #tpu.memory_space<vmem>> -> memref<80xi32, #tpu.memory_space<vmem>>
      %dma_wait3A_298 = arith.constant 0 : i32
      %dma_wait3A_299 = arith.constant 0 : i32
      %dma_wait3A_300 = tpu.memref_slice %arg4[%dma_wait3A_298, %dma_wait3A_299] : memref<10000x128xf32, #tpu.memory_space<hbm>> -> memref<10000x128xf32, #tpu.memory_space<hbm>>
      tpu.wait_indirect_dma semaphore(%arg11 : memref<!tpu.dma_semaphore, #tpu.memory_space<semaphore_mem>>) src(%dma_wait3A_300 : memref<10000x128xf32, #tpu.memory_space<hbm>>) dst(%dma_wait3A_294 : memref<80x128xf32, #tpu.memory_space<vmem>>)
      %eq3A = arith.constant 0 : i32
      %eq3A_301 = arith.cmpi eq, %rem3A_234, %eq3A : i32
      %add3A_302 = arith.constant 1 : i32
      %add3A_303 = arith.addi %select_n3A, %add3A_302 : i32
      %lt3A = arith.constant 25 : i32
      %lt3A_304 = arith.cmpi slt, %add3A_303, %lt3A : i32
      %and3A_305 = arith.andi %eq3A_301, %lt3A_304 : i1
      %convert_element_type3A = arith.extui %and3A_305 : i1 to i32
      %cond3A = arith.constant 0 : i32
      %cond3A_306 = arith.cmpi ne, %convert_element_type3A, %cond3A : i32
      scf.if %cond3A_306 {
        %add3A_366 = arith.constant 1 : i32
        %add3A_367 = arith.addi %select_n3A, %add3A_366 : i32
        %add3A_368 = arith.constant 1 : i32
        %add3A_369 = arith.addi %select_n3A, %add3A_368 : i32
        %rem3A_370 = arith.constant 2 : i32
        %rem3A_371 = arith.remsi %add3A_369, %rem3A_370 : i32
        %dma_start3A_372 = arith.constant 0 : i32
        %dma_start3A_373 = arith.constant 0 : i32
        %dma_start3A_374 = tpu.memref_slice %arg7[%rem3A_371, %dma_start3A_372, %dma_start3A_373] : memref<2x5x80xi32, #tpu.memory_space<vmem>> -> memref<1x5x80xi32, #tpu.memory_space<vmem>>
        %dma_start3A_375 = tpu.memref_squeeze %dma_start3A_374 : memref<1x5x80xi32, #tpu.memory_space<vmem>> -> memref<5x80xi32, #tpu.memory_space<vmem>>
        %dma_start3A_376 = arith.constant 0 : i32
        %dma_start3A_377 = arith.constant 0 : i32
        %dma_start3A_378 = tpu.memref_slice %arg2[%add3A, %add3A_367, %dma_start3A_376, %dma_start3A_377] : memref<32x25x5x80xi32, #tpu.memory_space<hbm>> -> memref<1x1x5x80xi32, #tpu.memory_space<hbm>>
        %dma_start3A_379 = tpu.memref_squeeze %dma_start3A_378 : memref<1x1x5x80xi32, #tpu.memory_space<hbm>> -> memref<5x80xi32, #tpu.memory_space<hbm>>
        %dma_start3A_380 = arith.constant 0 : i32
        %dma_start3A_381 = arith.constant 0 : i32
        %dma_start3A_382 = tpu.memref_slice %arg7[%rem3A_371, %dma_start3A_380, %dma_start3A_381] : memref<2x5x80xi32, #tpu.memory_space<vmem>> -> memref<1x5x80xi32, #tpu.memory_space<vmem>>
        %dma_start3A_383 = tpu.memref_squeeze %dma_start3A_382 : memref<1x5x80xi32, #tpu.memory_space<vmem>> -> memref<5x80xi32, #tpu.memory_space<vmem>>
        %dma_start3A_384 = arith.constant 0 : i32
        %dma_start3A_385 = arith.constant 0 : i32
        %dma_start3A_386 = tpu.memref_slice %arg2[%add3A, %add3A_367, %dma_start3A_384, %dma_start3A_385] : memref<32x25x5x80xi32, #tpu.memory_space<hbm>> -> memref<1x1x5x80xi32, #tpu.memory_space<hbm>>
        %dma_start3A_387 = tpu.memref_squeeze %dma_start3A_386 : memref<1x1x5x80xi32, #tpu.memory_space<hbm>> -> memref<5x80xi32, #tpu.memory_space<hbm>>
        tpu.enqueue_dma source(%dma_start3A_387 : memref<5x80xi32, #tpu.memory_space<hbm>>) target(%dma_start3A_383 : memref<5x80xi32, #tpu.memory_space<vmem>>) target_semaphore(%arg13 : memref<!tpu.dma_semaphore, #tpu.memory_space<semaphore_mem>>)
        %dma_start3A_388 = arith.constant 0 : i32
        %dma_start3A_389 = arith.constant 0 : i32
        %dma_start3A_390 = tpu.memref_slice %arg8[%rem3A_371, %dma_start3A_388, %dma_start3A_389] : memref<2x5x80xi32, #tpu.memory_space<vmem>> -> memref<1x5x80xi32, #tpu.memory_space<vmem>>
        %dma_start3A_391 = tpu.memref_squeeze %dma_start3A_390 : memref<1x5x80xi32, #tpu.memory_space<vmem>> -> memref<5x80xi32, #tpu.memory_space<vmem>>
        %dma_start3A_392 = arith.constant 0 : i32
        %dma_start3A_393 = arith.constant 0 : i32
        %dma_start3A_394 = tpu.memref_slice %arg3[%add3A, %add3A_367, %dma_start3A_392, %dma_start3A_393] : memref<32x25x5x80xi32, #tpu.memory_space<hbm>> -> memref<1x1x5x80xi32, #tpu.memory_space<hbm>>
        %dma_start3A_395 = tpu.memref_squeeze %dma_start3A_394 : memref<1x1x5x80xi32, #tpu.memory_space<hbm>> -> memref<5x80xi32, #tpu.memory_space<hbm>>
        %dma_start3A_396 = arith.constant 0 : i32
        %dma_start3A_397 = arith.constant 0 : i32
        %dma_start3A_398 = tpu.memref_slice %arg8[%rem3A_371, %dma_start3A_396, %dma_start3A_397] : memref<2x5x80xi32, #tpu.memory_space<vmem>> -> memref<1x5x80xi32, #tpu.memory_space<vmem>>
        %dma_start3A_399 = tpu.memref_squeeze %dma_start3A_398 : memref<1x5x80xi32, #tpu.memory_space<vmem>> -> memref<5x80xi32, #tpu.memory_space<vmem>>
        %dma_start3A_400 = arith.constant 0 : i32
        %dma_start3A_401 = arith.constant 0 : i32
        %dma_start3A_402 = tpu.memref_slice %arg3[%add3A, %add3A_367, %dma_start3A_400, %dma_start3A_401] : memref<32x25x5x80xi32, #tpu.memory_space<hbm>> -> memref<1x1x5x80xi32, #tpu.memory_space<hbm>>
        %dma_start3A_403 = tpu.memref_squeeze %dma_start3A_402 : memref<1x1x5x80xi32, #tpu.memory_space<hbm>> -> memref<5x80xi32, #tpu.memory_space<hbm>>
        tpu.enqueue_dma source(%dma_start3A_403 : memref<5x80xi32, #tpu.memory_space<hbm>>) target(%dma_start3A_399 : memref<5x80xi32, #tpu.memory_space<vmem>>) target_semaphore(%arg13 : memref<!tpu.dma_semaphore, #tpu.memory_space<semaphore_mem>>)
      } else {
      }
      %jit3A_307 = arith.constant 5 : i32
      %div3A_308 = arith.divsi %scan3A_215, %jit3A_307 : i32
      %sign3A_309 = arith.constant 0 : i32
      %sign3A_310 = arith.cmpi sgt, %scan3A_215, %sign3A_309 : i32
      %sign3A_311 = arith.extui %sign3A_310 : i1 to i32
      %sign3A_312 = arith.constant 0 : i32
      %sign3A_313 = arith.cmpi slt, %scan3A_215, %sign3A_312 : i32
      %sign3A_314 = arith.extui %sign3A_313 : i1 to i32
      %sign3A_315 = arith.subi %sign3A_311, %sign3A_314 : i32
      %sign3A_316 = arith.constant 0 : i32
      %sign3A_317 = arith.cmpi sgt, %jit3A_307, %sign3A_316 : i32
      %sign3A_318 = arith.extui %sign3A_317 : i1 to i32
      %sign3A_319 = arith.constant 0 : i32
      %sign3A_320 = arith.cmpi slt, %jit3A_307, %sign3A_319 : i32
      %sign3A_321 = arith.extui %sign3A_320 : i1 to i32
      %sign3A_322 = arith.subi %sign3A_318, %sign3A_321 : i32
      %ne3A_323 = arith.cmpi ne, %sign3A_315, %sign3A_322 : i32
      %rem3A_324 = arith.remsi %scan3A_215, %jit3A_307 : i32
      %ne3A_325 = arith.constant 0 : i32
      %ne3A_326 = arith.cmpi ne, %rem3A_324, %ne3A_325 : i32
      %and3A_327 = arith.andi %ne3A_323, %ne3A_326 : i1
      %sub3A_328 = arith.constant 1 : i32
      %sub3A_329 = arith.subi %div3A_308, %sub3A_328 : i32
      %select_n3A_330 = arith.select %and3A_327, %sub3A_329, %div3A_308 : i32
      %rem3A_331 = arith.constant 5 : i32
      %rem3A_332 = arith.remsi %scan3A_215, %rem3A_331 : i32
      %rem3A_333 = arith.constant 2 : i32
      %rem3A_334 = arith.remsi %select_n3A_330, %rem3A_333 : i32
      %rem3A_335 = arith.constant 4 : i32
      %rem3A_336 = arith.remsi %scan3A_215, %rem3A_335 : i32
      %dma_start3A_337 = arith.constant 0 : i32
      %dma_start3A_338 = arith.constant 0 : i32
      %dma_start3A_339 = tpu.memref_slice %arg9[%rem3A_336, %dma_start3A_337, %dma_start3A_338] : memref<4x80x128xf32, #tpu.memory_space<vmem>> -> memref<1x80x128xf32, #tpu.memory_space<vmem>>
      %dma_start3A_340 = tpu.memref_squeeze %dma_start3A_339 : memref<1x80x128xf32, #tpu.memory_space<vmem>> -> memref<80x128xf32, #tpu.memory_space<vmem>>
      %dma_start3A_341 = arith.constant 0 : i32
      %dma_start3A_342 = tpu.memref_slice %arg8[%rem3A_334, %rem3A_332, %dma_start3A_341] : memref<2x5x80xi32, #tpu.memory_space<vmem>> -> memref<1x1x80xi32, #tpu.memory_space<vmem>>
      %dma_start3A_343 = tpu.memref_squeeze %dma_start3A_342 : memref<1x1x80xi32, #tpu.memory_space<vmem>> -> memref<80xi32, #tpu.memory_space<vmem>>
      %dma_start3A_344 = arith.constant 0 : i32
      %dma_start3A_345 = arith.constant 0 : i32
      %dma_start3A_346 = tpu.memref_slice %arg10[%dma_start3A_344, %dma_start3A_345] : memref<10112x128xf32, #tpu.memory_space<vmem_shared>> -> memref<10112x128xf32, #tpu.memory_space<vmem_shared>>
      tpu.enqueue_indirect_dma source(%dma_start3A_340 : memref<80x128xf32, #tpu.memory_space<vmem>>) target(%dma_start3A_346 : memref<10112x128xf32, #tpu.memory_space<vmem_shared>>) offsets(%dma_start3A_343 : memref<80xi32, #tpu.memory_space<vmem>>) semaphore(%arg12 : memref<!tpu.dma_semaphore, #tpu.memory_space<semaphore_mem>>) {add = true}
      %add3A_347 = arith.constant 3 : i32
      %add3A_348 = arith.addi %scan3A_215, %add3A_347 : i32
      %rem3A_349 = arith.constant 5 : i32
      %rem3A_350 = arith.remsi %add3A_348, %rem3A_349 : i32
      %eq3A_351 = arith.constant 0 : i32
      %eq3A_352 = arith.cmpi eq, %rem3A_350, %eq3A_351 : i32
      %lt3A_353 = arith.constant 25 : i32
      %lt3A_354 = arith.cmpi slt, %select_n3A_260, %lt3A_353 : i32
      %and3A_355 = arith.andi %eq3A_352, %lt3A_354 : i1
      %convert_element_type3A_356 = arith.extui %and3A_355 : i1 to i32
      %cond3A_357 = arith.constant 0 : i32
      %cond3A_358 = arith.cmpi ne, %convert_element_type3A_356, %cond3A_357 : i32
      scf.if %cond3A_358 {
        %rem3A_366 = arith.constant 2 : i32
        %rem3A_367 = arith.remsi %select_n3A_260, %rem3A_366 : i32
        %dma_wait3A_368 = arith.constant 0 : i32
        %dma_wait3A_369 = arith.constant 0 : i32
        %dma_wait3A_370 = tpu.memref_slice %arg7[%rem3A_367, %dma_wait3A_368, %dma_wait3A_369] : memref<2x5x80xi32, #tpu.memory_space<vmem>> -> memref<1x5x80xi32, #tpu.memory_space<vmem>>
        %dma_wait3A_371 = tpu.memref_squeeze %dma_wait3A_370 : memref<1x5x80xi32, #tpu.memory_space<vmem>> -> memref<5x80xi32, #tpu.memory_space<vmem>>
        %dma_wait3A_372 = arith.constant 0 : i32
        %dma_wait3A_373 = arith.constant 0 : i32
        %dma_wait3A_374 = tpu.memref_slice %arg2[%add3A, %select_n3A_260, %dma_wait3A_372, %dma_wait3A_373] : memref<32x25x5x80xi32, #tpu.memory_space<hbm>> -> memref<1x1x5x80xi32, #tpu.memory_space<hbm>>
        %dma_wait3A_375 = tpu.memref_squeeze %dma_wait3A_374 : memref<1x1x5x80xi32, #tpu.memory_space<hbm>> -> memref<5x80xi32, #tpu.memory_space<hbm>>
        %dma_wait3A_376 = arith.constant 0 : i32
        %dma_wait3A_377 = arith.constant 0 : i32
        %dma_wait3A_378 = tpu.memref_slice %arg7[%rem3A_367, %dma_wait3A_376, %dma_wait3A_377] : memref<2x5x80xi32, #tpu.memory_space<vmem>> -> memref<1x5x80xi32, #tpu.memory_space<vmem>>
        %dma_wait3A_379 = tpu.memref_squeeze %dma_wait3A_378 : memref<1x5x80xi32, #tpu.memory_space<vmem>> -> memref<5x80xi32, #tpu.memory_space<vmem>>
        %dma_wait3A_380 = arith.constant 0 : i32
        %dma_wait3A_381 = arith.constant 0 : i32
        %dma_wait3A_382 = tpu.memref_slice %arg2[%add3A, %select_n3A_260, %dma_wait3A_380, %dma_wait3A_381] : memref<32x25x5x80xi32, #tpu.memory_space<hbm>> -> memref<1x1x5x80xi32, #tpu.memory_space<hbm>>
        %dma_wait3A_383 = tpu.memref_squeeze %dma_wait3A_382 : memref<1x1x5x80xi32, #tpu.memory_space<hbm>> -> memref<5x80xi32, #tpu.memory_space<hbm>>
        tpu.wait_dma2 semaphore(%arg13 : memref<!tpu.dma_semaphore, #tpu.memory_space<semaphore_mem>>) src(%dma_wait3A_383 : memref<5x80xi32, #tpu.memory_space<hbm>>) dst(%dma_wait3A_379 : memref<5x80xi32, #tpu.memory_space<vmem>>)
        %dma_wait3A_384 = arith.constant 0 : i32
        %dma_wait3A_385 = arith.constant 0 : i32
        %dma_wait3A_386 = tpu.memref_slice %arg8[%rem3A_367, %dma_wait3A_384, %dma_wait3A_385] : memref<2x5x80xi32, #tpu.memory_space<vmem>> -> memref<1x5x80xi32, #tpu.memory_space<vmem>>
        %dma_wait3A_387 = tpu.memref_squeeze %dma_wait3A_386 : memref<1x5x80xi32, #tpu.memory_space<vmem>> -> memref<5x80xi32, #tpu.memory_space<vmem>>
        %dma_wait3A_388 = arith.constant 0 : i32
        %dma_wait3A_389 = arith.constant 0 : i32
        %dma_wait3A_390 = tpu.memref_slice %arg3[%add3A, %select_n3A_260, %dma_wait3A_388, %dma_wait3A_389] : memref<32x25x5x80xi32, #tpu.memory_space<hbm>> -> memref<1x1x5x80xi32, #tpu.memory_space<hbm>>
        %dma_wait3A_391 = tpu.memref_squeeze %dma_wait3A_390 : memref<1x1x5x80xi32, #tpu.memory_space<hbm>> -> memref<5x80xi32, #tpu.memory_space<hbm>>
        %dma_wait3A_392 = arith.constant 0 : i32
        %dma_wait3A_393 = arith.constant 0 : i32
        %dma_wait3A_394 = tpu.memref_slice %arg8[%rem3A_367, %dma_wait3A_392, %dma_wait3A_393] : memref<2x5x80xi32, #tpu.memory_space<vmem>> -> memref<1x5x80xi32, #tpu.memory_space<vmem>>
        %dma_wait3A_395 = tpu.memref_squeeze %dma_wait3A_394 : memref<1x5x80xi32, #tpu.memory_space<vmem>> -> memref<5x80xi32, #tpu.memory_space<vmem>>
        %dma_wait3A_396 = arith.constant 0 : i32
        %dma_wait3A_397 = arith.constant 0 : i32
        %dma_wait3A_398 = tpu.memref_slice %arg3[%add3A, %select_n3A_260, %dma_wait3A_396, %dma_wait3A_397] : memref<32x25x5x80xi32, #tpu.memory_space<hbm>> -> memref<1x1x5x80xi32, #tpu.memory_space<hbm>>
        %dma_wait3A_399 = tpu.memref_squeeze %dma_wait3A_398 : memref<1x1x5x80xi32, #tpu.memory_space<hbm>> -> memref<5x80xi32, #tpu.memory_space<hbm>>
        tpu.wait_dma2 semaphore(%arg13 : memref<!tpu.dma_semaphore, #tpu.memory_space<semaphore_mem>>) src(%dma_wait3A_399 : memref<5x80xi32, #tpu.memory_space<hbm>>) dst(%dma_wait3A_395 : memref<5x80xi32, #tpu.memory_space<vmem>>)
      } else {
      }
      %add3A_359 = arith.constant 3 : i32
      %add3A_360 = arith.addi %scan3A_215, %add3A_359 : i32
      %lt3A_361 = arith.constant 125 : i32
      %lt3A_362 = arith.cmpi slt, %add3A_360, %lt3A_361 : i32
      %convert_element_type3A_363 = arith.extui %lt3A_362 : i1 to i32
      %cond3A_364 = arith.constant 0 : i32
      %cond3A_365 = arith.cmpi ne, %convert_element_type3A_363, %cond3A_364 : i32
      scf.if %cond3A_365 {
        %ge3A = arith.constant 1 : i32
        %ge3A_366 = arith.cmpi sge, %scan3A_215, %ge3A : i32
        %convert_element_type3A_367 = arith.extui %ge3A_366 : i1 to i32
        %cond3A_368 = arith.constant 0 : i32
        %cond3A_369 = arith.cmpi ne, %convert_element_type3A_367, %cond3A_368 : i32
        scf.if %cond3A_369 {
          %sub3A_412 = arith.constant 1 : i32
          %sub3A_413 = arith.subi %scan3A_215, %sub3A_412 : i32
          %jit3A_414 = arith.constant 5 : i32
          %div3A_415 = arith.divsi %sub3A_413, %jit3A_414 : i32
          %sign3A_416 = arith.constant 0 : i32
          %sign3A_417 = arith.cmpi sgt, %sub3A_413, %sign3A_416 : i32
          %sign3A_418 = arith.extui %sign3A_417 : i1 to i32
          %sign3A_419 = arith.constant 0 : i32
          %sign3A_420 = arith.cmpi slt, %sub3A_413, %sign3A_419 : i32
          %sign3A_421 = arith.extui %sign3A_420 : i1 to i32
          %sign3A_422 = arith.subi %sign3A_418, %sign3A_421 : i32
          %sign3A_423 = arith.constant 0 : i32
          %sign3A_424 = arith.cmpi sgt, %jit3A_414, %sign3A_423 : i32
          %sign3A_425 = arith.extui %sign3A_424 : i1 to i32
          %sign3A_426 = arith.constant 0 : i32
          %sign3A_427 = arith.cmpi slt, %jit3A_414, %sign3A_426 : i32
          %sign3A_428 = arith.extui %sign3A_427 : i1 to i32
          %sign3A_429 = arith.subi %sign3A_425, %sign3A_428 : i32
          %ne3A_430 = arith.cmpi ne, %sign3A_422, %sign3A_429 : i32
          %rem3A_431 = arith.remsi %sub3A_413, %jit3A_414 : i32
          %ne3A_432 = arith.constant 0 : i32
          %ne3A_433 = arith.cmpi ne, %rem3A_431, %ne3A_432 : i32
          %and3A_434 = arith.andi %ne3A_430, %ne3A_433 : i1
          %sub3A_435 = arith.constant 1 : i32
          %sub3A_436 = arith.subi %div3A_415, %sub3A_435 : i32
          %select_n3A_437 = arith.select %and3A_434, %sub3A_436, %div3A_415 : i32
          %rem3A_438 = arith.constant 5 : i32
          %rem3A_439 = arith.remsi %sub3A_413, %rem3A_438 : i32
          %rem3A_440 = arith.constant 2 : i32
          %rem3A_441 = arith.remsi %select_n3A_437, %rem3A_440 : i32
          %rem3A_442 = arith.constant 4 : i32
          %rem3A_443 = arith.remsi %sub3A_413, %rem3A_442 : i32
          %dma_wait3A_444 = arith.constant 0 : i32
          %dma_wait3A_445 = arith.constant 0 : i32
          %dma_wait3A_446 = tpu.memref_slice %arg9[%rem3A_443, %dma_wait3A_444, %dma_wait3A_445] : memref<4x80x128xf32, #tpu.memory_space<vmem>> -> memref<1x80x128xf32, #tpu.memory_space<vmem>>
          %dma_wait3A_447 = tpu.memref_squeeze %dma_wait3A_446 : memref<1x80x128xf32, #tpu.memory_space<vmem>> -> memref<80x128xf32, #tpu.memory_space<vmem>>
          %dma_wait3A_448 = arith.constant 0 : i32
          %dma_wait3A_449 = tpu.memref_slice %arg8[%rem3A_441, %rem3A_439, %dma_wait3A_448] : memref<2x5x80xi32, #tpu.memory_space<vmem>> -> memref<1x1x80xi32, #tpu.memory_space<vmem>>
          %dma_wait3A_450 = tpu.memref_squeeze %dma_wait3A_449 : memref<1x1x80xi32, #tpu.memory_space<vmem>> -> memref<80xi32, #tpu.memory_space<vmem>>
          %dma_wait3A_451 = arith.constant 0 : i32
          %dma_wait3A_452 = arith.constant 0 : i32
          %dma_wait3A_453 = tpu.memref_slice %arg10[%dma_wait3A_451, %dma_wait3A_452] : memref<10112x128xf32, #tpu.memory_space<vmem_shared>> -> memref<10112x128xf32, #tpu.memory_space<vmem_shared>>
          tpu.wait_indirect_dma semaphore(%arg12 : memref<!tpu.dma_semaphore, #tpu.memory_space<semaphore_mem>>) src(%dma_wait3A_447 : memref<80x128xf32, #tpu.memory_space<vmem>>) dst(%dma_wait3A_453 : memref<10112x128xf32, #tpu.memory_space<vmem_shared>>)
        } else {
        }
        %add3A_370 = arith.constant 3 : i32
        %add3A_371 = arith.addi %scan3A_215, %add3A_370 : i32
        %jit3A_372 = arith.constant 5 : i32
        %div3A_373 = arith.divsi %add3A_371, %jit3A_372 : i32
        %sign3A_374 = arith.constant 0 : i32
        %sign3A_375 = arith.cmpi sgt, %add3A_371, %sign3A_374 : i32
        %sign3A_376 = arith.extui %sign3A_375 : i1 to i32
        %sign3A_377 = arith.constant 0 : i32
        %sign3A_378 = arith.cmpi slt, %add3A_371, %sign3A_377 : i32
        %sign3A_379 = arith.extui %sign3A_378 : i1 to i32
        %sign3A_380 = arith.subi %sign3A_376, %sign3A_379 : i32
        %sign3A_381 = arith.constant 0 : i32
        %sign3A_382 = arith.cmpi sgt, %jit3A_372, %sign3A_381 : i32
        %sign3A_383 = arith.extui %sign3A_382 : i1 to i32
        %sign3A_384 = arith.constant 0 : i32
        %sign3A_385 = arith.cmpi slt, %jit3A_372, %sign3A_384 : i32
        %sign3A_386 = arith.extui %sign3A_385 : i1 to i32
        %sign3A_387 = arith.subi %sign3A_383, %sign3A_386 : i32
        %ne3A_388 = arith.cmpi ne, %sign3A_380, %sign3A_387 : i32
        %rem3A_389 = arith.remsi %add3A_371, %jit3A_372 : i32
        %ne3A_390 = arith.constant 0 : i32
        %ne3A_391 = arith.cmpi ne, %rem3A_389, %ne3A_390 : i32
        %and3A_392 = arith.andi %ne3A_388, %ne3A_391 : i1
        %sub3A_393 = arith.constant 1 : i32
        %sub3A_394 = arith.subi %div3A_373, %sub3A_393 : i32
        %select_n3A_395 = arith.select %and3A_392, %sub3A_394, %div3A_373 : i32
        %rem3A_396 = arith.constant 5 : i32
        %rem3A_397 = arith.remsi %add3A_371, %rem3A_396 : i32
        %rem3A_398 = arith.constant 2 : i32
        %rem3A_399 = arith.remsi %select_n3A_395, %rem3A_398 : i32
        %rem3A_400 = arith.constant 4 : i32
        %rem3A_401 = arith.remsi %add3A_371, %rem3A_400 : i32
        %dma_start3A_402 = arith.constant 0 : i32
        %dma_start3A_403 = arith.constant 0 : i32
        %dma_start3A_404 = tpu.memref_slice %arg9[%rem3A_401, %dma_start3A_402, %dma_start3A_403] : memref<4x80x128xf32, #tpu.memory_space<vmem>> -> memref<1x80x128xf32, #tpu.memory_space<vmem>>
        %dma_start3A_405 = tpu.memref_squeeze %dma_start3A_404 : memref<1x80x128xf32, #tpu.memory_space<vmem>> -> memref<80x128xf32, #tpu.memory_space<vmem>>
        %dma_start3A_406 = arith.constant 0 : i32
        %dma_start3A_407 = tpu.memref_slice %arg7[%rem3A_399, %rem3A_397, %dma_start3A_406] : memref<2x5x80xi32, #tpu.memory_space<vmem>> -> memref<1x1x80xi32, #tpu.memory_space<vmem>>
        %dma_start3A_408 = tpu.memref_squeeze %dma_start3A_407 : memref<1x1x80xi32, #tpu.memory_space<vmem>> -> memref<80xi32, #tpu.memory_space<vmem>>
        %dma_start3A_409 = arith.constant 0 : i32
        %dma_start3A_410 = arith.constant 0 : i32
        %dma_start3A_411 = tpu.memref_slice %arg4[%dma_start3A_409, %dma_start3A_410] : memref<10000x128xf32, #tpu.memory_space<hbm>> -> memref<10000x128xf32, #tpu.memory_space<hbm>>
        tpu.enqueue_indirect_dma source(%dma_start3A_411 : memref<10000x128xf32, #tpu.memory_space<hbm>>) target(%dma_start3A_405 : memref<80x128xf32, #tpu.memory_space<vmem>>) offsets(%dma_start3A_408 : memref<80xi32, #tpu.memory_space<vmem>>) semaphore(%arg11 : memref<!tpu.dma_semaphore, #tpu.memory_space<semaphore_mem>>)
      } else {
      }
    }
    %scan3A_133 = arith.constant 125 : i32
    %rem3A_134 = arith.constant 121 : i32
    %rem3A_135 = arith.constant 5 : i32
    %rem3A_136 = arith.remsi %rem3A_134, %rem3A_135 : i32
    %rem3A_137 = arith.constant 24 : i32
    %rem3A_138 = arith.constant 2 : i32
    %rem3A_139 = arith.remsi %rem3A_137, %rem3A_138 : i32
    %rem3A_140 = arith.constant 121 : i32
    %rem3A_141 = arith.constant 4 : i32
    %rem3A_142 = arith.remsi %rem3A_140, %rem3A_141 : i32
    %dma_wait3A_143 = arith.constant 0 : i32
    %dma_wait3A_144 = arith.constant 0 : i32
    %dma_wait3A_145 = tpu.memref_slice %arg9[%rem3A_142, %dma_wait3A_143, %dma_wait3A_144] : memref<4x80x128xf32, #tpu.memory_space<vmem>> -> memref<1x80x128xf32, #tpu.memory_space<vmem>>
    %dma_wait3A_146 = tpu.memref_squeeze %dma_wait3A_145 : memref<1x80x128xf32, #tpu.memory_space<vmem>> -> memref<80x128xf32, #tpu.memory_space<vmem>>
    %dma_wait3A_147 = arith.constant 0 : i32
    %dma_wait3A_148 = tpu.memref_slice %arg8[%rem3A_139, %rem3A_136, %dma_wait3A_147] : memref<2x5x80xi32, #tpu.memory_space<vmem>> -> memref<1x1x80xi32, #tpu.memory_space<vmem>>
    %dma_wait3A_149 = tpu.memref_squeeze %dma_wait3A_148 : memref<1x1x80xi32, #tpu.memory_space<vmem>> -> memref<80xi32, #tpu.memory_space<vmem>>
    %dma_wait3A_150 = arith.constant 0 : i32
    %dma_wait3A_151 = arith.constant 0 : i32
    %dma_wait3A_152 = tpu.memref_slice %arg10[%dma_wait3A_150, %dma_wait3A_151] : memref<10112x128xf32, #tpu.memory_space<vmem_shared>> -> memref<10112x128xf32, #tpu.memory_space<vmem_shared>>
    tpu.wait_indirect_dma semaphore(%arg12 : memref<!tpu.dma_semaphore, #tpu.memory_space<semaphore_mem>>) src(%dma_wait3A_146 : memref<80x128xf32, #tpu.memory_space<vmem>>) dst(%dma_wait3A_152 : memref<10112x128xf32, #tpu.memory_space<vmem_shared>>)
    %rem3A_153 = arith.constant 122 : i32
    %rem3A_154 = arith.constant 5 : i32
    %rem3A_155 = arith.remsi %rem3A_153, %rem3A_154 : i32
    %rem3A_156 = arith.constant 24 : i32
    %rem3A_157 = arith.constant 2 : i32
    %rem3A_158 = arith.remsi %rem3A_156, %rem3A_157 : i32
    %rem3A_159 = arith.constant 122 : i32
    %rem3A_160 = arith.constant 4 : i32
    %rem3A_161 = arith.remsi %rem3A_159, %rem3A_160 : i32
    %dma_wait3A_162 = arith.constant 0 : i32
    %dma_wait3A_163 = arith.constant 0 : i32
    %dma_wait3A_164 = tpu.memref_slice %arg9[%rem3A_161, %dma_wait3A_162, %dma_wait3A_163] : memref<4x80x128xf32, #tpu.memory_space<vmem>> -> memref<1x80x128xf32, #tpu.memory_space<vmem>>
    %dma_wait3A_165 = tpu.memref_squeeze %dma_wait3A_164 : memref<1x80x128xf32, #tpu.memory_space<vmem>> -> memref<80x128xf32, #tpu.memory_space<vmem>>
    %dma_wait3A_166 = arith.constant 0 : i32
    %dma_wait3A_167 = tpu.memref_slice %arg8[%rem3A_158, %rem3A_155, %dma_wait3A_166] : memref<2x5x80xi32, #tpu.memory_space<vmem>> -> memref<1x1x80xi32, #tpu.memory_space<vmem>>
    %dma_wait3A_168 = tpu.memref_squeeze %dma_wait3A_167 : memref<1x1x80xi32, #tpu.memory_space<vmem>> -> memref<80xi32, #tpu.memory_space<vmem>>
    %dma_wait3A_169 = arith.constant 0 : i32
    %dma_wait3A_170 = arith.constant 0 : i32
    %dma_wait3A_171 = tpu.memref_slice %arg10[%dma_wait3A_169, %dma_wait3A_170] : memref<10112x128xf32, #tpu.memory_space<vmem_shared>> -> memref<10112x128xf32, #tpu.memory_space<vmem_shared>>
    tpu.wait_indirect_dma semaphore(%arg12 : memref<!tpu.dma_semaphore, #tpu.memory_space<semaphore_mem>>) src(%dma_wait3A_165 : memref<80x128xf32, #tpu.memory_space<vmem>>) dst(%dma_wait3A_171 : memref<10112x128xf32, #tpu.memory_space<vmem_shared>>)
    %rem3A_172 = arith.constant 123 : i32
    %rem3A_173 = arith.constant 5 : i32
    %rem3A_174 = arith.remsi %rem3A_172, %rem3A_173 : i32
    %rem3A_175 = arith.constant 24 : i32
    %rem3A_176 = arith.constant 2 : i32
    %rem3A_177 = arith.remsi %rem3A_175, %rem3A_176 : i32
    %rem3A_178 = arith.constant 123 : i32
    %rem3A_179 = arith.constant 4 : i32
    %rem3A_180 = arith.remsi %rem3A_178, %rem3A_179 : i32
    %dma_wait3A_181 = arith.constant 0 : i32
    %dma_wait3A_182 = arith.constant 0 : i32
    %dma_wait3A_183 = tpu.memref_slice %arg9[%rem3A_180, %dma_wait3A_181, %dma_wait3A_182] : memref<4x80x128xf32, #tpu.memory_space<vmem>> -> memref<1x80x128xf32, #tpu.memory_space<vmem>>
    %dma_wait3A_184 = tpu.memref_squeeze %dma_wait3A_183 : memref<1x80x128xf32, #tpu.memory_space<vmem>> -> memref<80x128xf32, #tpu.memory_space<vmem>>
    %dma_wait3A_185 = arith.constant 0 : i32
    %dma_wait3A_186 = tpu.memref_slice %arg8[%rem3A_177, %rem3A_174, %dma_wait3A_185] : memref<2x5x80xi32, #tpu.memory_space<vmem>> -> memref<1x1x80xi32, #tpu.memory_space<vmem>>
    %dma_wait3A_187 = tpu.memref_squeeze %dma_wait3A_186 : memref<1x1x80xi32, #tpu.memory_space<vmem>> -> memref<80xi32, #tpu.memory_space<vmem>>
    %dma_wait3A_188 = arith.constant 0 : i32
    %dma_wait3A_189 = arith.constant 0 : i32
    %dma_wait3A_190 = tpu.memref_slice %arg10[%dma_wait3A_188, %dma_wait3A_189] : memref<10112x128xf32, #tpu.memory_space<vmem_shared>> -> memref<10112x128xf32, #tpu.memory_space<vmem_shared>>
    tpu.wait_indirect_dma semaphore(%arg12 : memref<!tpu.dma_semaphore, #tpu.memory_space<semaphore_mem>>) src(%dma_wait3A_184 : memref<80x128xf32, #tpu.memory_space<vmem>>) dst(%dma_wait3A_190 : memref<10112x128xf32, #tpu.memory_space<vmem_shared>>)
    %rem3A_191 = arith.constant 124 : i32
    %rem3A_192 = arith.constant 5 : i32
    %rem3A_193 = arith.remsi %rem3A_191, %rem3A_192 : i32
    %rem3A_194 = arith.constant 24 : i32
    %rem3A_195 = arith.constant 2 : i32
    %rem3A_196 = arith.remsi %rem3A_194, %rem3A_195 : i32
    %rem3A_197 = arith.constant 124 : i32
    %rem3A_198 = arith.constant 4 : i32
    %rem3A_199 = arith.remsi %rem3A_197, %rem3A_198 : i32
    %dma_wait3A_200 = arith.constant 0 : i32
    %dma_wait3A_201 = arith.constant 0 : i32
    %dma_wait3A_202 = tpu.memref_slice %arg9[%rem3A_199, %dma_wait3A_200, %dma_wait3A_201] : memref<4x80x128xf32, #tpu.memory_space<vmem>> -> memref<1x80x128xf32, #tpu.memory_space<vmem>>
    %dma_wait3A_203 = tpu.memref_squeeze %dma_wait3A_202 : memref<1x80x128xf32, #tpu.memory_space<vmem>> -> memref<80x128xf32, #tpu.memory_space<vmem>>
    %dma_wait3A_204 = arith.constant 0 : i32
    %dma_wait3A_205 = tpu.memref_slice %arg8[%rem3A_196, %rem3A_193, %dma_wait3A_204] : memref<2x5x80xi32, #tpu.memory_space<vmem>> -> memref<1x1x80xi32, #tpu.memory_space<vmem>>
    %dma_wait3A_206 = tpu.memref_squeeze %dma_wait3A_205 : memref<1x1x80xi32, #tpu.memory_space<vmem>> -> memref<80xi32, #tpu.memory_space<vmem>>
    %dma_wait3A_207 = arith.constant 0 : i32
    %dma_wait3A_208 = arith.constant 0 : i32
    %dma_wait3A_209 = tpu.memref_slice %arg10[%dma_wait3A_207, %dma_wait3A_208] : memref<10112x128xf32, #tpu.memory_space<vmem_shared>> -> memref<10112x128xf32, #tpu.memory_space<vmem_shared>>
    tpu.wait_indirect_dma semaphore(%arg12 : memref<!tpu.dma_semaphore, #tpu.memory_space<semaphore_mem>>) src(%dma_wait3A_203 : memref<80x128xf32, #tpu.memory_space<vmem>>) dst(%dma_wait3A_209 : memref<10112x128xf32, #tpu.memory_space<vmem_shared>>)
    %barrier3A_210 = arith.constant 0 : index
    tpu.barrier barrier_id(%barrier3A_210)
    %mul3A_211 = arith.constant 632 : i32
    %mul3A_212 = arith.muli %arg1, %mul3A_211 : i32
    %mul3A_213 = arith.constant 632 : i32
    %mul3A_214 = arith.muli %arg1, %mul3A_213 : i32
    "tpu.region"() ({
      %run_scoped3A = tpu.sem_alloc : memref<!tpu.dma_semaphore, #tpu.memory_space<semaphore_mem>>
      %dma_start3A_215 = arith.constant 0 : i32
      %dma_start3A_216 = tpu.memref_slice %arg6[%arg0, %mul3A_214, %dma_start3A_215] : memref<2x10112x128xf32, #tpu.memory_space<hbm>> -> memref<1x632x128xf32, #tpu.memory_space<hbm>>
      %dma_start3A_217 = tpu.memref_squeeze %dma_start3A_216 : memref<1x632x128xf32, #tpu.memory_space<hbm>> -> memref<632x128xf32, #tpu.memory_space<hbm>>
      %dma_start3A_218 = arith.constant 0 : i32
      %dma_start3A_219 = tpu.memref_slice %arg10[%mul3A_212, %dma_start3A_218] : memref<10112x128xf32, #tpu.memory_space<vmem_shared>> -> memref<632x128xf32, #tpu.memory_space<vmem_shared>>
      tpu.enqueue_dma source(%dma_start3A_219 : memref<632x128xf32, #tpu.memory_space<vmem_shared>>) target(%dma_start3A_217 : memref<632x128xf32, #tpu.memory_space<hbm>>) target_semaphore(%run_scoped3A : memref<!tpu.dma_semaphore, #tpu.memory_space<semaphore_mem>>)
      %dma_wait3A_220 = arith.constant 0 : i32
      %dma_wait3A_221 = tpu.memref_slice %arg6[%arg0, %mul3A_214, %dma_wait3A_220] : memref<2x10112x128xf32, #tpu.memory_space<hbm>> -> memref<1x632x128xf32, #tpu.memory_space<hbm>>
      %dma_wait3A_222 = tpu.memref_squeeze %dma_wait3A_221 : memref<1x632x128xf32, #tpu.memory_space<hbm>> -> memref<632x128xf32, #tpu.memory_space<hbm>>
      %dma_wait3A_223 = arith.constant 0 : i32
      %dma_wait3A_224 = tpu.memref_slice %arg10[%mul3A_212, %dma_wait3A_223] : memref<10112x128xf32, #tpu.memory_space<vmem_shared>> -> memref<632x128xf32, #tpu.memory_space<vmem_shared>>
      tpu.wait_dma2 semaphore(%run_scoped3A : memref<!tpu.dma_semaphore, #tpu.memory_space<semaphore_mem>>) src(%dma_wait3A_224 : memref<632x128xf32, #tpu.memory_space<vmem_shared>>) dst(%dma_wait3A_222 : memref<632x128xf32, #tpu.memory_space<hbm>>)
      tpu.yield
    }) : () -> ()
    return
  }
}

#map = affine_map<(d0, d1) -> (0, 0, 0, 0)>
#map1 = affine_map<(d0, d1) -> (0, 0)>
#map2 = affine_map<(d0, d1) -> (0, 0, 0)>
module attributes {stable_mosaic.version = 14 : i64} {
  func.func @k(%arg0: i32, %arg1: i32, %arg2: memref<32x25x5x80xi32, #tpu.memory_space<hbm>>, %arg3: memref<32x25x5x80xi32, #tpu.memory_space<hbm>>, %arg4: memref<10000x128xf32, #tpu.memory_space<hbm>>, %arg5: memref<632x128xf32, #tpu.memory_space<hbm>>, %arg6: memref<2x10112x128xf32, #tpu.memory_space<hbm>>, %arg7: memref<2x5x80xi32, #tpu.memory_space<vmem>>, %arg8: memref<2x5x80xi32, #tpu.memory_space<vmem>>, %arg9: memref<4x80x128xf32, #tpu.memory_space<vmem>>, %arg10: memref<10112x128xf32, #tpu.memory_space<vmem_shared>>, %arg11: memref<!tpu.dma_semaphore, #tpu.memory_space<semaphore_mem>>, %arg12: memref<!tpu.dma_semaphore, #tpu.memory_space<semaphore_mem>>, %arg13: memref<!tpu.dma_semaphore, #tpu.memory_space<semaphore_mem>>) attributes {dimension_semantics = [#tpu.dimension_semantics<core_parallel>, #tpu.dimension_semantics<subcore_parallel>], iteration_bounds = array<i64: 2, 16>, scalar_prefetch = 0 : i64, scratch_operands = 7 : i64, tpu.core_type = #tpu.core_type<sc_vector_subcore>, window_params = [{transform_indices = #map}, {transform_indices = #map}, {transform_indices = #map1}, {transform_indices = #map1}, {transform_indices = #map2}]} {
    %mul3A = arith.constant 16 : i32
    %mul3A_0 = arith.muli %arg0, %mul3A : i32
    %add3A = arith.addi %mul3A_0, %arg1 : i32
    %dma_start3A = arith.constant 0 : i32
    %dma_start3A_1 = arith.constant 0 : i32
    %dma_start3A_2 = arith.constant 0 : i32
    %dma_start3A_3 = arith.constant 0 : i32
    %dma_start3A_4 = tpu.memref_slice %arg7[%dma_start3A_1, %dma_start3A_2, %dma_start3A_3] : memref<2x5x80xi32, #tpu.memory_space<vmem>> -> memref<1x5x80xi32, #tpu.memory_space<vmem>>
    %dma_start3A_5 = tpu.memref_squeeze %dma_start3A_4 : memref<1x5x80xi32, #tpu.memory_space<vmem>> -> memref<5x80xi32, #tpu.memory_space<vmem>>
    %dma_start3A_6 = arith.constant 0 : i32
    %dma_start3A_7 = arith.constant 0 : i32
    %dma_start3A_8 = tpu.memref_slice %arg2[%add3A, %dma_start3A, %dma_start3A_6, %dma_start3A_7] : memref<32x25x5x80xi32, #tpu.memory_space<hbm>> -> memref<1x1x5x80xi32, #tpu.memory_space<hbm>>
    %dma_start3A_9 = tpu.memref_squeeze %dma_start3A_8 : memref<1x1x5x80xi32, #tpu.memory_space<hbm>> -> memref<5x80xi32, #tpu.memory_space<hbm>>
    %dma_start3A_10 = arith.constant 0 : i32
    %dma_start3A_11 = arith.constant 0 : i32
    %dma_start3A_12 = tpu.memref_slice %arg7[%dma_start3A_1, %dma_start3A_10, %dma_start3A_11] : memref<2x5x80xi32, #tpu.memory_space<vmem>> -> memref<1x5x80xi32, #tpu.memory_space<vmem>>
    %dma_start3A_13 = tpu.memref_squeeze %dma_start3A_12 : memref<1x5x80xi32, #tpu.memory_space<vmem>> -> memref<5x80xi32, #tpu.memory_space<vmem>>
    %dma_start3A_14 = arith.constant 0 : i32
    %dma_start3A_15 = arith.constant 0 : i32
    %dma_start3A_16 = tpu.memref_slice %arg2[%add3A, %dma_start3A, %dma_start3A_14, %dma_start3A_15] : memref<32x25x5x80xi32, #tpu.memory_space<hbm>> -> memref<1x1x5x80xi32, #tpu.memory_space<hbm>>
    %dma_start3A_17 = tpu.memref_squeeze %dma_start3A_16 : memref<1x1x5x80xi32, #tpu.memory_space<hbm>> -> memref<5x80xi32, #tpu.memory_space<hbm>>
    tpu.enqueue_dma source(%dma_start3A_17 : memref<5x80xi32, #tpu.memory_space<hbm>>) target(%dma_start3A_13 : memref<5x80xi32, #tpu.memory_space<vmem>>) target_semaphore(%arg13 : memref<!tpu.dma_semaphore, #tpu.memory_space<semaphore_mem>>)
    %dma_start3A_18 = arith.constant 0 : i32
    %dma_start3A_19 = arith.constant 0 : i32
    %dma_start3A_20 = arith.constant 0 : i32
    %dma_start3A_21 = arith.constant 0 : i32
    %dma_start3A_22 = tpu.memref_slice %arg8[%dma_start3A_19, %dma_start3A_20, %dma_start3A_21] : memref<2x5x80xi32, #tpu.memory_space<vmem>> -> memref<1x5x80xi32, #tpu.memory_space<vmem>>
    %dma_start3A_23 = tpu.memref_squeeze %dma_start3A_22 : memref<1x5x80xi32, #tpu.memory_space<vmem>> -> memref<5x80xi32, #tpu.memory_space<vmem>>
    %dma_start3A_24 = arith.constant 0 : i32
    %dma_start3A_25 = arith.constant 0 : i32
    %dma_start3A_26 = tpu.memref_slice %arg3[%add3A, %dma_start3A_18, %dma_start3A_24, %dma_start3A_25] : memref<32x25x5x80xi32, #tpu.memory_space<hbm>> -> memref<1x1x5x80xi32, #tpu.memory_space<hbm>>
    %dma_start3A_27 = tpu.memref_squeeze %dma_start3A_26 : memref<1x1x5x80xi32, #tpu.memory_space<hbm>> -> memref<5x80xi32, #tpu.memory_space<hbm>>
    %dma_start3A_28 = arith.constant 0 : i32
    %dma_start3A_29 = arith.constant 0 : i32
    %dma_start3A_30 = tpu.memref_slice %arg8[%dma_start3A_19, %dma_start3A_28, %dma_start3A_29] : memref<2x5x80xi32, #tpu.memory_space<vmem>> -> memref<1x5x80xi32, #tpu.memory_space<vmem>>
    %dma_start3A_31 = tpu.memref_squeeze %dma_start3A_30 : memref<1x5x80xi32, #tpu.memory_space<vmem>> -> memref<5x80xi32, #tpu.memory_space<vmem>>
    %dma_start3A_32 = arith.constant 0 : i32
    %dma_start3A_33 = arith.constant 0 : i32
    %dma_start3A_34 = tpu.memref_slice %arg3[%add3A, %dma_start3A_18, %dma_start3A_32, %dma_start3A_33] : memref<32x25x5x80xi32, #tpu.memory_space<hbm>> -> memref<1x1x5x80xi32, #tpu.memory_space<hbm>>
    %dma_start3A_35 = tpu.memref_squeeze %dma_start3A_34 : memref<1x1x5x80xi32, #tpu.memory_space<hbm>> -> memref<5x80xi32, #tpu.memory_space<hbm>>
    tpu.enqueue_dma source(%dma_start3A_35 : memref<5x80xi32, #tpu.memory_space<hbm>>) target(%dma_start3A_31 : memref<5x80xi32, #tpu.memory_space<vmem>>) target_semaphore(%arg13 : memref<!tpu.dma_semaphore, #tpu.memory_space<semaphore_mem>>)
    %dma_wait3A = arith.constant 0 : i32
    %dma_wait3A_36 = arith.constant 0 : i32
    %dma_wait3A_37 = arith.constant 0 : i32
    %dma_wait3A_38 = arith.constant 0 : i32
    %dma_wait3A_39 = tpu.memref_slice %arg7[%dma_wait3A_36, %dma_wait3A_37, %dma_wait3A_38] : memref<2x5x80xi32, #tpu.memory_space<vmem>> -> memref<1x5x80xi32, #tpu.memory_space<vmem>>
    %dma_wait3A_40 = tpu.memref_squeeze %dma_wait3A_39 : memref<1x5x80xi32, #tpu.memory_space<vmem>> -> memref<5x80xi32, #tpu.memory_space<vmem>>
    %dma_wait3A_41 = arith.constant 0 : i32
    %dma_wait3A_42 = arith.constant 0 : i32
    %dma_wait3A_43 = tpu.memref_slice %arg2[%add3A, %dma_wait3A, %dma_wait3A_41, %dma_wait3A_42] : memref<32x25x5x80xi32, #tpu.memory_space<hbm>> -> memref<1x1x5x80xi32, #tpu.memory_space<hbm>>
    %dma_wait3A_44 = tpu.memref_squeeze %dma_wait3A_43 : memref<1x1x5x80xi32, #tpu.memory_space<hbm>> -> memref<5x80xi32, #tpu.memory_space<hbm>>
    %dma_wait3A_45 = arith.constant 0 : i32
    %dma_wait3A_46 = arith.constant 0 : i32
    %dma_wait3A_47 = tpu.memref_slice %arg7[%dma_wait3A_36, %dma_wait3A_45, %dma_wait3A_46] : memref<2x5x80xi32, #tpu.memory_space<vmem>> -> memref<1x5x80xi32, #tpu.memory_space<vmem>>
    %dma_wait3A_48 = tpu.memref_squeeze %dma_wait3A_47 : memref<1x5x80xi32, #tpu.memory_space<vmem>> -> memref<5x80xi32, #tpu.memory_space<vmem>>
    %dma_wait3A_49 = arith.constant 0 : i32
    %dma_wait3A_50 = arith.constant 0 : i32
    %dma_wait3A_51 = tpu.memref_slice %arg2[%add3A, %dma_wait3A, %dma_wait3A_49, %dma_wait3A_50] : memref<32x25x5x80xi32, #tpu.memory_space<hbm>> -> memref<1x1x5x80xi32, #tpu.memory_space<hbm>>
    %dma_wait3A_52 = tpu.memref_squeeze %dma_wait3A_51 : memref<1x1x5x80xi32, #tpu.memory_space<hbm>> -> memref<5x80xi32, #tpu.memory_space<hbm>>
    tpu.wait_dma2 semaphore(%arg13 : memref<!tpu.dma_semaphore, #tpu.memory_space<semaphore_mem>>) src(%dma_wait3A_52 : memref<5x80xi32, #tpu.memory_space<hbm>>) dst(%dma_wait3A_48 : memref<5x80xi32, #tpu.memory_space<vmem>>)
    %dma_wait3A_53 = arith.constant 0 : i32
    %dma_wait3A_54 = arith.constant 0 : i32
    %dma_wait3A_55 = arith.constant 0 : i32
    %dma_wait3A_56 = arith.constant 0 : i32
    %dma_wait3A_57 = tpu.memref_slice %arg8[%dma_wait3A_54, %dma_wait3A_55, %dma_wait3A_56] : memref<2x5x80xi32, #tpu.memory_space<vmem>> -> memref<1x5x80xi32, #tpu.memory_space<vmem>>
    %dma_wait3A_58 = tpu.memref_squeeze %dma_wait3A_57 : memref<1x5x80xi32, #tpu.memory_space<vmem>> -> memref<5x80xi32, #tpu.memory_space<vmem>>
    %dma_wait3A_59 = arith.constant 0 : i32
    %dma_wait3A_60 = arith.constant 0 : i32
    %dma_wait3A_61 = tpu.memref_slice %arg3[%add3A, %dma_wait3A_53, %dma_wait3A_59, %dma_wait3A_60] : memref<32x25x5x80xi32, #tpu.memory_space<hbm>> -> memref<1x1x5x80xi32, #tpu.memory_space<hbm>>
    %dma_wait3A_62 = tpu.memref_squeeze %dma_wait3A_61 : memref<1x1x5x80xi32, #tpu.memory_space<hbm>> -> memref<5x80xi32, #tpu.memory_space<hbm>>
    %dma_wait3A_63 = arith.constant 0 : i32
    %dma_wait3A_64 = arith.constant 0 : i32
    %dma_wait3A_65 = tpu.memref_slice %arg8[%dma_wait3A_54, %dma_wait3A_63, %dma_wait3A_64] : memref<2x5x80xi32, #tpu.memory_space<vmem>> -> memref<1x5x80xi32, #tpu.memory_space<vmem>>
    %dma_wait3A_66 = tpu.memref_squeeze %dma_wait3A_65 : memref<1x5x80xi32, #tpu.memory_space<vmem>> -> memref<5x80xi32, #tpu.memory_space<vmem>>
    %dma_wait3A_67 = arith.constant 0 : i32
    %dma_wait3A_68 = arith.constant 0 : i32
    %dma_wait3A_69 = tpu.memref_slice %arg3[%add3A, %dma_wait3A_53, %dma_wait3A_67, %dma_wait3A_68] : memref<32x25x5x80xi32, #tpu.memory_space<hbm>> -> memref<1x1x5x80xi32, #tpu.memory_space<hbm>>
    %dma_wait3A_70 = tpu.memref_squeeze %dma_wait3A_69 : memref<1x1x5x80xi32, #tpu.memory_space<hbm>> -> memref<5x80xi32, #tpu.memory_space<hbm>>
    tpu.wait_dma2 semaphore(%arg13 : memref<!tpu.dma_semaphore, #tpu.memory_space<semaphore_mem>>) src(%dma_wait3A_70 : memref<5x80xi32, #tpu.memory_space<hbm>>) dst(%dma_wait3A_66 : memref<5x80xi32, #tpu.memory_space<vmem>>)
    %rem3A = arith.constant 0 : i32
    %rem3A_71 = arith.constant 5 : i32
    %rem3A_72 = arith.remsi %rem3A, %rem3A_71 : i32
    %rem3A_73 = arith.constant 0 : i32
    %rem3A_74 = arith.constant 2 : i32
    %rem3A_75 = arith.remsi %rem3A_73, %rem3A_74 : i32
    %rem3A_76 = arith.constant 0 : i32
    %rem3A_77 = arith.constant 4 : i32
    %rem3A_78 = arith.remsi %rem3A_76, %rem3A_77 : i32
    %dma_start3A_79 = arith.constant 0 : i32
    %dma_start3A_80 = arith.constant 0 : i32
    %dma_start3A_81 = tpu.memref_slice %arg9[%rem3A_78, %dma_start3A_79, %dma_start3A_80] : memref<4x80x128xf32, #tpu.memory_space<vmem>> -> memref<1x80x128xf32, #tpu.memory_space<vmem>>
    %dma_start3A_82 = tpu.memref_squeeze %dma_start3A_81 : memref<1x80x128xf32, #tpu.memory_space<vmem>> -> memref<80x128xf32, #tpu.memory_space<vmem>>
    %dma_start3A_83 = arith.constant 0 : i32
    %dma_start3A_84 = tpu.memref_slice %arg7[%rem3A_75, %rem3A_72, %dma_start3A_83] : memref<2x5x80xi32, #tpu.memory_space<vmem>> -> memref<1x1x80xi32, #tpu.memory_space<vmem>>
    %dma_start3A_85 = tpu.memref_squeeze %dma_start3A_84 : memref<1x1x80xi32, #tpu.memory_space<vmem>> -> memref<80xi32, #tpu.memory_space<vmem>>
    %dma_start3A_86 = arith.constant 0 : i32
    %dma_start3A_87 = arith.constant 0 : i32
    %dma_start3A_88 = tpu.memref_slice %arg4[%dma_start3A_86, %dma_start3A_87] : memref<10000x128xf32, #tpu.memory_space<hbm>> -> memref<10000x128xf32, #tpu.memory_space<hbm>>
    tpu.enqueue_indirect_dma source(%dma_start3A_88 : memref<10000x128xf32, #tpu.memory_space<hbm>>) target(%dma_start3A_82 : memref<80x128xf32, #tpu.memory_space<vmem>>) offsets(%dma_start3A_85 : memref<80xi32, #tpu.memory_space<vmem>>) semaphore(%arg11 : memref<!tpu.dma_semaphore, #tpu.memory_space<semaphore_mem>>)
    %rem3A_89 = arith.constant 1 : i32
    %rem3A_90 = arith.constant 5 : i32
    %rem3A_91 = arith.remsi %rem3A_89, %rem3A_90 : i32
    %rem3A_92 = arith.constant 0 : i32
    %rem3A_93 = arith.constant 2 : i32
    %rem3A_94 = arith.remsi %rem3A_92, %rem3A_93 : i32
    %rem3A_95 = arith.constant 1 : i32
    %rem3A_96 = arith.constant 4 : i32
    %rem3A_97 = arith.remsi %rem3A_95, %rem3A_96 : i32
    %dma_start3A_98 = arith.constant 0 : i32
    %dma_start3A_99 = arith.constant 0 : i32
    %dma_start3A_100 = tpu.memref_slice %arg9[%rem3A_97, %dma_start3A_98, %dma_start3A_99] : memref<4x80x128xf32, #tpu.memory_space<vmem>> -> memref<1x80x128xf32, #tpu.memory_space<vmem>>
    %dma_start3A_101 = tpu.memref_squeeze %dma_start3A_100 : memref<1x80x128xf32, #tpu.memory_space<vmem>> -> memref<80x128xf32, #tpu.memory_space<vmem>>
    %dma_start3A_102 = arith.constant 0 : i32
    %dma_start3A_103 = tpu.memref_slice %arg7[%rem3A_94, %rem3A_91, %dma_start3A_102] : memref<2x5x80xi32, #tpu.memory_space<vmem>> -> memref<1x1x80xi32, #tpu.memory_space<vmem>>
    %dma_start3A_104 = tpu.memref_squeeze %dma_start3A_103 : memref<1x1x80xi32, #tpu.memory_space<vmem>> -> memref<80xi32, #tpu.memory_space<vmem>>
    %dma_start3A_105 = arith.constant 0 : i32
    %dma_start3A_106 = arith.constant 0 : i32
    %dma_start3A_107 = tpu.memref_slice %arg4[%dma_start3A_105, %dma_start3A_106] : memref<10000x128xf32, #tpu.memory_space<hbm>> -> memref<10000x128xf32, #tpu.memory_space<hbm>>
    tpu.enqueue_indirect_dma source(%dma_start3A_107 : memref<10000x128xf32, #tpu.memory_space<hbm>>) target(%dma_start3A_101 : memref<80x128xf32, #tpu.memory_space<vmem>>) offsets(%dma_start3A_104 : memref<80xi32, #tpu.memory_space<vmem>>) semaphore(%arg11 : memref<!tpu.dma_semaphore, #tpu.memory_space<semaphore_mem>>)
    %rem3A_108 = arith.constant 2 : i32
    %rem3A_109 = arith.constant 5 : i32
    %rem3A_110 = arith.remsi %rem3A_108, %rem3A_109 : i32
    %rem3A_111 = arith.constant 0 : i32
    %rem3A_112 = arith.constant 2 : i32
    %rem3A_113 = arith.remsi %rem3A_111, %rem3A_112 : i32
    %rem3A_114 = arith.constant 2 : i32
    %rem3A_115 = arith.constant 4 : i32
    %rem3A_116 = arith.remsi %rem3A_114, %rem3A_115 : i32
    %dma_start3A_117 = arith.constant 0 : i32
    %dma_start3A_118 = arith.constant 0 : i32
    %dma_start3A_119 = tpu.memref_slice %arg9[%rem3A_116, %dma_start3A_117, %dma_start3A_118] : memref<4x80x128xf32, #tpu.memory_space<vmem>> -> memref<1x80x128xf32, #tpu.memory_space<vmem>>
    %dma_start3A_120 = tpu.memref_squeeze %dma_start3A_119 : memref<1x80x128xf32, #tpu.memory_space<vmem>> -> memref<80x128xf32, #tpu.memory_space<vmem>>
    %dma_start3A_121 = arith.constant 0 : i32
    %dma_start3A_122 = tpu.memref_slice %arg7[%rem3A_113, %rem3A_110, %dma_start3A_121] : memref<2x5x80xi32, #tpu.memory_space<vmem>> -> memref<1x1x80xi32, #tpu.memory_space<vmem>>
    %dma_start3A_123 = tpu.memref_squeeze %dma_start3A_122 : memref<1x1x80xi32, #tpu.memory_space<vmem>> -> memref<80xi32, #tpu.memory_space<vmem>>
    %dma_start3A_124 = arith.constant 0 : i32
    %dma_start3A_125 = arith.constant 0 : i32
    %dma_start3A_126 = tpu.memref_slice %arg4[%dma_start3A_124, %dma_start3A_125] : memref<10000x128xf32, #tpu.memory_space<hbm>> -> memref<10000x128xf32, #tpu.memory_space<hbm>>
    tpu.enqueue_indirect_dma source(%dma_start3A_126 : memref<10000x128xf32, #tpu.memory_space<hbm>>) target(%dma_start3A_120 : memref<80x128xf32, #tpu.memory_space<vmem>>) offsets(%dma_start3A_123 : memref<80xi32, #tpu.memory_space<vmem>>) semaphore(%arg11 : memref<!tpu.dma_semaphore, #tpu.memory_space<semaphore_mem>>)
    %mul3A_127 = arith.constant 632 : i32
    %mul3A_128 = arith.muli %arg1, %mul3A_127 : i32
    "tpu.region"() ({
      %run_scoped3A = tpu.sem_alloc : memref<!tpu.dma_semaphore, #tpu.memory_space<semaphore_mem>>
      %dma_start3A_215 = arith.constant 0 : i32
      %dma_start3A_216 = tpu.memref_slice %arg10[%mul3A_128, %dma_start3A_215] : memref<10112x128xf32, #tpu.memory_space<vmem_shared>> -> memref<632x128xf32, #tpu.memory_space<vmem_shared>>
      tpu.enqueue_dma source(%arg5 : memref<632x128xf32, #tpu.memory_space<hbm>>) target(%dma_start3A_216 : memref<632x128xf32, #tpu.memory_space<vmem_shared>>) target_semaphore(%run_scoped3A : memref<!tpu.dma_semaphore, #tpu.memory_space<semaphore_mem>>)
      %dma_wait3A_217 = arith.constant 0 : i32
      %dma_wait3A_218 = tpu.memref_slice %arg10[%mul3A_128, %dma_wait3A_217] : memref<10112x128xf32, #tpu.memory_space<vmem_shared>> -> memref<632x128xf32, #tpu.memory_space<vmem_shared>>
      tpu.wait_dma2 semaphore(%run_scoped3A : memref<!tpu.dma_semaphore, #tpu.memory_space<semaphore_mem>>) src(%arg5 : memref<632x128xf32, #tpu.memory_space<hbm>>) dst(%dma_wait3A_218 : memref<632x128xf32, #tpu.memory_space<vmem_shared>>)
      tpu.yield
    }) : () -> ()
    %barrier3A = arith.constant 0 : index
    tpu.barrier barrier_id(%barrier3A)
    %scan3A = arith.constant 0 : i32
    %scan3A_129 = arith.constant 0 : i32
    %scan3A_130 = arith.constant 125 : i32
    %scan3A_131 = arith.addi %scan3A_129, %scan3A_130 : i32
    %scan3A_132 = arith.constant 1 : i32
    scf.for %scan3A_215 = %scan3A_129 to %scan3A_131 step %scan3A_132  : i32 {
      %jit3A = arith.constant 5 : i32
      %div3A = arith.divsi %scan3A_215, %jit3A : i32
      %sign3A = arith.constant 0 : i32
      %sign3A_216 = arith.cmpi sgt, %scan3A_215, %sign3A : i32
      %sign3A_217 = arith.extui %sign3A_216 : i1 to i32
      %sign3A_218 = arith.constant 0 : i32
      %sign3A_219 = arith.cmpi slt, %scan3A_215, %sign3A_218 : i32
      %sign3A_220 = arith.extui %sign3A_219 : i1 to i32
      %sign3A_221 = arith.subi %sign3A_217, %sign3A_220 : i32
      %sign3A_222 = arith.constant 0 : i32
      %sign3A_223 = arith.cmpi sgt, %jit3A, %sign3A_222 : i32
      %sign3A_224 = arith.extui %sign3A_223 : i1 to i32
      %sign3A_225 = arith.constant 0 : i32
      %sign3A_226 = arith.cmpi slt, %jit3A, %sign3A_225 : i32
      %sign3A_227 = arith.extui %sign3A_226 : i1 to i32
      %sign3A_228 = arith.subi %sign3A_224, %sign3A_227 : i32
      %ne3A = arith.cmpi ne, %sign3A_221, %sign3A_228 : i32
      %rem3A_229 = arith.remsi %scan3A_215, %jit3A : i32
      %ne3A_230 = arith.constant 0 : i32
      %ne3A_231 = arith.cmpi ne, %rem3A_229, %ne3A_230 : i32
      %and3A = arith.andi %ne3A, %ne3A_231 : i1
      %sub3A = arith.constant 1 : i32
      %sub3A_232 = arith.subi %div3A, %sub3A : i32
      %select_n3A = arith.select %and3A, %sub3A_232, %div3A : i32
      %rem3A_233 = arith.constant 5 : i32
      %rem3A_234 = arith.remsi %scan3A_215, %rem3A_233 : i32
      %add3A_235 = arith.constant 3 : i32
      %add3A_236 = arith.addi %scan3A_215, %add3A_235 : i32
      %jit3A_237 = arith.constant 5 : i32
      %div3A_238 = arith.divsi %add3A_236, %jit3A_237 : i32
      %sign3A_239 = arith.constant 0 : i32
      %sign3A_240 = arith.cmpi sgt, %add3A_236, %sign3A_239 : i32
      %sign3A_241 = arith.extui %sign3A_240 : i1 to i32
      %sign3A_242 = arith.constant 0 : i32
      %sign3A_243 = arith.cmpi slt, %add3A_236, %sign3A_242 : i32
      %sign3A_244 = arith.extui %sign3A_243 : i1 to i32
      %sign3A_245 = arith.subi %sign3A_241, %sign3A_244 : i32
      %sign3A_246 = arith.constant 0 : i32
      %sign3A_247 = arith.cmpi sgt, %jit3A_237, %sign3A_246 : i32
      %sign3A_248 = arith.extui %sign3A_247 : i1 to i32
      %sign3A_249 = arith.constant 0 : i32
      %sign3A_250 = arith.cmpi slt, %jit3A_237, %sign3A_249 : i32
      %sign3A_251 = arith.extui %sign3A_250 : i1 to i32
      %sign3A_252 = arith.subi %sign3A_248, %sign3A_251 : i32
      %ne3A_253 = arith.cmpi ne, %sign3A_245, %sign3A_252 : i32
      %rem3A_254 = arith.remsi %add3A_236, %jit3A_237 : i32
      %ne3A_255 = arith.constant 0 : i32
      %ne3A_256 = arith.cmpi ne, %rem3A_254, %ne3A_255 : i32
      %and3A_257 = arith.andi %ne3A_253, %ne3A_256 : i1
      %sub3A_258 = arith.constant 1 : i32
      %sub3A_259 = arith.subi %div3A_238, %sub3A_258 : i32
      %select_n3A_260 = arith.select %and3A_257, %sub3A_259, %div3A_238 : i32
      %jit3A_261 = arith.constant 5 : i32
      %div3A_262 = arith.divsi %scan3A_215, %jit3A_261 : i32
      %sign3A_263 = arith.constant 0 : i32
      %sign3A_264 = arith.cmpi sgt, %scan3A_215, %sign3A_263 : i32
      %sign3A_265 = arith.extui %sign3A_264 : i1 to i32
      %sign3A_266 = arith.constant 0 : i32
      %sign3A_267 = arith.cmpi slt, %scan3A_215, %sign3A_266 : i32
      %sign3A_268 = arith.extui %sign3A_267 : i1 to i32
      %sign3A_269 = arith.subi %sign3A_265, %sign3A_268 : i32
      %sign3A_270 = arith.constant 0 : i32
      %sign3A_271 = arith.cmpi sgt, %jit3A_261, %sign3A_270 : i32
      %sign3A_272 = arith.extui %sign3A_271 : i1 to i32
      %sign3A_273 = arith.constant 0 : i32
      %sign3A_274 = arith.cmpi slt, %jit3A_261, %sign3A_273 : i32
      %sign3A_275 = arith.extui %sign3A_274 : i1 to i32
      %sign3A_276 = arith.subi %sign3A_272, %sign3A_275 : i32
      %ne3A_277 = arith.cmpi ne, %sign3A_269, %sign3A_276 : i32
      %rem3A_278 = arith.remsi %scan3A_215, %jit3A_261 : i32
      %ne3A_279 = arith.constant 0 : i32
      %ne3A_280 = arith.cmpi ne, %rem3A_278, %ne3A_279 : i32
      %and3A_281 = arith.andi %ne3A_277, %ne3A_280 : i1
      %sub3A_282 = arith.constant 1 : i32
      %sub3A_283 = arith.subi %div3A_262, %sub3A_282 : i32
      %select_n3A_284 = arith.select %and3A_281, %sub3A_283, %div3A_262 : i32
      %rem3A_285 = arith.constant 5 : i32
      %rem3A_286 = arith.remsi %scan3A_215, %rem3A_285 : i32
      %rem3A_287 = arith.constant 2 : i32
      %rem3A_288 = arith.remsi %select_n3A_284, %rem3A_287 : i32
      %rem3A_289 = arith.constant 4 : i32
      %rem3A_290 = arith.remsi %scan3A_215, %rem3A_289 : i32
      %dma_wait3A_291 = arith.constant 0 : i32
      %dma_wait3A_292 = arith.constant 0 : i32
      %dma_wait3A_293 = tpu.memref_slice %arg9[%rem3A_290, %dma_wait3A_291, %dma_wait3A_292] : memref<4x80x128xf32, #tpu.memory_space<vmem>> -> memref<1x80x128xf32, #tpu.memory_space<vmem>>
      %dma_wait3A_294 = tpu.memref_squeeze %dma_wait3A_293 : memref<1x80x128xf32, #tpu.memory_space<vmem>> -> memref<80x128xf32, #tpu.memory_space<vmem>>
      %dma_wait3A_295 = arith.constant 0 : i32
      %dma_wait3A_296 = tpu.memref_slice %arg7[%rem3A_288, %rem3A_286, %dma_wait3A_295] : memref<2x5x80xi32, #tpu.memory_space<vmem>> -> memref<1x1x80xi32, #tpu.memory_space<vmem>>
      %dma_wait3A_297 = tpu.memref_squeeze %dma_wait3A_296 : memref<1x1x80xi32, #tpu.memory_space<vmem>> -> memref<80xi32, #tpu.memory_space<vmem>>
      %dma_wait3A_298 = arith.constant 0 : i32
      %dma_wait3A_299 = arith.constant 0 : i32
      %dma_wait3A_300 = tpu.memref_slice %arg4[%dma_wait3A_298, %dma_wait3A_299] : memref<10000x128xf32, #tpu.memory_space<hbm>> -> memref<10000x128xf32, #tpu.memory_space<hbm>>
      tpu.wait_indirect_dma semaphore(%arg11 : memref<!tpu.dma_semaphore, #tpu.memory_space<semaphore_mem>>) src(%dma_wait3A_300 : memref<10000x128xf32, #tpu.memory_space<hbm>>) dst(%dma_wait3A_294 : memref<80x128xf32, #tpu.memory_space<vmem>>)
      %eq3A = arith.constant 0 : i32
      %eq3A_301 = arith.cmpi eq, %rem3A_234, %eq3A : i32
      %add3A_302 = arith.constant 1 : i32
      %add3A_303 = arith.addi %select_n3A, %add3A_302 : i32
      %lt3A = arith.constant 25 : i32
      %lt3A_304 = arith.cmpi slt, %add3A_303, %lt3A : i32
      %and3A_305 = arith.andi %eq3A_301, %lt3A_304 : i1
      %convert_element_type3A = arith.extui %and3A_305 : i1 to i32
      %cond3A = arith.constant 0 : i32
      %cond3A_306 = arith.cmpi ne, %convert_element_type3A, %cond3A : i32
      scf.if %cond3A_306 {
        %add3A_366 = arith.constant 1 : i32
        %add3A_367 = arith.addi %select_n3A, %add3A_366 : i32
        %add3A_368 = arith.constant 1 : i32
        %add3A_369 = arith.addi %select_n3A, %add3A_368 : i32
        %rem3A_370 = arith.constant 2 : i32
        %rem3A_371 = arith.remsi %add3A_369, %rem3A_370 : i32
        %dma_start3A_372 = arith.constant 0 : i32
        %dma_start3A_373 = arith.constant 0 : i32
        %dma_start3A_374 = tpu.memref_slice %arg7[%rem3A_371, %dma_start3A_372, %dma_start3A_373] : memref<2x5x80xi32, #tpu.memory_space<vmem>> -> memref<1x5x80xi32, #tpu.memory_space<vmem>>
        %dma_start3A_375 = tpu.memref_squeeze %dma_start3A_374 : memref<1x5x80xi32, #tpu.memory_space<vmem>> -> memref<5x80xi32, #tpu.memory_space<vmem>>
        %dma_start3A_376 = arith.constant 0 : i32
        %dma_start3A_377 = arith.constant 0 : i32
        %dma_start3A_378 = tpu.memref_slice %arg2[%add3A, %add3A_367, %dma_start3A_376, %dma_start3A_377] : memref<32x25x5x80xi32, #tpu.memory_space<hbm>> -> memref<1x1x5x80xi32, #tpu.memory_space<hbm>>
        %dma_start3A_379 = tpu.memref_squeeze %dma_start3A_378 : memref<1x1x5x80xi32, #tpu.memory_space<hbm>> -> memref<5x80xi32, #tpu.memory_space<hbm>>
        %dma_start3A_380 = arith.constant 0 : i32
        %dma_start3A_381 = arith.constant 0 : i32
        %dma_start3A_382 = tpu.memref_slice %arg7[%rem3A_371, %dma_start3A_380, %dma_start3A_381] : memref<2x5x80xi32, #tpu.memory_space<vmem>> -> memref<1x5x80xi32, #tpu.memory_space<vmem>>
        %dma_start3A_383 = tpu.memref_squeeze %dma_start3A_382 : memref<1x5x80xi32, #tpu.memory_space<vmem>> -> memref<5x80xi32, #tpu.memory_space<vmem>>
        %dma_start3A_384 = arith.constant 0 : i32
        %dma_start3A_385 = arith.constant 0 : i32
        %dma_start3A_386 = tpu.memref_slice %arg2[%add3A, %add3A_367, %dma_start3A_384, %dma_start3A_385] : memref<32x25x5x80xi32, #tpu.memory_space<hbm>> -> memref<1x1x5x80xi32, #tpu.memory_space<hbm>>
        %dma_start3A_387 = tpu.memref_squeeze %dma_start3A_386 : memref<1x1x5x80xi32, #tpu.memory_space<hbm>> -> memref<5x80xi32, #tpu.memory_space<hbm>>
        tpu.enqueue_dma source(%dma_start3A_387 : memref<5x80xi32, #tpu.memory_space<hbm>>) target(%dma_start3A_383 : memref<5x80xi32, #tpu.memory_space<vmem>>) target_semaphore(%arg13 : memref<!tpu.dma_semaphore, #tpu.memory_space<semaphore_mem>>)
        %dma_start3A_388 = arith.constant 0 : i32
        %dma_start3A_389 = arith.constant 0 : i32
        %dma_start3A_390 = tpu.memref_slice %arg8[%rem3A_371, %dma_start3A_388, %dma_start3A_389] : memref<2x5x80xi32, #tpu.memory_space<vmem>> -> memref<1x5x80xi32, #tpu.memory_space<vmem>>
        %dma_start3A_391 = tpu.memref_squeeze %dma_start3A_390 : memref<1x5x80xi32, #tpu.memory_space<vmem>> -> memref<5x80xi32, #tpu.memory_space<vmem>>
        %dma_start3A_392 = arith.constant 0 : i32
        %dma_start3A_393 = arith.constant 0 : i32
        %dma_start3A_394 = tpu.memref_slice %arg3[%add3A, %add3A_367, %dma_start3A_392, %dma_start3A_393] : memref<32x25x5x80xi32, #tpu.memory_space<hbm>> -> memref<1x1x5x80xi32, #tpu.memory_space<hbm>>
        %dma_start3A_395 = tpu.memref_squeeze %dma_start3A_394 : memref<1x1x5x80xi32, #tpu.memory_space<hbm>> -> memref<5x80xi32, #tpu.memory_space<hbm>>
        %dma_start3A_396 = arith.constant 0 : i32
        %dma_start3A_397 = arith.constant 0 : i32
        %dma_start3A_398 = tpu.memref_slice %arg8[%rem3A_371, %dma_start3A_396, %dma_start3A_397] : memref<2x5x80xi32, #tpu.memory_space<vmem>> -> memref<1x5x80xi32, #tpu.memory_space<vmem>>
        %dma_start3A_399 = tpu.memref_squeeze %dma_start3A_398 : memref<1x5x80xi32, #tpu.memory_space<vmem>> -> memref<5x80xi32, #tpu.memory_space<vmem>>
        %dma_start3A_400 = arith.constant 0 : i32
        %dma_start3A_401 = arith.constant 0 : i32
        %dma_start3A_402 = tpu.memref_slice %arg3[%add3A, %add3A_367, %dma_start3A_400, %dma_start3A_401] : memref<32x25x5x80xi32, #tpu.memory_space<hbm>> -> memref<1x1x5x80xi32, #tpu.memory_space<hbm>>
        %dma_start3A_403 = tpu.memref_squeeze %dma_start3A_402 : memref<1x1x5x80xi32, #tpu.memory_space<hbm>> -> memref<5x80xi32, #tpu.memory_space<hbm>>
        tpu.enqueue_dma source(%dma_start3A_403 : memref<5x80xi32, #tpu.memory_space<hbm>>) target(%dma_start3A_399 : memref<5x80xi32, #tpu.memory_space<vmem>>) target_semaphore(%arg13 : memref<!tpu.dma_semaphore, #tpu.memory_space<semaphore_mem>>)
      } else {
      }
      %jit3A_307 = arith.constant 5 : i32
      %div3A_308 = arith.divsi %scan3A_215, %jit3A_307 : i32
      %sign3A_309 = arith.constant 0 : i32
      %sign3A_310 = arith.cmpi sgt, %scan3A_215, %sign3A_309 : i32
      %sign3A_311 = arith.extui %sign3A_310 : i1 to i32
      %sign3A_312 = arith.constant 0 : i32
      %sign3A_313 = arith.cmpi slt, %scan3A_215, %sign3A_312 : i32
      %sign3A_314 = arith.extui %sign3A_313 : i1 to i32
      %sign3A_315 = arith.subi %sign3A_311, %sign3A_314 : i32
      %sign3A_316 = arith.constant 0 : i32
      %sign3A_317 = arith.cmpi sgt, %jit3A_307, %sign3A_316 : i32
      %sign3A_318 = arith.extui %sign3A_317 : i1 to i32
      %sign3A_319 = arith.constant 0 : i32
      %sign3A_320 = arith.cmpi slt, %jit3A_307, %sign3A_319 : i32
      %sign3A_321 = arith.extui %sign3A_320 : i1 to i32
      %sign3A_322 = arith.subi %sign3A_318, %sign3A_321 : i32
      %ne3A_323 = arith.cmpi ne, %sign3A_315, %sign3A_322 : i32
      %rem3A_324 = arith.remsi %scan3A_215, %jit3A_307 : i32
      %ne3A_325 = arith.constant 0 : i32
      %ne3A_326 = arith.cmpi ne, %rem3A_324, %ne3A_325 : i32
      %and3A_327 = arith.andi %ne3A_323, %ne3A_326 : i1
      %sub3A_328 = arith.constant 1 : i32
      %sub3A_329 = arith.subi %div3A_308, %sub3A_328 : i32
      %select_n3A_330 = arith.select %and3A_327, %sub3A_329, %div3A_308 : i32
      %rem3A_331 = arith.constant 5 : i32
      %rem3A_332 = arith.remsi %scan3A_215, %rem3A_331 : i32
      %rem3A_333 = arith.constant 2 : i32
      %rem3A_334 = arith.remsi %select_n3A_330, %rem3A_333 : i32
      %rem3A_335 = arith.constant 4 : i32
      %rem3A_336 = arith.remsi %scan3A_215, %rem3A_335 : i32
      %dma_start3A_337 = arith.constant 0 : i32
      %dma_start3A_338 = arith.constant 0 : i32
      %dma_start3A_339 = tpu.memref_slice %arg9[%rem3A_336, %dma_start3A_337, %dma_start3A_338] : memref<4x80x128xf32, #tpu.memory_space<vmem>> -> memref<1x80x128xf32, #tpu.memory_space<vmem>>
      %dma_start3A_340 = tpu.memref_squeeze %dma_start3A_339 : memref<1x80x128xf32, #tpu.memory_space<vmem>> -> memref<80x128xf32, #tpu.memory_space<vmem>>
      %dma_start3A_341 = arith.constant 0 : i32
      %dma_start3A_342 = tpu.memref_slice %arg8[%rem3A_334, %rem3A_332, %dma_start3A_341] : memref<2x5x80xi32, #tpu.memory_space<vmem>> -> memref<1x1x80xi32, #tpu.memory_space<vmem>>
      %dma_start3A_343 = tpu.memref_squeeze %dma_start3A_342 : memref<1x1x80xi32, #tpu.memory_space<vmem>> -> memref<80xi32, #tpu.memory_space<vmem>>
      %dma_start3A_344 = arith.constant 0 : i32
      %dma_start3A_345 = arith.constant 0 : i32
      %dma_start3A_346 = tpu.memref_slice %arg10[%dma_start3A_344, %dma_start3A_345] : memref<10112x128xf32, #tpu.memory_space<vmem_shared>> -> memref<10112x128xf32, #tpu.memory_space<vmem_shared>>
      tpu.enqueue_indirect_dma source(%dma_start3A_340 : memref<80x128xf32, #tpu.memory_space<vmem>>) target(%dma_start3A_346 : memref<10112x128xf32, #tpu.memory_space<vmem_shared>>) offsets(%dma_start3A_343 : memref<80xi32, #tpu.memory_space<vmem>>) semaphore(%arg12 : memref<!tpu.dma_semaphore, #tpu.memory_space<semaphore_mem>>) {add = true}
      %add3A_347 = arith.constant 3 : i32
      %add3A_348 = arith.addi %scan3A_215, %add3A_347 : i32
      %rem3A_349 = arith.constant 5 : i32
      %rem3A_350 = arith.remsi %add3A_348, %rem3A_349 : i32
      %eq3A_351 = arith.constant 0 : i32
      %eq3A_352 = arith.cmpi eq, %rem3A_350, %eq3A_351 : i32
      %lt3A_353 = arith.constant 25 : i32
      %lt3A_354 = arith.cmpi slt, %select_n3A_260, %lt3A_353 : i32
      %and3A_355 = arith.andi %eq3A_352, %lt3A_354 : i1
      %convert_element_type3A_356 = arith.extui %and3A_355 : i1 to i32
      %cond3A_357 = arith.constant 0 : i32
      %cond3A_358 = arith.cmpi ne, %convert_element_type3A_356, %cond3A_357 : i32
      scf.if %cond3A_358 {
        %rem3A_366 = arith.constant 2 : i32
        %rem3A_367 = arith.remsi %select_n3A_260, %rem3A_366 : i32
        %dma_wait3A_368 = arith.constant 0 : i32
        %dma_wait3A_369 = arith.constant 0 : i32
        %dma_wait3A_370 = tpu.memref_slice %arg7[%rem3A_367, %dma_wait3A_368, %dma_wait3A_369] : memref<2x5x80xi32, #tpu.memory_space<vmem>> -> memref<1x5x80xi32, #tpu.memory_space<vmem>>
        %dma_wait3A_371 = tpu.memref_squeeze %dma_wait3A_370 : memref<1x5x80xi32, #tpu.memory_space<vmem>> -> memref<5x80xi32, #tpu.memory_space<vmem>>
        %dma_wait3A_372 = arith.constant 0 : i32
        %dma_wait3A_373 = arith.constant 0 : i32
        %dma_wait3A_374 = tpu.memref_slice %arg2[%add3A, %select_n3A_260, %dma_wait3A_372, %dma_wait3A_373] : memref<32x25x5x80xi32, #tpu.memory_space<hbm>> -> memref<1x1x5x80xi32, #tpu.memory_space<hbm>>
        %dma_wait3A_375 = tpu.memref_squeeze %dma_wait3A_374 : memref<1x1x5x80xi32, #tpu.memory_space<hbm>> -> memref<5x80xi32, #tpu.memory_space<hbm>>
        %dma_wait3A_376 = arith.constant 0 : i32
        %dma_wait3A_377 = arith.constant 0 : i32
        %dma_wait3A_378 = tpu.memref_slice %arg7[%rem3A_367, %dma_wait3A_376, %dma_wait3A_377] : memref<2x5x80xi32, #tpu.memory_space<vmem>> -> memref<1x5x80xi32, #tpu.memory_space<vmem>>
        %dma_wait3A_379 = tpu.memref_squeeze %dma_wait3A_378 : memref<1x5x80xi32, #tpu.memory_space<vmem>> -> memref<5x80xi32, #tpu.memory_space<vmem>>
        %dma_wait3A_380 = arith.constant 0 : i32
        %dma_wait3A_381 = arith.constant 0 : i32
        %dma_wait3A_382 = tpu.memref_slice %arg2[%add3A, %select_n3A_260, %dma_wait3A_380, %dma_wait3A_381] : memref<32x25x5x80xi32, #tpu.memory_space<hbm>> -> memref<1x1x5x80xi32, #tpu.memory_space<hbm>>
        %dma_wait3A_383 = tpu.memref_squeeze %dma_wait3A_382 : memref<1x1x5x80xi32, #tpu.memory_space<hbm>> -> memref<5x80xi32, #tpu.memory_space<hbm>>
        tpu.wait_dma2 semaphore(%arg13 : memref<!tpu.dma_semaphore, #tpu.memory_space<semaphore_mem>>) src(%dma_wait3A_383 : memref<5x80xi32, #tpu.memory_space<hbm>>) dst(%dma_wait3A_379 : memref<5x80xi32, #tpu.memory_space<vmem>>)
        %dma_wait3A_384 = arith.constant 0 : i32
        %dma_wait3A_385 = arith.constant 0 : i32
        %dma_wait3A_386 = tpu.memref_slice %arg8[%rem3A_367, %dma_wait3A_384, %dma_wait3A_385] : memref<2x5x80xi32, #tpu.memory_space<vmem>> -> memref<1x5x80xi32, #tpu.memory_space<vmem>>
        %dma_wait3A_387 = tpu.memref_squeeze %dma_wait3A_386 : memref<1x5x80xi32, #tpu.memory_space<vmem>> -> memref<5x80xi32, #tpu.memory_space<vmem>>
        %dma_wait3A_388 = arith.constant 0 : i32
        %dma_wait3A_389 = arith.constant 0 : i32
        %dma_wait3A_390 = tpu.memref_slice %arg3[%add3A, %select_n3A_260, %dma_wait3A_388, %dma_wait3A_389] : memref<32x25x5x80xi32, #tpu.memory_space<hbm>> -> memref<1x1x5x80xi32, #tpu.memory_space<hbm>>
        %dma_wait3A_391 = tpu.memref_squeeze %dma_wait3A_390 : memref<1x1x5x80xi32, #tpu.memory_space<hbm>> -> memref<5x80xi32, #tpu.memory_space<hbm>>
        %dma_wait3A_392 = arith.constant 0 : i32
        %dma_wait3A_393 = arith.constant 0 : i32
        %dma_wait3A_394 = tpu.memref_slice %arg8[%rem3A_367, %dma_wait3A_392, %dma_wait3A_393] : memref<2x5x80xi32, #tpu.memory_space<vmem>> -> memref<1x5x80xi32, #tpu.memory_space<vmem>>
        %dma_wait3A_395 = tpu.memref_squeeze %dma_wait3A_394 : memref<1x5x80xi32, #tpu.memory_space<vmem>> -> memref<5x80xi32, #tpu.memory_space<vmem>>
        %dma_wait3A_396 = arith.constant 0 : i32
        %dma_wait3A_397 = arith.constant 0 : i32
        %dma_wait3A_398 = tpu.memref_slice %arg3[%add3A, %select_n3A_260, %dma_wait3A_396, %dma_wait3A_397] : memref<32x25x5x80xi32, #tpu.memory_space<hbm>> -> memref<1x1x5x80xi32, #tpu.memory_space<hbm>>
        %dma_wait3A_399 = tpu.memref_squeeze %dma_wait3A_398 : memref<1x1x5x80xi32, #tpu.memory_space<hbm>> -> memref<5x80xi32, #tpu.memory_space<hbm>>
        tpu.wait_dma2 semaphore(%arg13 : memref<!tpu.dma_semaphore, #tpu.memory_space<semaphore_mem>>) src(%dma_wait3A_399 : memref<5x80xi32, #tpu.memory_space<hbm>>) dst(%dma_wait3A_395 : memref<5x80xi32, #tpu.memory_space<vmem>>)
      } else {
      }
      %add3A_359 = arith.constant 3 : i32
      %add3A_360 = arith.addi %scan3A_215, %add3A_359 : i32
      %lt3A_361 = arith.constant 125 : i32
      %lt3A_362 = arith.cmpi slt, %add3A_360, %lt3A_361 : i32
      %convert_element_type3A_363 = arith.extui %lt3A_362 : i1 to i32
      %cond3A_364 = arith.constant 0 : i32
      %cond3A_365 = arith.cmpi ne, %convert_element_type3A_363, %cond3A_364 : i32
      scf.if %cond3A_365 {
        %ge3A = arith.constant 1 : i32
        %ge3A_366 = arith.cmpi sge, %scan3A_215, %ge3A : i32
        %convert_element_type3A_367 = arith.extui %ge3A_366 : i1 to i32
        %cond3A_368 = arith.constant 0 : i32
        %cond3A_369 = arith.cmpi ne, %convert_element_type3A_367, %cond3A_368 : i32
        scf.if %cond3A_369 {
          %sub3A_412 = arith.constant 1 : i32
          %sub3A_413 = arith.subi %scan3A_215, %sub3A_412 : i32
          %jit3A_414 = arith.constant 5 : i32
          %div3A_415 = arith.divsi %sub3A_413, %jit3A_414 : i32
          %sign3A_416 = arith.constant 0 : i32
          %sign3A_417 = arith.cmpi sgt, %sub3A_413, %sign3A_416 : i32
          %sign3A_418 = arith.extui %sign3A_417 : i1 to i32
          %sign3A_419 = arith.constant 0 : i32
          %sign3A_420 = arith.cmpi slt, %sub3A_413, %sign3A_419 : i32
          %sign3A_421 = arith.extui %sign3A_420 : i1 to i32
          %sign3A_422 = arith.subi %sign3A_418, %sign3A_421 : i32
          %sign3A_423 = arith.constant 0 : i32
          %sign3A_424 = arith.cmpi sgt, %jit3A_414, %sign3A_423 : i32
          %sign3A_425 = arith.extui %sign3A_424 : i1 to i32
          %sign3A_426 = arith.constant 0 : i32
          %sign3A_427 = arith.cmpi slt, %jit3A_414, %sign3A_426 : i32
          %sign3A_428 = arith.extui %sign3A_427 : i1 to i32
          %sign3A_429 = arith.subi %sign3A_425, %sign3A_428 : i32
          %ne3A_430 = arith.cmpi ne, %sign3A_422, %sign3A_429 : i32
          %rem3A_431 = arith.remsi %sub3A_413, %jit3A_414 : i32
          %ne3A_432 = arith.constant 0 : i32
          %ne3A_433 = arith.cmpi ne, %rem3A_431, %ne3A_432 : i32
          %and3A_434 = arith.andi %ne3A_430, %ne3A_433 : i1
          %sub3A_435 = arith.constant 1 : i32
          %sub3A_436 = arith.subi %div3A_415, %sub3A_435 : i32
          %select_n3A_437 = arith.select %and3A_434, %sub3A_436, %div3A_415 : i32
          %rem3A_438 = arith.constant 5 : i32
          %rem3A_439 = arith.remsi %sub3A_413, %rem3A_438 : i32
          %rem3A_440 = arith.constant 2 : i32
          %rem3A_441 = arith.remsi %select_n3A_437, %rem3A_440 : i32
          %rem3A_442 = arith.constant 4 : i32
          %rem3A_443 = arith.remsi %sub3A_413, %rem3A_442 : i32
          %dma_wait3A_444 = arith.constant 0 : i32
          %dma_wait3A_445 = arith.constant 0 : i32
          %dma_wait3A_446 = tpu.memref_slice %arg9[%rem3A_443, %dma_wait3A_444, %dma_wait3A_445] : memref<4x80x128xf32, #tpu.memory_space<vmem>> -> memref<1x80x128xf32, #tpu.memory_space<vmem>>
          %dma_wait3A_447 = tpu.memref_squeeze %dma_wait3A_446 : memref<1x80x128xf32, #tpu.memory_space<vmem>> -> memref<80x128xf32, #tpu.memory_space<vmem>>
          %dma_wait3A_448 = arith.constant 0 : i32
          %dma_wait3A_449 = tpu.memref_slice %arg8[%rem3A_441, %rem3A_439, %dma_wait3A_448] : memref<2x5x80xi32, #tpu.memory_space<vmem>> -> memref<1x1x80xi32, #tpu.memory_space<vmem>>
          %dma_wait3A_450 = tpu.memref_squeeze %dma_wait3A_449 : memref<1x1x80xi32, #tpu.memory_space<vmem>> -> memref<80xi32, #tpu.memory_space<vmem>>
          %dma_wait3A_451 = arith.constant 0 : i32
          %dma_wait3A_452 = arith.constant 0 : i32
          %dma_wait3A_453 = tpu.memref_slice %arg10[%dma_wait3A_451, %dma_wait3A_452] : memref<10112x128xf32, #tpu.memory_space<vmem_shared>> -> memref<10112x128xf32, #tpu.memory_space<vmem_shared>>
          tpu.wait_indirect_dma semaphore(%arg12 : memref<!tpu.dma_semaphore, #tpu.memory_space<semaphore_mem>>) src(%dma_wait3A_447 : memref<80x128xf32, #tpu.memory_space<vmem>>) dst(%dma_wait3A_453 : memref<10112x128xf32, #tpu.memory_space<vmem_shared>>)
        } else {
        }
        %add3A_370 = arith.constant 3 : i32
        %add3A_371 = arith.addi %scan3A_215, %add3A_370 : i32
        %jit3A_372 = arith.constant 5 : i32
        %div3A_373 = arith.divsi %add3A_371, %jit3A_372 : i32
        %sign3A_374 = arith.constant 0 : i32
        %sign3A_375 = arith.cmpi sgt, %add3A_371, %sign3A_374 : i32
        %sign3A_376 = arith.extui %sign3A_375 : i1 to i32
        %sign3A_377 = arith.constant 0 : i32
        %sign3A_378 = arith.cmpi slt, %add3A_371, %sign3A_377 : i32
        %sign3A_379 = arith.extui %sign3A_378 : i1 to i32
        %sign3A_380 = arith.subi %sign3A_376, %sign3A_379 : i32
        %sign3A_381 = arith.constant 0 : i32
        %sign3A_382 = arith.cmpi sgt, %jit3A_372, %sign3A_381 : i32
        %sign3A_383 = arith.extui %sign3A_382 : i1 to i32
        %sign3A_384 = arith.constant 0 : i32
        %sign3A_385 = arith.cmpi slt, %jit3A_372, %sign3A_384 : i32
        %sign3A_386 = arith.extui %sign3A_385 : i1 to i32
        %sign3A_387 = arith.subi %sign3A_383, %sign3A_386 : i32
        %ne3A_388 = arith.cmpi ne, %sign3A_380, %sign3A_387 : i32
        %rem3A_389 = arith.remsi %add3A_371, %jit3A_372 : i32
        %ne3A_390 = arith.constant 0 : i32
        %ne3A_391 = arith.cmpi ne, %rem3A_389, %ne3A_390 : i32
        %and3A_392 = arith.andi %ne3A_388, %ne3A_391 : i1
        %sub3A_393 = arith.constant 1 : i32
        %sub3A_394 = arith.subi %div3A_373, %sub3A_393 : i32
        %select_n3A_395 = arith.select %and3A_392, %sub3A_394, %div3A_373 : i32
        %rem3A_396 = arith.constant 5 : i32
        %rem3A_397 = arith.remsi %add3A_371, %rem3A_396 : i32
        %rem3A_398 = arith.constant 2 : i32
        %rem3A_399 = arith.remsi %select_n3A_395, %rem3A_398 : i32
        %rem3A_400 = arith.constant 4 : i32
        %rem3A_401 = arith.remsi %add3A_371, %rem3A_400 : i32
        %dma_start3A_402 = arith.constant 0 : i32
        %dma_start3A_403 = arith.constant 0 : i32
        %dma_start3A_404 = tpu.memref_slice %arg9[%rem3A_401, %dma_start3A_402, %dma_start3A_403] : memref<4x80x128xf32, #tpu.memory_space<vmem>> -> memref<1x80x128xf32, #tpu.memory_space<vmem>>
        %dma_start3A_405 = tpu.memref_squeeze %dma_start3A_404 : memref<1x80x128xf32, #tpu.memory_space<vmem>> -> memref<80x128xf32, #tpu.memory_space<vmem>>
        %dma_start3A_406 = arith.constant 0 : i32
        %dma_start3A_407 = tpu.memref_slice %arg7[%rem3A_399, %rem3A_397, %dma_start3A_406] : memref<2x5x80xi32, #tpu.memory_space<vmem>> -> memref<1x1x80xi32, #tpu.memory_space<vmem>>
        %dma_start3A_408 = tpu.memref_squeeze %dma_start3A_407 : memref<1x1x80xi32, #tpu.memory_space<vmem>> -> memref<80xi32, #tpu.memory_space<vmem>>
        %dma_start3A_409 = arith.constant 0 : i32
        %dma_start3A_410 = arith.constant 0 : i32
        %dma_start3A_411 = tpu.memref_slice %arg4[%dma_start3A_409, %dma_start3A_410] : memref<10000x128xf32, #tpu.memory_space<hbm>> -> memref<10000x128xf32, #tpu.memory_space<hbm>>
        tpu.enqueue_indirect_dma source(%dma_start3A_411 : memref<10000x128xf32, #tpu.memory_space<hbm>>) target(%dma_start3A_405 : memref<80x128xf32, #tpu.memory_space<vmem>>) offsets(%dma_start3A_408 : memref<80xi32, #tpu.memory_space<vmem>>) semaphore(%arg11 : memref<!tpu.dma_semaphore, #tpu.memory_space<semaphore_mem>>)
      } else {
      }
    }
    %scan3A_133 = arith.constant 125 : i32
    %rem3A_134 = arith.constant 121 : i32
    %rem3A_135 = arith.constant 5 : i32
    %rem3A_136 = arith.remsi %rem3A_134, %rem3A_135 : i32
    %rem3A_137 = arith.constant 24 : i32
    %rem3A_138 = arith.constant 2 : i32
    %rem3A_139 = arith.remsi %rem3A_137, %rem3A_138 : i32
    %rem3A_140 = arith.constant 121 : i32
    %rem3A_141 = arith.constant 4 : i32
    %rem3A_142 = arith.remsi %rem3A_140, %rem3A_141 : i32
    %dma_wait3A_143 = arith.constant 0 : i32
    %dma_wait3A_144 = arith.constant 0 : i32
    %dma_wait3A_145 = tpu.memref_slice %arg9[%rem3A_142, %dma_wait3A_143, %dma_wait3A_144] : memref<4x80x128xf32, #tpu.memory_space<vmem>> -> memref<1x80x128xf32, #tpu.memory_space<vmem>>
    %dma_wait3A_146 = tpu.memref_squeeze %dma_wait3A_145 : memref<1x80x128xf32, #tpu.memory_space<vmem>> -> memref<80x128xf32, #tpu.memory_space<vmem>>
    %dma_wait3A_147 = arith.constant 0 : i32
    %dma_wait3A_148 = tpu.memref_slice %arg8[%rem3A_139, %rem3A_136, %dma_wait3A_147] : memref<2x5x80xi32, #tpu.memory_space<vmem>> -> memref<1x1x80xi32, #tpu.memory_space<vmem>>
    %dma_wait3A_149 = tpu.memref_squeeze %dma_wait3A_148 : memref<1x1x80xi32, #tpu.memory_space<vmem>> -> memref<80xi32, #tpu.memory_space<vmem>>
    %dma_wait3A_150 = arith.constant 0 : i32
    %dma_wait3A_151 = arith.constant 0 : i32
    %dma_wait3A_152 = tpu.memref_slice %arg10[%dma_wait3A_150, %dma_wait3A_151] : memref<10112x128xf32, #tpu.memory_space<vmem_shared>> -> memref<10112x128xf32, #tpu.memory_space<vmem_shared>>
    tpu.wait_indirect_dma semaphore(%arg12 : memref<!tpu.dma_semaphore, #tpu.memory_space<semaphore_mem>>) src(%dma_wait3A_146 : memref<80x128xf32, #tpu.memory_space<vmem>>) dst(%dma_wait3A_152 : memref<10112x128xf32, #tpu.memory_space<vmem_shared>>)
    %rem3A_153 = arith.constant 122 : i32
    %rem3A_154 = arith.constant 5 : i32
    %rem3A_155 = arith.remsi %rem3A_153, %rem3A_154 : i32
    %rem3A_156 = arith.constant 24 : i32
    %rem3A_157 = arith.constant 2 : i32
    %rem3A_158 = arith.remsi %rem3A_156, %rem3A_157 : i32
    %rem3A_159 = arith.constant 122 : i32
    %rem3A_160 = arith.constant 4 : i32
    %rem3A_161 = arith.remsi %rem3A_159, %rem3A_160 : i32
    %dma_wait3A_162 = arith.constant 0 : i32
    %dma_wait3A_163 = arith.constant 0 : i32
    %dma_wait3A_164 = tpu.memref_slice %arg9[%rem3A_161, %dma_wait3A_162, %dma_wait3A_163] : memref<4x80x128xf32, #tpu.memory_space<vmem>> -> memref<1x80x128xf32, #tpu.memory_space<vmem>>
    %dma_wait3A_165 = tpu.memref_squeeze %dma_wait3A_164 : memref<1x80x128xf32, #tpu.memory_space<vmem>> -> memref<80x128xf32, #tpu.memory_space<vmem>>
    %dma_wait3A_166 = arith.constant 0 : i32
    %dma_wait3A_167 = tpu.memref_slice %arg8[%rem3A_158, %rem3A_155, %dma_wait3A_166] : memref<2x5x80xi32, #tpu.memory_space<vmem>> -> memref<1x1x80xi32, #tpu.memory_space<vmem>>
    %dma_wait3A_168 = tpu.memref_squeeze %dma_wait3A_167 : memref<1x1x80xi32, #tpu.memory_space<vmem>> -> memref<80xi32, #tpu.memory_space<vmem>>
    %dma_wait3A_169 = arith.constant 0 : i32
    %dma_wait3A_170 = arith.constant 0 : i32
    %dma_wait3A_171 = tpu.memref_slice %arg10[%dma_wait3A_169, %dma_wait3A_170] : memref<10112x128xf32, #tpu.memory_space<vmem_shared>> -> memref<10112x128xf32, #tpu.memory_space<vmem_shared>>
    tpu.wait_indirect_dma semaphore(%arg12 : memref<!tpu.dma_semaphore, #tpu.memory_space<semaphore_mem>>) src(%dma_wait3A_165 : memref<80x128xf32, #tpu.memory_space<vmem>>) dst(%dma_wait3A_171 : memref<10112x128xf32, #tpu.memory_space<vmem_shared>>)
    %rem3A_172 = arith.constant 123 : i32
    %rem3A_173 = arith.constant 5 : i32
    %rem3A_174 = arith.remsi %rem3A_172, %rem3A_173 : i32
    %rem3A_175 = arith.constant 24 : i32
    %rem3A_176 = arith.constant 2 : i32
    %rem3A_177 = arith.remsi %rem3A_175, %rem3A_176 : i32
    %rem3A_178 = arith.constant 123 : i32
    %rem3A_179 = arith.constant 4 : i32
    %rem3A_180 = arith.remsi %rem3A_178, %rem3A_179 : i32
    %dma_wait3A_181 = arith.constant 0 : i32
    %dma_wait3A_182 = arith.constant 0 : i32
    %dma_wait3A_183 = tpu.memref_slice %arg9[%rem3A_180, %dma_wait3A_181, %dma_wait3A_182] : memref<4x80x128xf32, #tpu.memory_space<vmem>> -> memref<1x80x128xf32, #tpu.memory_space<vmem>>
    %dma_wait3A_184 = tpu.memref_squeeze %dma_wait3A_183 : memref<1x80x128xf32, #tpu.memory_space<vmem>> -> memref<80x128xf32, #tpu.memory_space<vmem>>
    %dma_wait3A_185 = arith.constant 0 : i32
    %dma_wait3A_186 = tpu.memref_slice %arg8[%rem3A_177, %rem3A_174, %dma_wait3A_185] : memref<2x5x80xi32, #tpu.memory_space<vmem>> -> memref<1x1x80xi32, #tpu.memory_space<vmem>>
    %dma_wait3A_187 = tpu.memref_squeeze %dma_wait3A_186 : memref<1x1x80xi32, #tpu.memory_space<vmem>> -> memref<80xi32, #tpu.memory_space<vmem>>
    %dma_wait3A_188 = arith.constant 0 : i32
    %dma_wait3A_189 = arith.constant 0 : i32
    %dma_wait3A_190 = tpu.memref_slice %arg10[%dma_wait3A_188, %dma_wait3A_189] : memref<10112x128xf32, #tpu.memory_space<vmem_shared>> -> memref<10112x128xf32, #tpu.memory_space<vmem_shared>>
    tpu.wait_indirect_dma semaphore(%arg12 : memref<!tpu.dma_semaphore, #tpu.memory_space<semaphore_mem>>) src(%dma_wait3A_184 : memref<80x128xf32, #tpu.memory_space<vmem>>) dst(%dma_wait3A_190 : memref<10112x128xf32, #tpu.memory_space<vmem_shared>>)
    %rem3A_191 = arith.constant 124 : i32
    %rem3A_192 = arith.constant 5 : i32
    %rem3A_193 = arith.remsi %rem3A_191, %rem3A_192 : i32
    %rem3A_194 = arith.constant 24 : i32
    %rem3A_195 = arith.constant 2 : i32
    %rem3A_196 = arith.remsi %rem3A_194, %rem3A_195 : i32
    %rem3A_197 = arith.constant 124 : i32
    %rem3A_198 = arith.constant 4 : i32
    %rem3A_199 = arith.remsi %rem3A_197, %rem3A_198 : i32
    %dma_wait3A_200 = arith.constant 0 : i32
    %dma_wait3A_201 = arith.constant 0 : i32
    %dma_wait3A_202 = tpu.memref_slice %arg9[%rem3A_199, %dma_wait3A_200, %dma_wait3A_201] : memref<4x80x128xf32, #tpu.memory_space<vmem>> -> memref<1x80x128xf32, #tpu.memory_space<vmem>>
    %dma_wait3A_203 = tpu.memref_squeeze %dma_wait3A_202 : memref<1x80x128xf32, #tpu.memory_space<vmem>> -> memref<80x128xf32, #tpu.memory_space<vmem>>
    %dma_wait3A_204 = arith.constant 0 : i32
    %dma_wait3A_205 = tpu.memref_slice %arg8[%rem3A_196, %rem3A_193, %dma_wait3A_204] : memref<2x5x80xi32, #tpu.memory_space<vmem>> -> memref<1x1x80xi32, #tpu.memory_space<vmem>>
    %dma_wait3A_206 = tpu.memref_squeeze %dma_wait3A_205 : memref<1x1x80xi32, #tpu.memory_space<vmem>> -> memref<80xi32, #tpu.memory_space<vmem>>
    %dma_wait3A_207 = arith.constant 0 : i32
    %dma_wait3A_208 = arith.constant 0 : i32
    %dma_wait3A_209 = tpu.memref_slice %arg10[%dma_wait3A_207, %dma_wait3A_208] : memref<10112x128xf32, #tpu.memory_space<vmem_shared>> -> memref<10112x128xf32, #tpu.memory_space<vmem_shared>>
    tpu.wait_indirect_dma semaphore(%arg12 : memref<!tpu.dma_semaphore, #tpu.memory_space<semaphore_mem>>) src(%dma_wait3A_203 : memref<80x128xf32, #tpu.memory_space<vmem>>) dst(%dma_wait3A_209 : memref<10112x128xf32, #tpu.memory_space<vmem_shared>>)
    %barrier3A_210 = arith.constant 0 : index
    tpu.barrier barrier_id(%barrier3A_210)
    %mul3A_211 = arith.constant 632 : i32
    %mul3A_212 = arith.muli %arg1, %mul3A_211 : i32
    %mul3A_213 = arith.constant 632 : i32
    %mul3A_214 = arith.muli %arg1, %mul3A_213 : i32
    "tpu.region"() ({
      %run_scoped3A = tpu.sem_alloc : memref<!tpu.dma_semaphore, #tpu.memory_space<semaphore_mem>>
      %dma_start3A_215 = arith.constant 0 : i32
      %dma_start3A_216 = tpu.memref_slice %arg6[%arg0, %mul3A_214, %dma_start3A_215] : memref<2x10112x128xf32, #tpu.memory_space<hbm>> -> memref<1x632x128xf32, #tpu.memory_space<hbm>>
      %dma_start3A_217 = tpu.memref_squeeze %dma_start3A_216 : memref<1x632x128xf32, #tpu.memory_space<hbm>> -> memref<632x128xf32, #tpu.memory_space<hbm>>
      %dma_start3A_218 = arith.constant 0 : i32
      %dma_start3A_219 = tpu.memref_slice %arg10[%mul3A_212, %dma_start3A_218] : memref<10112x128xf32, #tpu.memory_space<vmem_shared>> -> memref<632x128xf32, #tpu.memory_space<vmem_shared>>
      tpu.enqueue_dma source(%dma_start3A_219 : memref<632x128xf32, #tpu.memory_space<vmem_shared>>) target(%dma_start3A_217 : memref<632x128xf32, #tpu.memory_space<hbm>>) target_semaphore(%run_scoped3A : memref<!tpu.dma_semaphore, #tpu.memory_space<semaphore_mem>>)
      %dma_wait3A_220 = arith.constant 0 : i32
      %dma_wait3A_221 = tpu.memref_slice %arg6[%arg0, %mul3A_214, %dma_wait3A_220] : memref<2x10112x128xf32, #tpu.memory_space<hbm>> -> memref<1x632x128xf32, #tpu.memory_space<hbm>>
      %dma_wait3A_222 = tpu.memref_squeeze %dma_wait3A_221 : memref<1x632x128xf32, #tpu.memory_space<hbm>> -> memref<632x128xf32, #tpu.memory_space<hbm>>
      %dma_wait3A_223 = arith.constant 0 : i32
      %dma_wait3A_224 = tpu.memref_slice %arg10[%mul3A_212, %dma_wait3A_223] : memref<10112x128xf32, #tpu.memory_space<vmem_shared>> -> memref<632x128xf32, #tpu.memory_space<vmem_shared>>
      tpu.wait_dma2 semaphore(%run_scoped3A : memref<!tpu.dma_semaphore, #tpu.memory_space<semaphore_mem>>) src(%dma_wait3A_224 : memref<632x128xf32, #tpu.memory_space<vmem_shared>>) dst(%dma_wait3A_222 : memref<632x128xf32, #tpu.memory_space<hbm>>)
      tpu.yield
    }) : () -> ()
    return
  }
}

module attributes {stable_mosaic.version = 14 : i64} {
  func.func @body(%arg0: i32, %arg1: memref<1000x128xf32, #tpu.memory_space<vmem>>, %arg2: memref<1000x1xf32, #tpu.memory_space<vmem>>, %arg3: memref<1000x128xf32, #tpu.memory_space<vmem>>) attributes {dimension_semantics = [#tpu.dimension_semantics<arbitrary>], iteration_bounds = array<i64: 10>, scalar_prefetch = 0 : i64, scratch_operands = 0 : i64, tpu.core_type = #tpu.core_type<tc>, window_params = [{transform_indices = @transform_0, window_bounds = array<i64: 1000, 128>}, {transform_indices = @transform_1, window_bounds = array<i64: 1000, 1>}, {transform_indices = @transform_2, window_bounds = array<i64: 1000, 128>}]} {
    %get3A = arith.constant 0 : index
    %get3A_0 = arith.constant 0 : index
    %get3A_1 = vector.load %arg2[%get3A, %get3A_0] : memref<1000x1xf32, #tpu.memory_space<vmem>>, vector<1000x1xf32>
    %add3A = arith.constant 1.000000e+00 : f32
    %add3A_2 = vector.broadcast %add3A : f32 to vector<1000x1xf32>
    %add3A_3 = arith.addf %get3A_1, %add3A_2 : vector<1000x1xf32>
    %rsqrt3A = math.rsqrt %add3A_3 : vector<1000x1xf32>
    %get3A_4 = arith.constant 0 : index
    %get3A_5 = arith.constant 0 : index
    %get3A_6 = vector.load %arg1[%get3A_4, %get3A_5] : memref<1000x128xf32, #tpu.memory_space<vmem>>, vector<1000x128xf32>
    %mul3A = vector.broadcast %rsqrt3A : vector<1000x1xf32> to vector<1000x128xf32>
    %mul3A_7 = arith.mulf %get3A_6, %mul3A : vector<1000x128xf32>
    %swap3A = arith.constant 0 : index
    %swap3A_8 = arith.constant 0 : index
    %swap3A_9 = vector.load %arg3[%swap3A, %swap3A_8] : memref<1000x128xf32, #tpu.memory_space<vmem>>, vector<1000x128xf32>
    tpu.vector_store %arg3[%swap3A, %swap3A_8], %mul3A_7 {strides = array<i32>} : memref<1000x128xf32, #tpu.memory_space<vmem>>, vector<1000x128xf32>,
    return
  }
  func.func @transform_0(%arg0: i32) -> (i32, i32) {
    %c0_i32 = arith.constant 0 : i32
    %c0_i32_0 = arith.constant 0 : i32
    return %arg0, %c0_i32 : i32, i32
  }
  func.func @transform_1(%arg0: i32) -> (i32, i32) {
    %c0_i32 = arith.constant 0 : i32
    %c0_i32_0 = arith.constant 0 : i32
    return %arg0, %c0_i32 : i32, i32
  }
  func.func @transform_2(%arg0: i32) -> (i32, i32) {
    %c0_i32 = arith.constant 0 : i32
    %c0_i32_0 = arith.constant 0 : i32
    return %arg0, %c0_i32 : i32, i32
  }
}

module attributes {stable_mosaic.version = 14 : i64} {
  func.func @body(%arg0: i32, %arg1: memref<2x1000x128xf32, #tpu.memory_space<vmem>>, %arg2: memref<1000x128xf32, #tpu.memory_space<vmem>>, %arg3: memref<1000x1xf32, #tpu.memory_space<vmem>>, %arg4: memref<128x128xf32, #tpu.memory_space<vmem>>, %arg5: memref<1x128xf32, #tpu.memory_space<vmem>>, %arg6: memref<1000x128xf32, #tpu.memory_space<vmem>>) attributes {dimension_semantics = [#tpu.dimension_semantics<arbitrary>], iteration_bounds = array<i64: 10>, scalar_prefetch = 0 : i64, scratch_operands = 0 : i64, tpu.core_type = #tpu.core_type<tc>, window_params = [{transform_indices = @transform_0, window_bounds = array<i64: 2, 1000, 128>}, {transform_indices = @transform_1, window_bounds = array<i64: 1000, 128>}, {transform_indices = @transform_2, window_bounds = array<i64: 1000, 1>}, {pipeline_mode = #tpu.pipeline_mode<synchronous>, transform_indices = @transform_3, window_bounds = array<i64: 128, 128>}, {pipeline_mode = #tpu.pipeline_mode<synchronous>, transform_indices = @transform_4, window_bounds = array<i64: 1, 128>}, {transform_indices = @transform_5, window_bounds = array<i64: 1000, 128>}]} {
    %get3A = arith.constant 0 : index
    %get3A_0 = arith.constant 0 : index
    %get3A_1 = vector.load %arg3[%get3A, %get3A_0] : memref<1000x1xf32, #tpu.memory_space<vmem>>, vector<1000x1xf32>
    %add3A = arith.constant 1.000000e+00 : f32
    %add3A_2 = vector.broadcast %add3A : f32 to vector<1000x1xf32>
    %add3A_3 = arith.addf %get3A_1, %add3A_2 : vector<1000x1xf32>
    %rsqrt3A = math.rsqrt %add3A_3 : vector<1000x1xf32>
    %get3A_4 = arith.constant 0 : index
    %get3A_5 = arith.constant 0 : index
    %get3A_6 = vector.load %arg2[%get3A_4, %get3A_5] : memref<1000x128xf32, #tpu.memory_space<vmem>>, vector<1000x128xf32>
    %mul3A = vector.broadcast %rsqrt3A : vector<1000x1xf32> to vector<1000x128xf32>
    %mul3A_7 = arith.mulf %get3A_6, %mul3A : vector<1000x128xf32>
    %get3A_8 = arith.constant 0 : index
    %get3A_9 = arith.constant 0 : index
    %get3A_10 = arith.constant 0 : index
    %get3A_11 = vector.load %arg1[%get3A_8, %get3A_9, %get3A_10] : memref<2x1000x128xf32, #tpu.memory_space<vmem>>, vector<1x1000x128xf32>
    %get3A_12 = vector.shape_cast %get3A_11 : vector<1x1000x128xf32> to vector<1000x128xf32>
    %get3A_13 = arith.constant 1 : index
    %get3A_14 = arith.constant 0 : index
    %get3A_15 = arith.constant 0 : index
    %get3A_16 = vector.load %arg1[%get3A_13, %get3A_14, %get3A_15] : memref<2x1000x128xf32, #tpu.memory_space<vmem>>, vector<1x1000x128xf32>
    %get3A_17 = vector.shape_cast %get3A_16 : vector<1x1000x128xf32> to vector<1000x128xf32>
    %add3A_18 = arith.addf %get3A_12, %get3A_17 : vector<1000x128xf32>
    %add3A_19 = arith.addf %add3A_18, %mul3A_7 : vector<1000x128xf32>
    %mul3A_20 = vector.broadcast %rsqrt3A : vector<1000x1xf32> to vector<1000x128xf32>
    %mul3A_21 = arith.mulf %add3A_19, %mul3A_20 : vector<1000x128xf32>
    %get3A_22 = arith.constant 0 : index
    %get3A_23 = arith.constant 0 : index
    %get3A_24 = vector.load %arg4[%get3A_22, %get3A_23] : memref<128x128xf32, #tpu.memory_space<vmem>>, vector<128x128xf32>
    %dot_general3A = arith.constant dense<0.000000e+00> : vector<1000x128xf32>
    %dot_general3A_25 = tpu.matmul %mul3A_21, %get3A_24, %dot_general3A {dimension_numbers = #tpu.dot_dimension_numbers<[1], [0], [0], [1], [0, 0, 1, 1], [], []>, transpose_lhs_hint = false} : vector<1000x128xf32>, vector<128x128xf32>, vector<1000x128xf32> -> vector<1000x128xf32>
    %get3A_26 = arith.constant 0 : index
    %get3A_27 = arith.constant 0 : index
    %get3A_28 = vector.load %arg5[%get3A_26, %get3A_27] : memref<1x128xf32, #tpu.memory_space<vmem>>, vector<1x128xf32>
    %add3A_29 = vector.broadcast %get3A_28 : vector<1x128xf32> to vector<1000x128xf32>
    %add3A_30 = arith.addf %dot_general3A_25, %add3A_29 : vector<1000x128xf32>
    %gt3A = arith.constant 0.000000e+00 : f32
    %gt3A_31 = vector.broadcast %gt3A : f32 to vector<1000x128xf32>
    %gt3A_32 = arith.cmpf ogt, %add3A_30, %gt3A_31 : vector<1000x128xf32>
    %min3A = arith.constant 0.000000e+00 : f32
    %min3A_33 = vector.broadcast %min3A : f32 to vector<1000x128xf32>
    %min3A_34 = arith.minimumf %add3A_30, %min3A_33 : vector<1000x128xf32>
    %exp3A = math.exp %min3A_34 : vector<1000x128xf32>
    %sub3A = arith.constant 1.000000e+00 : f32
    %sub3A_35 = vector.broadcast %sub3A : f32 to vector<1000x128xf32>
    %sub3A_36 = arith.subf %exp3A, %sub3A_35 : vector<1000x128xf32>
    %select_n3A = arith.select %gt3A_32, %add3A_30, %sub3A_36 : vector<1000x128xi1>, vector<1000x128xf32>
    %mul3A_37 = vector.broadcast %rsqrt3A : vector<1000x1xf32> to vector<1000x128xf32>
    %mul3A_38 = arith.mulf %select_n3A, %mul3A_37 : vector<1000x128xf32>
    %swap3A = arith.constant 0 : index
    %swap3A_39 = arith.constant 0 : index
    %swap3A_40 = vector.load %arg6[%swap3A, %swap3A_39] : memref<1000x128xf32, #tpu.memory_space<vmem>>, vector<1000x128xf32>
    tpu.vector_store %arg6[%swap3A, %swap3A_39], %mul3A_38 {strides = array<i32>} : memref<1000x128xf32, #tpu.memory_space<vmem>>, vector<1000x128xf32>,
    return
  }
  func.func @transform_0(%arg0: i32) -> (i32, i32, i32) {
    %c0_i32 = arith.constant 0 : i32
    %c0_i32_0 = arith.constant 0 : i32
    %c0_i32_1 = arith.constant 0 : i32
    return %c0_i32, %arg0, %c0_i32_0 : i32, i32, i32
  }
  func.func @transform_1(%arg0: i32) -> (i32, i32) {
    %c0_i32 = arith.constant 0 : i32
    %c0_i32_0 = arith.constant 0 : i32
    return %arg0, %c0_i32 : i32, i32
  }
  func.func @transform_2(%arg0: i32) -> (i32, i32) {
    %c0_i32 = arith.constant 0 : i32
    %c0_i32_0 = arith.constant 0 : i32
    return %arg0, %c0_i32 : i32, i32
  }
  func.func @transform_3(%arg0: i32) -> (i32, i32) {
    %c0_i32 = arith.constant 0 : i32
    %c0_i32_0 = arith.constant 0 : i32
    %c0_i32_1 = arith.constant 0 : i32
    return %c0_i32, %c0_i32_0 : i32, i32
  }
  func.func @transform_4(%arg0: i32) -> (i32, i32) {
    %c0_i32 = arith.constant 0 : i32
    %c0_i32_0 = arith.constant 0 : i32
    %c0_i32_1 = arith.constant 0 : i32
    return %c0_i32, %c0_i32_0 : i32, i32
  }
  func.func @transform_5(%arg0: i32) -> (i32, i32) {
    %c0_i32 = arith.constant 0 : i32
    %c0_i32_0 = arith.constant 0 : i32
    return %arg0, %c0_i32 : i32, i32
  }
}

module attributes {stable_mosaic.version = 14 : i64} {
  func.func @body(%arg0: i32, %arg1: memref<2x1000x128xf32, #tpu.memory_space<vmem>>, %arg2: memref<2x1000x128xf32, #tpu.memory_space<vmem>>, %arg3: memref<1000x128xf32, #tpu.memory_space<vmem>>, %arg4: memref<1000x128xf32, #tpu.memory_space<vmem>>, %arg5: memref<1000x1xf32, #tpu.memory_space<vmem>>, %arg6: memref<2x128x128xf32, #tpu.memory_space<vmem>>, %arg7: memref<1x128xf32, #tpu.memory_space<vmem>>, %arg8: memref<2x128x128xf32, #tpu.memory_space<vmem>>, %arg9: memref<1x128xf32, #tpu.memory_space<vmem>>, %arg10: memref<1000x128xf32, #tpu.memory_space<vmem>>, %arg11: memref<1000x128xf32, #tpu.memory_space<vmem>>) attributes {dimension_semantics = [#tpu.dimension_semantics<arbitrary>], iteration_bounds = array<i64: 10>, scalar_prefetch = 0 : i64, scratch_operands = 0 : i64, tpu.core_type = #tpu.core_type<tc>, window_params = [{transform_indices = @transform_0, window_bounds = array<i64: 2, 1000, 128>}, {transform_indices = @transform_1, window_bounds = array<i64: 2, 1000, 128>}, {transform_indices = @transform_2, window_bounds = array<i64: 1000, 128>}, {transform_indices = @transform_3, window_bounds = array<i64: 1000, 128>}, {transform_indices = @transform_4, window_bounds = array<i64: 1000, 1>}, {pipeline_mode = #tpu.pipeline_mode<synchronous>, transform_indices = @transform_5, window_bounds = array<i64: 2, 128, 128>}, {pipeline_mode = #tpu.pipeline_mode<synchronous>, transform_indices = @transform_6, window_bounds = array<i64: 1, 128>}, {pipeline_mode = #tpu.pipeline_mode<synchronous>, transform_indices = @transform_7, window_bounds = array<i64: 2, 128, 128>}, {pipeline_mode = #tpu.pipeline_mode<synchronous>, transform_indices = @transform_8, window_bounds = array<i64: 1, 128>}, {transform_indices = @transform_9, window_bounds = array<i64: 1000, 128>}, {transform_indices = @transform_10, window_bounds = array<i64: 1000, 128>}]} {
    %get3A = arith.constant 0 : index
    %get3A_0 = arith.constant 0 : index
    %get3A_1 = vector.load %arg5[%get3A, %get3A_0] : memref<1000x1xf32, #tpu.memory_space<vmem>>, vector<1000x1xf32>
    %add3A = arith.constant 1.000000e+00 : f32
    %add3A_2 = vector.broadcast %add3A : f32 to vector<1000x1xf32>
    %add3A_3 = arith.addf %get3A_1, %add3A_2 : vector<1000x1xf32>
    %rsqrt3A = math.rsqrt %add3A_3 : vector<1000x1xf32>
    %get3A_4 = arith.constant 0 : index
    %get3A_5 = arith.constant 0 : index
    %get3A_6 = arith.constant 0 : index
    %get3A_7 = vector.load %arg1[%get3A_4, %get3A_5, %get3A_6] : memref<2x1000x128xf32, #tpu.memory_space<vmem>>, vector<1x1000x128xf32>
    %get3A_8 = vector.shape_cast %get3A_7 : vector<1x1000x128xf32> to vector<1000x128xf32>
    %get3A_9 = arith.constant 1 : index
    %get3A_10 = arith.constant 0 : index
    %get3A_11 = arith.constant 0 : index
    %get3A_12 = vector.load %arg1[%get3A_9, %get3A_10, %get3A_11] : memref<2x1000x128xf32, #tpu.memory_space<vmem>>, vector<1x1000x128xf32>
    %get3A_13 = vector.shape_cast %get3A_12 : vector<1x1000x128xf32> to vector<1000x128xf32>
    %add3A_14 = arith.addf %get3A_8, %get3A_13 : vector<1000x128xf32>
    %get3A_15 = arith.constant 0 : index
    %get3A_16 = arith.constant 0 : index
    %get3A_17 = vector.load %arg3[%get3A_15, %get3A_16] : memref<1000x128xf32, #tpu.memory_space<vmem>>, vector<1000x128xf32>
    %add3A_18 = arith.addf %add3A_14, %get3A_17 : vector<1000x128xf32>
    %mul3A = vector.broadcast %rsqrt3A : vector<1000x1xf32> to vector<1000x128xf32>
    %mul3A_19 = arith.mulf %add3A_18, %mul3A : vector<1000x128xf32>
    %get3A_20 = arith.constant 0 : index
    %get3A_21 = arith.constant 0 : index
    %get3A_22 = arith.constant 0 : index
    %get3A_23 = vector.load %arg2[%get3A_20, %get3A_21, %get3A_22] : memref<2x1000x128xf32, #tpu.memory_space<vmem>>, vector<1x1000x128xf32>
    %get3A_24 = vector.shape_cast %get3A_23 : vector<1x1000x128xf32> to vector<1000x128xf32>
    %get3A_25 = arith.constant 1 : index
    %get3A_26 = arith.constant 0 : index
    %get3A_27 = arith.constant 0 : index
    %get3A_28 = vector.load %arg2[%get3A_25, %get3A_26, %get3A_27] : memref<2x1000x128xf32, #tpu.memory_space<vmem>>, vector<1x1000x128xf32>
    %get3A_29 = vector.shape_cast %get3A_28 : vector<1x1000x128xf32> to vector<1000x128xf32>
    %add3A_30 = arith.addf %get3A_24, %get3A_29 : vector<1000x128xf32>
    %get3A_31 = arith.constant 0 : index
    %get3A_32 = arith.constant 0 : index
    %get3A_33 = vector.load %arg4[%get3A_31, %get3A_32] : memref<1000x128xf32, #tpu.memory_space<vmem>>, vector<1000x128xf32>
    %add3A_34 = arith.addf %add3A_30, %get3A_33 : vector<1000x128xf32>
    %mul3A_35 = vector.broadcast %rsqrt3A : vector<1000x1xf32> to vector<1000x128xf32>
    %mul3A_36 = arith.mulf %add3A_34, %mul3A_35 : vector<1000x128xf32>
    %get3A_37 = arith.constant 0 : index
    %get3A_38 = arith.constant 0 : index
    %get3A_39 = arith.constant 0 : index
    %get3A_40 = vector.load %arg6[%get3A_37, %get3A_38, %get3A_39] : memref<2x128x128xf32, #tpu.memory_space<vmem>>, vector<1x128x128xf32>
    %get3A_41 = vector.shape_cast %get3A_40 : vector<1x128x128xf32> to vector<128x128xf32>
    %dot_general3A = arith.constant dense<0.000000e+00> : vector<1000x128xf32>
    %dot_general3A_42 = tpu.matmul %mul3A_19, %get3A_41, %dot_general3A {dimension_numbers = #tpu.dot_dimension_numbers<[1], [0], [0], [1], [0, 0, 1, 1], [], []>, transpose_lhs_hint = false} : vector<1000x128xf32>, vector<128x128xf32>, vector<1000x128xf32> -> vector<1000x128xf32>
    %get3A_43 = arith.constant 1 : index
    %get3A_44 = arith.constant 0 : index
    %get3A_45 = arith.constant 0 : index
    %get3A_46 = vector.load %arg6[%get3A_43, %get3A_44, %get3A_45] : memref<2x128x128xf32, #tpu.memory_space<vmem>>, vector<1x128x128xf32>
    %get3A_47 = vector.shape_cast %get3A_46 : vector<1x128x128xf32> to vector<128x128xf32>
    %dot_general3A_48 = arith.constant dense<0.000000e+00> : vector<1000x128xf32>
    %dot_general3A_49 = tpu.matmul %mul3A_36, %get3A_47, %dot_general3A_48 {dimension_numbers = #tpu.dot_dimension_numbers<[1], [0], [0], [1], [0, 0, 1, 1], [], []>, transpose_lhs_hint = false} : vector<1000x128xf32>, vector<128x128xf32>, vector<1000x128xf32> -> vector<1000x128xf32>
    %add3A_50 = arith.addf %dot_general3A_42, %dot_general3A_49 : vector<1000x128xf32>
    %get3A_51 = arith.constant 0 : index
    %get3A_52 = arith.constant 0 : index
    %get3A_53 = vector.load %arg7[%get3A_51, %get3A_52] : memref<1x128xf32, #tpu.memory_space<vmem>>, vector<1x128xf32>
    %add3A_54 = vector.broadcast %get3A_53 : vector<1x128xf32> to vector<1000x128xf32>
    %add3A_55 = arith.addf %add3A_50, %add3A_54 : vector<1000x128xf32>
    %swap3A = arith.constant 0 : index
    %swap3A_56 = arith.constant 0 : index
    %swap3A_57 = vector.load %arg10[%swap3A, %swap3A_56] : memref<1000x128xf32, #tpu.memory_space<vmem>>, vector<1000x128xf32>
    tpu.vector_store %arg10[%swap3A, %swap3A_56], %add3A_55 {strides = array<i32>} : memref<1000x128xf32, #tpu.memory_space<vmem>>, vector<1000x128xf32>,
    %get3A_58 = arith.constant 0 : index
    %get3A_59 = arith.constant 0 : index
    %get3A_60 = arith.constant 0 : index
    %get3A_61 = vector.load %arg8[%get3A_58, %get3A_59, %get3A_60] : memref<2x128x128xf32, #tpu.memory_space<vmem>>, vector<1x128x128xf32>
    %get3A_62 = vector.shape_cast %get3A_61 : vector<1x128x128xf32> to vector<128x128xf32>
    %dot_general3A_63 = arith.constant dense<0.000000e+00> : vector<1000x128xf32>
    %dot_general3A_64 = tpu.matmul %mul3A_19, %get3A_62, %dot_general3A_63 {dimension_numbers = #tpu.dot_dimension_numbers<[1], [0], [0], [1], [0, 0, 1, 1], [], []>, transpose_lhs_hint = false} : vector<1000x128xf32>, vector<128x128xf32>, vector<1000x128xf32> -> vector<1000x128xf32>
    %get3A_65 = arith.constant 1 : index
    %get3A_66 = arith.constant 0 : index
    %get3A_67 = arith.constant 0 : index
    %get3A_68 = vector.load %arg8[%get3A_65, %get3A_66, %get3A_67] : memref<2x128x128xf32, #tpu.memory_space<vmem>>, vector<1x128x128xf32>
    %get3A_69 = vector.shape_cast %get3A_68 : vector<1x128x128xf32> to vector<128x128xf32>
    %dot_general3A_70 = arith.constant dense<0.000000e+00> : vector<1000x128xf32>
    %dot_general3A_71 = tpu.matmul %mul3A_36, %get3A_69, %dot_general3A_70 {dimension_numbers = #tpu.dot_dimension_numbers<[1], [0], [0], [1], [0, 0, 1, 1], [], []>, transpose_lhs_hint = false} : vector<1000x128xf32>, vector<128x128xf32>, vector<1000x128xf32> -> vector<1000x128xf32>
    %add3A_72 = arith.addf %dot_general3A_64, %dot_general3A_71 : vector<1000x128xf32>
    %get3A_73 = arith.constant 0 : index
    %get3A_74 = arith.constant 0 : index
    %get3A_75 = vector.load %arg9[%get3A_73, %get3A_74] : memref<1x128xf32, #tpu.memory_space<vmem>>, vector<1x128xf32>
    %add3A_76 = vector.broadcast %get3A_75 : vector<1x128xf32> to vector<1000x128xf32>
    %add3A_77 = arith.addf %add3A_72, %add3A_76 : vector<1000x128xf32>
    %swap3A_78 = arith.constant 0 : index
    %swap3A_79 = arith.constant 0 : index
    %swap3A_80 = vector.load %arg11[%swap3A_78, %swap3A_79] : memref<1000x128xf32, #tpu.memory_space<vmem>>, vector<1000x128xf32>
    tpu.vector_store %arg11[%swap3A_78, %swap3A_79], %add3A_77 {strides = array<i32>} : memref<1000x128xf32, #tpu.memory_space<vmem>>, vector<1000x128xf32>,
    return
  }
  func.func @transform_0(%arg0: i32) -> (i32, i32, i32) {
    %c0_i32 = arith.constant 0 : i32
    %c0_i32_0 = arith.constant 0 : i32
    %c0_i32_1 = arith.constant 0 : i32
    return %c0_i32, %arg0, %c0_i32_0 : i32, i32, i32
  }
  func.func @transform_1(%arg0: i32) -> (i32, i32, i32) {
    %c0_i32 = arith.constant 0 : i32
    %c0_i32_0 = arith.constant 0 : i32
    %c0_i32_1 = arith.constant 0 : i32
    return %c0_i32, %arg0, %c0_i32_0 : i32, i32, i32
  }
  func.func @transform_2(%arg0: i32) -> (i32, i32) {
    %c0_i32 = arith.constant 0 : i32
    %c0_i32_0 = arith.constant 0 : i32
    return %arg0, %c0_i32 : i32, i32
  }
  func.func @transform_3(%arg0: i32) -> (i32, i32) {
    %c0_i32 = arith.constant 0 : i32
    %c0_i32_0 = arith.constant 0 : i32
    return %arg0, %c0_i32 : i32, i32
  }
  func.func @transform_4(%arg0: i32) -> (i32, i32) {
    %c0_i32 = arith.constant 0 : i32
    %c0_i32_0 = arith.constant 0 : i32
    return %arg0, %c0_i32 : i32, i32
  }
  func.func @transform_5(%arg0: i32) -> (i32, i32, i32) {
    %c0_i32 = arith.constant 0 : i32
    %c0_i32_0 = arith.constant 0 : i32
    %c0_i32_1 = arith.constant 0 : i32
    %c0_i32_2 = arith.constant 0 : i32
    return %c0_i32, %c0_i32_0, %c0_i32_1 : i32, i32, i32
  }
  func.func @transform_6(%arg0: i32) -> (i32, i32) {
    %c0_i32 = arith.constant 0 : i32
    %c0_i32_0 = arith.constant 0 : i32
    %c0_i32_1 = arith.constant 0 : i32
    return %c0_i32, %c0_i32_0 : i32, i32
  }
  func.func @transform_7(%arg0: i32) -> (i32, i32, i32) {
    %c0_i32 = arith.constant 0 : i32
    %c0_i32_0 = arith.constant 0 : i32
    %c0_i32_1 = arith.constant 0 : i32
    %c0_i32_2 = arith.constant 0 : i32
    return %c0_i32, %c0_i32_0, %c0_i32_1 : i32, i32, i32
  }
  func.func @transform_8(%arg0: i32) -> (i32, i32) {
    %c0_i32 = arith.constant 0 : i32
    %c0_i32_0 = arith.constant 0 : i32
    %c0_i32_1 = arith.constant 0 : i32
    return %c0_i32, %c0_i32_0 : i32, i32
  }
  func.func @transform_9(%arg0: i32) -> (i32, i32) {
    %c0_i32 = arith.constant 0 : i32
    %c0_i32_0 = arith.constant 0 : i32
    return %arg0, %c0_i32 : i32, i32
  }
  func.func @transform_10(%arg0: i32) -> (i32, i32) {
    %c0_i32 = arith.constant 0 : i32
    %c0_i32_0 = arith.constant 0 : i32
    return %arg0, %c0_i32 : i32, i32
  }
}

</mosaic_0001>

<sc_bundles>
// kernel: kernel.10.cloned.1.call-start
scs
__scs_entry_jumppad:
0x0: {  	(pc) =	sbr.rel $0x88, $3  }
0x1: {  	(tag) =	ssettag $0x0;
	lr =	simm.s32 $0x1  }
0x2: {  	[smem:$0x3F99] =	sst lr;
	_ =	strace $0xD0000000  }
0x3: {  	_ = 	snop  }
0x4: {  	_ = 	snop  }
0x5: {  	_ = 	snop  }
0x6: {  	_ = 	snop  }
0x7: {  	_ = 	snop  }
__scs_overlays_trampoline_lowered:
0x8: {  	[smem:$0x3FA8] =	sst s0  }
0x9: {  	[smem:$0x3FA9] =	sst s1  }
0xa: {  	[smem:$0x3FAA] =	sst s2  }
0xb: {  	[smem:$0x3FAB] =	sst s3  }
0xc: {  	[smem:$0x3FAC] =	sst s4  }
0xd: {  	[smem:$0x3FAD] =	sst s5  }
0xe: {  	[smem:$0x3FAE] =	sst s6  }
0xf: {  	[smem:$0x3FAF] =	sst s7  }
0x10: {  	[smem:$0x3FB0] =	sst s8  }
0x11: {  	[smem:$0x3FB1] =	sst s9;
	s0 =	simm.s32 @!p0 $0x0  }
0x12: {  	s1 =	sld [smem:$0x3F97];
	s0 =	simm.s32 @p0 $0x1  }
0x13: {  	[smem:$0x3FB2] =	sst s0;
	s0 =	simm.s32 @!p1 $0x0  }
0x14: {  	s2 =	sld [smem:$0x3F96];
	s0 =	simm.s32 @p1 $0x1  }
0x15: {  	[smem:$0x3FB3] =	sst s0;
	s0 =	simm.s32 @!p2 $0x0  }
0x16: {  	s3 =	sld [smem:$0x3FDB];
	s0 =	simm.s32 @p2 $0x1  }
0x17: {  	s4 =	simm.s32 $0x1BF5;
	[smem:$0x3FB5] =	sst s0  }
0x18: {  	s0 =	sld [smem:$0x3F98];
	_ =	swait.ge [sflag:s4], $0x0  }
0x19: {  	s7 =	sld [smem:$0x3F99]  }
0x1a: {  	s8 =	sadd.s32 $0xFFFFE003, lr  }
0x1b: {  	s9 =	sadd.s32 $0xFFFFFEF7, lr;
	s5 =	simm.s32 $0xFFFFFFFF;
	p2 =	slt.u32 s8, $0xFFFFF086  }
0x1c: {  	p1 =	slt.u32 s9, $0xF7A;
	s5 =	simm.s32 @!p2 $0x0  }
0x1d: {  	s5 =	simm.s32 @p1 $0x1;
	p0 =	seq.s32 s7, s2  }
0x1e: {  	s7 =	smul.u32 @!p0 $0xF7A, s2;
	p2 =	seq.s32 @!p0 s5, $0x0  }
0x1f: {  	s9 =	smul.u32 $0xF7A, s1;
	s8 =	simm.s32 @!p0 $0x1BF5;
	p2 =	por !p2, p0  }
0x20: {  	[sflag:s8] =	ssyncset.s32 @!p0 $0xFFFFF086;
	s6 =	sadd.s32 @!p0 s3, s7;
	s7 =	simm.s32 @!p0 $0x108  }
0x21: {  	s3 =	sadd.s32 s3, s9;
	s6 =	sadd.s32 @!p0 $0x88, s6;
	s7 =	simm.s32 @p2 $0x1082  }
0x22: {  	[simem:s7], [sflag:s8] =	dma.local @!p0 [hbm:s6], $0xF7A  }
0x23: {  	s9 =	sor.u32 $0xD0000000, s2;
	s6 =	simm.s32 $0x108;
	_ =	swait.ge @!p0 [sflag:s8], $0x0  }
0x24: {  	s3 =	sadd.s32 $0x88, s3;
	s6 =	simm.s32 @!p1 $0x1082;
	[sflag:s4] =	ssyncset.s32 $0xFFFFF086  }
0x25: {  	[simem:s6], [sflag:s4] =	dma.local [hbm:s3], $0xF7A  }
0x26: {  	[smem:$0x3F99] =	sst s1;
	(tag) =	ssettag s2;
	_ =	strace s9  }
0x27: {  	s1 =	sld [smem:$0x3FA9]  }
0x28: {  	s2 =	sld [smem:$0x3FAA]  }
0x29: {  	s4 =	sld [smem:$0x3FAC]  }
0x2a: {  	p0 =	seq.s32 s5, $0x0;
	s5 =	sld [smem:$0x3FAD]  }
0x2b: {  	s6 =	sld [smem:$0x3FAE]  }
0x2c: {  	s7 =	sld [smem:$0x3FAF]  }
0x2d: {  	s3 =	simm.s32 $0x108;
	s8 =	sld [smem:$0x3FB0]  }
0x2e: {  	s3 =	simm.s32 @!p0 $0x1082;
	s9 =	sld [smem:$0x3FB1]  }
0x2f: {  	lr =	sadd.s32 s0, s3;
	s0 =	sld [smem:$0x3FA8]  }
0x30: {  	s3 =	sld [smem:$0x3FAB]  }
0x31: {  	[smem:$0x3FB4] =	sst s10  }
0x32: {  	s10 =	sld [smem:$0x3FB2];
	_ =	sdelay $0x3  }
0x33: {  	p0 =	seq.s32 s10, $0x1;
	s10 =	sld [smem:$0x3FB4];
	_ =	sdelay $0x3  }
0x34: {  	[smem:$0x3FB4] =	sst s10  }
0x35: {  	s10 =	sld [smem:$0x3FB3];
	_ =	sdelay $0x3  }
0x36: {  	p1 =	seq.s32 s10, $0x1;
	s10 =	sld [smem:$0x3FB4];
	_ =	sdelay $0x3  }
0x37: {  	[smem:$0x3FB4] =	sst s10  }
0x38: {  	s10 =	sld [smem:$0x3FB5]  }
0x39: {  	_ = 	snop;
	(pc) =	sbr.ind lr, $3  }
0x3a: {  	_ = 	snop  }
0x3b: {  	_ = 	snop  }
0x3c: {  	p2 =	seq.s32 s10, $0x1;
	s10 =	sld [smem:$0x3FB4]  }
0x3d: {  	_ =	shalt  }
0x3e: {  	_ =	shalt  }
0x3f: {  	_ =	shalt  }
0x40: {  	_ =	shalt  }
0x41: {  	_ =	shalt  }
0x42: {  	_ =	shalt  }
0x43: {  	_ =	shalt  }
0x44: {  	_ =	shalt  }
0x45: {  	_ =	shalt  }
0x46: {  	_ =	shalt  }
0x47: {  	_ =	shalt  }
0x48: {  	_ =	shalt  }
0x49: {  	_ =	shalt  }
0x4a: {  	_ =	shalt  }
0x4b: {  	_ =	shalt  }
0x4c: {  	_ =	shalt  }
0x4d: {  	_ =	shalt  }
0x4e: {  	_ =	shalt  }
0x4f: {  	_ =	shalt  }
0x50: {  	_ =	shalt  }
0x51: {  	_ =	shalt  }
0x52: {  	_ =	shalt  }
0x53: {  	_ =	shalt  }
0x54: {  	_ =	shalt  }
0x55: {  	_ =	shalt  }
0x56: {  	_ =	shalt  }
0x57: {  	_ =	shalt  }
0x58: {  	_ =	shalt  }
0x59: {  	_ =	shalt  }
0x5a: {  	_ =	shalt  }
0x5b: {  	_ =	shalt  }
0x5c: {  	_ =	shalt  }
0x5d: {  	_ =	shalt  }
0x5e: {  	_ =	shalt  }
0x5f: {  	_ =	shalt  }
0x60: {  	_ =	shalt  }
0x61: {  	_ =	shalt  }
0x62: {  	_ =	shalt  }
0x63: {  	_ =	shalt  }
0x64: {  	_ =	shalt  }
0x65: {  	_ =	shalt  }
0x66: {  	_ =	shalt  }
0x67: {  	_ =	shalt  }
0x68: {  	_ =	shalt  }
0x69: {  	_ =	shalt  }
0x6a: {  	_ =	shalt  }
0x6b: {  	_ =	shalt  }
0x6c: {  	_ =	shalt  }
0x6d: {  	_ =	shalt  }
0x6e: {  	_ =	shalt  }
0x6f: {  	_ =	shalt  }
0x70: {  	_ =	shalt  }
0x71: {  	_ =	shalt  }
0x72: {  	_ =	shalt  }
0x73: {  	_ =	shalt  }
0x74: {  	_ =	shalt  }
0x75: {  	_ =	shalt  }
0x76: {  	_ =	shalt  }
0x77: {  	_ =	shalt  }
0x78: {  	_ =	shalt  }
0x79: {  	_ =	shalt  }
0x7a: {  	_ =	shalt  }
0x7b: {  	_ =	shalt  }
0x7c: {  	_ =	shalt  }
0x7d: {  	_ =	shalt  }
0x7e: {  	_ =	shalt  }
0x7f: {  	_ =	shalt  }
0x80: {  	_ =	shalt  }
0x81: {  	_ =	shalt  }
0x82: {  	_ =	shalt  }
0x83: {  	_ =	shalt  }
0x84: {  	_ =	shalt  }
0x85: {  	_ =	shalt  }
0x86: {  	_ =	shalt  }
0x87: {  	_ =	shalt  }
.Lfunc_end0:
.L_simem_size_0:
called_computation_lowered:
.L_overlay_start_0:
0x88: {  	s2 =	sld [smem:$0x3FD9]  }
0x89: {  	s3 =	sld [smem:$0x3FFE];
	_ =	sdelay $0x1  }
0x8a: {  	s1 =	srdreg.scid  }
0x8b: {  	s0 =	sand.u32 $0x1, s1  }
0x8c: {  	s14 =	sshll.u32 s0, $0xA;
	s2 =	sadd.s32 s3, s2  }
0x8d: {  	s2 =	sadd.s32 s2, s14  }
0x8e: {  	[smem:$0x3FC0] =	sst s2  }
0x8f: {  	_ = 	snop  }
0x90: {  	s2 =	sld [smem:$0x3FD0];
	_ =	sdelay $0x2  }
0x91: {  	s15 =	simm.s32 $0xB;
	s4 =	simm.s32 $0x10  }
0x92: {  	[smem:s4], [sflag:s15] =	dma.local [hbm:s2], $0x1  }
0x93: {  	_ =	swait.eq [sflag:s15], $0x1  }
0x94: {  	[sflag:s15] =	ssyncset.done $0x0  }
0x95: {  	s16 =	sld [smem:$0x10];
	[sflag:s15] =	ssyncadd.s32 $0xFFFFFFFF  }
0x96: {  	s17 =	sld [smem:$0x11];
	(tm) =	ssettm $0x1  }
0x97: {  	s18 =	sld [smem:$0x3FFB];
	_ =	sdelay $0x3  }
0x98: {  	_ =	strace s18  }
0x99: {  	s4 =	sld [smem:$0x3FFC];
	_ =	sdelay $0x3  }
0x9a: {  	_ =	strace s4  }
0x9b: {  	s4 =	sld [smem:$0x3FFD];
	_ =	sdelay $0x3  }
0x9c: {  	_ =	strace s4  }
0x9d: {  	_ =	strace $0x8FFFFFFF  }
0x9e: {  	s19 =	sld [smem:$0x3FDB];
	_ =	sdelay $0x1  }
0x9f: {  	s5 =	simm.s32 $_scs_section_size  }
0xa0: {  	s6 =	simm.s32 $_size__tile_overlayer_lowered;
	s7 =	simm.s32 $_tile_overlayer_lowered  }
0xa1: {  	s22 =	simm.s32 $0x1BFF;
	s21 =	sshll.u32 s7, $0x1;
	s4 =	sadd.s32 s5, s19  }
0xa2: {  	s8 =	simm.s32 $0x0;
	s20 =	sshll.u32 s6, $0x1;
	s6 =	sadd.s32 s21, s4  }
0xa3: {  	[timem:s8], [sflag:s22] =	dma.local [hbm:s6], s20  }
0xa4: {  	_ =	swait.ge [sflag:s22], s20  }
0xa5: {  	s5 =	ssub.s32 $0x0, s20;
	[sflag:s22] =	ssyncset.done $0x0  }
0xa6: {  	[sflag:s22] =	ssyncadd.s32 s5;
	_ =	sdelay $0x1  }
0xa7: {  	s23 =	simm.s32 $0x1B8B  }
0xa8: {  	_ =	swait.ge [sflag:s23], $0x1  }
0xa9: {  	[sflag:s23] =	ssyncset.done $0x0  }
0xaa: {  	s25 =	simm.s32 $0x1B8E;
	s24 =	sld [smem:$0x3FFE];
	[sflag:s23] =	ssyncadd.s32 $0xFFFFFFFF  }
0xab: {  	s26 =	simm.s32 $execute0_lowered;
	[smem:$0x3FD2] =	sst s25  }
0xac: {  	s6 =	sshll.u32 s26, $0x1;
	_ =	strace $0x80000046;
	[dreg:$0x1] =	wrdreg $0xFFFFFFFF  }
0xad: {  	s28 =	simm.s32 $_size_execute0_lowered;
	s4 =	sadd.s32 s4, s6;
	[dreg:$0x0] =	wrdreg $0x0  }
0xae: {  	s6 =	sshll.u32 s28, $0x1;
	[dreg:$0x2] =	wrdreg s4  }
0xaf: {  	[dreg:$0x3] =	wrdreg s6  }
0xb0: {  	[dreg:$0x4] =	wrdreg $0xC0  }
0xb1: {  	_ =	task [dreg:s8], $0x5FFFF  }
0xb2: {  	[dreg:$0x1] =	wrdreg $0xFFFFFFFF  }
0xb3: {  	[dreg:$0x0] =	wrdreg $0x60  }
0xb4: {  	[dreg:$0x2] =	wrdreg s17  }
0xb5: {  	[dreg:$0x3] =	wrdreg s24  }
0xb6: {  	[dreg:$0x4] =	wrdreg s16  }
0xb7: {  	[dreg:$0x5] =	wrdreg $0x8800  }
0xb8: {  	[dreg:$0x6] =	wrdreg $0x9  }
0xb9: {  	_ =	task.clear_ibuf [dreg:s8], $0x7FFFF;
	_ =	strace $0x90000046  }
0xba: {  	s29 =	simm.s32 $0x9;
	_ =	strace $0x80000048  }
0xbb: {  	_ =	swait.ge [sflag:s29], $0x1  }
0xbc: {  	[sflag:s29] =	ssyncadd.s32 $0xFFFFFFFF  }
0xbd: {  	_ =	strace $0x90000048  }
0xbe: {  	_ =	sfence  }
0xbf: {  	s30 =	sld [smem:$0x0];
	_ =	sdelay $0x2  }
0xc0: {  	s31 =	sshll.u32 s1, $0xD;
	s1 =	sshrl.u32 s1, $0x2  }
0xc1: {  	s3 =	sand.u32 $0x4000, s31;
	s1 =	sadd.s32 s1, s30  }
0xc2: {  	s0 =	sor.u32 s3, s0;
	s1 =	sshll.u32 s1, $0x11  }
0xc3: {  	s0 =	sor.u32 s1, s0  }
0xc4: {  	s0 =	sadd.s32 $0x8F2B, s0  }
0xc5: {  	[sflag:s0] =	ssyncadd.remote.s32 $0x1  }
0xc6: {  	_ =	sfence.sel $0xFFFF  }
0xc7: {  	[dreg:$0x0] =	wrdreg $0xFFFFFFFF;
	(pc) =	sbr.abs _section_cstart, $3  }
0xc8: {  	[dreg:$0x1] =	wrdreg $0xFFFFFFFF  }
0xc9: {  	_ =	task.clear_ibuf [dreg:s8], $0x2FFFF;
	_ =	strace $0x9FFFFFFF  }
0xca: {  	(tm) =	ssettm $0x7FFFFFFF  }
0xcb: {  	_ =	shalt  }
tec
execute0_lowered:
.L_overlay_start_1:
0x0: {  	(tag) =	ssettag $0x1  }
0x1: {  	s1 =	rddreg [dreg:$0x0]  }
0x2: {  	s6 =	rddreg [dreg:$0x1]  }
0x3: {  	s9 =	rddreg [dreg:$0x2]  }
0x4: {  	s2 =	rddreg [dreg:$0x3]  }
0x5: {  	s0 =	rddreg [dreg:$0x4];
	s4 =	simm.s32 $0x0;
	s7 =	srdreg.scid  }
0x6: {  	s3 =	stileid.u32;
	s15 =	simm.s32 $0x2;
	s16 =	simm.s32 $0x80  }
0x7: {  	s17 =	simm.s32 $0x1;
	s18 =	simm.s32 $0x0;
	[smem:$0x7FF] =	sst s4  }
0x8: {  	s5 =	sadd.s32 $0x3000, s6;
	s7 =	sand.u32 $0x1, s7;
	s10 =	smul.u32 $0x280, s3  }
0x9: {  	s11 =	sshll.u32 s3, $0xE;
	s6 =	sadd.s32 $0x3200, s6;
	s31 =	sshll.u32 s3, $0x6  }
0xa: {  	s8 =	sshll.u32 s7, $0x12;
	s12 =	smul.u32 $0x2800, s7;
	s13 =	ssub.s32 $0x2, s7  }
0xb: {  	_ =	strace $0x80000047;
	s7 =	sor.u32 s11, s8;
	s29 =	sshrl.u32 s13, $0x1  }
0xc: {  	s14 =	sadd.s32 s10, s2;
	s11 =	sshrl.u32 s7, $0x3;
	s12 =	sadd.s32 s10, s12  }
0xd: {  	s13 =	ssub.s32 s13, s29;
	s14 =	sshrl.u32 s14, $0x3;
	s8 =	sadd.s32 s1, s11  }
0xe: {  	s30 =	sshrl.u32 s12, $0x3;
	s10 =	smax.u32 s13, $0x1;
	s11 =	simm.s32 $0x800  }
0xf: {  	s12 =	simm.s32 $0x3;
	s13 =	sor.u32 $0x1C03, s31;
	s9 =	sadd.s32 s9, s30  }
.LBB2_1:
0x10: {  	[tilespmem:s4], [sflag:$0x2] =	stream.linear.gather [hbm4b:s8+s4], $0x280, $0x38;
	[tilespmem:$0xB00] =	vst v63  }
0x11: {  	s19 =	smul.u32 $0xCD, s4  }
0x12: {  	[tilespmem:s11], [sflag:$0x3] =	stream.linear.gather [hbm4b:s5+s4], $0x80, $0x38;
	[tilespmem:$0xB00] =	vst v63  }
0x13: {  	_ =	swait.ge [sflag:s12], $0x80  }
0x14: {  	s19 =	sshrl.u32 s19, $0xA;
	[sflag:s12] =	ssyncset.done $0x0  }
0x15: {  	s21 =	sand.u32 $0x3F, s19;
	[sflag:s12] =	ssyncadd.s32 $0xFFFFFF80  }
0x16: {  	[spmem:s14], [sflag:s13] =	dma.local [hbm:s6], $0x50  }
0x17: {  	s19 =	smul.u32 $0x5, s21;
	_ =	swait.ge [sflag:s12], $0x50  }
0x18: {  	[sflag:s12] =	ssyncset.done $0x0  }
0x19: {  	p0 =	por $0x1, $0x1;
	s22 =	ssub.s32 $0x0, s19;
	[sflag:s12] =	ssyncadd.s32 $0xFFFFFFB0  }
0x1a: {  	s19 =	sand.u32 @!p0 $0xFF, s22;
	[bflag:$0x0] =	sbarrier.arrive $0xFFFF  }
0x1b: {  	p1 =	sne.s32 @!p0 s19, $0x0;
	_ =	swait.ge [sflag:s15], $0x280  }
0x1c: {  	p1 =	por p1, p0;
	[sflag:s15] =	ssyncset.done $0x0  }
0x1d: {  	s19 =	simm.s32 @!p1 $0x1;
	[sflag:s15] =	ssyncadd.s32 $0xFFFFFD80  }
0x1e: {  	_ =	swait.ge @!p1 [sflag:s19], $0x80  }
0x1f: {  	s20 =	simm.s32 $0x1;
	[sflag:s19] =	ssyncset.done @!p1 $0x0  }
0x20: {  	s31 =	sshll.u32 s21, $0xA;
	[sflag:s19] =	ssyncadd.s32 @!p1 $0xFFFFFF80;
	p1 =	por p1, p1  }
0x21: {  	s30 =	sand.u32 $0xFF, s22;
	p0 =	por $0x0, $0x0;
	_ =	swait.ge @!p1 [sflag:s19], $0x80  }
0x22: {  	s23 =	sand.u32 @!p0 $0xFF, s22;
	s22 =	sand.u32 $0x400, s31;
	[sflag:s19] =	ssyncset.done @!p1 $0x0  }
0x23: {  	p2 =	sne.s32 @!p0 s23, $0x0;
	s23 =	sshll.u32 s30, $0x7;
	[sflag:s19] =	ssyncadd.s32 @!p1 $0xFFFFFF80  }
.LBB2_2:
0x24: {  	s24 =	smul.u32 $0xCD, s20  }
0x25: {  	_ =	swait.ge @!p1 [sflag:s19], $0x80;
	s25 =	smov.u32 s20;
	s20 =	sadd.s32 $0x1, s20  }
0x26: {  	s22 =	sadd.s32 s23, s22;
	p3 =	sne.s32 s20, $0x50;
	[sflag:s19] =	ssyncset.done @!p1 $0x0  }
0x27: {  	s23 =	sshrl.u32 s24, $0xA;
	[sflag:s19] =	ssyncadd.s32 @!p1 $0xFFFFFF80;
	s24 =	simm.s32 @!p1 $0x2  }
0x28: {  	p4 =	por p2, p0;
	s26 =	sand.u32 $0x3F, s23;
	_ =	swait.ge @!p1 [sflag:s19], $0x80  }
0x29: {  	s21 =	sshll.u32 @!p4 s21, $0xA;
	s23 =	smul.u32 $0x5, s26;
	[sflag:s19] =	ssyncset.done @!p1 $0x0  }
0x2a: {  	p0 =	sgt.u32 s25, $0x4A;
	s21 =	sadd.s32 @!p4 $0x400, s21;
	[sflag:s19] =	ssyncadd.s32 @!p1 $0xFFFFFF80  }
0x2b: {  	p5 =	slt.u32 s25, $0x5;
	s23 =	ssub.s32 s25, s23;
	_ =	swait.ge @!p1 [sflag:s19], $0x80  }
0x2c: {  	s25 =	sand.u32 @!p5 $0xFF, s23;
	s28 =	sand.u32 @!p0 $0xFF, s23;
	[sflag:s19] =	ssyncset.done @!p1 $0x0  }
0x2d: {  	p6 =	sne.s32 @!p5 s25, $0x0;
	p2 =	sne.s32 @!p0 s28, $0x0;
	[sflag:s19] =	ssyncadd.s32 @!p1 $0xFFFFFF80  }
0x2e: {  	s19 =	sadd.s32 @!p4 s7, s21;
	p5 =	por p6, p5;
	_ =	swait.ge @!p1 [sflag:s24], $0x280  }
0x2f: {  	s21 =	sand.u32 @!p4 $0x400, s21;
	s19 =	sshrl.u32 @!p4 s19, $0x3;
	[sflag:s24] =	ssyncset.done @!p1 $0x0  }
0x30: {  	s19 =	sadd.s32 @!p4 s1, s19;
	[sflag:s24] =	ssyncadd.s32 @!p1 $0xFFFFFD80;
	s24 =	simm.s32 @!p4 $0x0  }
0x31: {  	[tilespmem:s21], [sflag:$0x2] =	stream.linear.gather @!p4 [hbm4b:s19+s24], $0x280, $0x38;
	[tilespmem:$0xB00] =	vst v63  }
0x32: {  	s21 =	sand.u32 $0xFF, s23;
	s19 =	simm.s32 @!p5 $0x1;
	s23 =	sshll.u32 s26, $0xA  }
0x33: {  	[spmem:s2] =	stream.indirect.scatter.add.f32 [tilespmem:s11], [sflag:$0x1], $0x1, s22, s16, $0xb8;
	[tilespmem:$0xB00] =	vst v63  }
0x34: {  	s22 =	sand.u32 $0x400, s23;
	s23 =	sshll.u32 s21, $0x7;
	_ =	swait.ge @!p5 [sflag:s19], $0x80  }
.Ltmp0:
0x35: {  	s21 =	smov.u32 s26;
	[sflag:s19] =	ssyncset.done @!p5 $0x0;
	(pc) =	sbr.rel @p3 .LBB2_2-.Ltmp0, $4  }
0x36: {  	p1 =	por p5, p5;
	[sflag:s19] =	ssyncadd.s32 @!p5 $0xFFFFFF80  }
0x37: {  	_ =	swait.ge @!p1 [sflag:s19], $0x80  }
0x38: {  	[sflag:s19] =	ssyncset.done @!p1 $0x0  }
0x39: {  	[sflag:s19] =	ssyncadd.s32 @!p1 $0xFFFFFF80  }
0x3a: {  	_ =	swait.ge @!p1 [sflag:s19], $0x80  }
0x3b: {  	[sflag:s19] =	ssyncset.done @!p1 $0x0  }
0x3c: {  	[sflag:s19] =	ssyncadd.s32 @!p1 $0xFFFFFF80  }
0x3d: {  	_ =	swait.ge @!p1 [sflag:s19], $0x80  }
0x3e: {  	[sflag:s19] =	ssyncset.done @!p1 $0x0  }
0x3f: {  	[sflag:s19] =	ssyncadd.s32 @!p1 $0xFFFFFF80  }
0x40: {  	p0 =	por p2, p0;
	_ =	swait.ge @!p1 [sflag:s19], $0x80  }
0x41: {  	s20 =	sshll.u32 @!p0 s21, $0xA;
	[sflag:s19] =	ssyncset.done @!p1 $0x0  }
0x42: {  	s21 =	simm.s32 @!p1 $0x2;
	s20 =	sadd.s32 @!p0 $0x400, s20;
	[sflag:s19] =	ssyncadd.s32 @!p1 $0xFFFFFF80  }
0x43: {  	s19 =	sadd.s32 @!p0 s7, s20;
	_ =	swait.ge @!p1 [sflag:s21], $0x280  }
0x44: {  	s20 =	sand.u32 @!p0 $0x400, s20;
	s19 =	sshrl.u32 @!p0 s19, $0x3;
	[sflag:s21] =	ssyncset.done @!p1 $0x0  }
0x45: {  	s19 =	sadd.s32 @!p0 s1, s19;
	[sflag:s21] =	ssyncadd.s32 @!p1 $0xFFFFFD80;
	s21 =	simm.s32 @!p0 $0x0  }
0x46: {  	[tilespmem:s20], [sflag:$0x2] =	stream.linear.gather @!p0 [hbm4b:s19+s21], $0x280, $0x38;
	[tilespmem:$0xB00] =	vst v63  }
0x47: {  	s31 =	sadd.s32 s23, s22  }
0x48: {  	[spmem:s2] =	stream.indirect.scatter.add.f32 [tilespmem:s11], [sflag:$0x1], $0x1, s31, s16, $0xb8;
	[tilespmem:$0xB00] =	vst v63  }
0x49: {  	_ =	swait.ge [sflag:s17], $0x80  }
0x4a: {  	[sflag:s17] =	ssyncset.done $0x0  }
0x4b: {  	[sflag:s17] =	ssyncadd.s32 $0xFFFFFF80  }
0x4c: {  	_ =	swait.ge [sflag:s17], $0x80  }
0x4d: {  	[sflag:s17] =	ssyncset.done $0x0  }
0x4e: {  	[sflag:s17] =	ssyncadd.s32 $0xFFFFFF80  }
0x4f: {  	_ =	swait.ge [sflag:s17], $0x80  }
0x50: {  	[sflag:s17] =	ssyncset.done $0x0  }
0x51: {  	[sflag:s17] =	ssyncadd.s32 $0xFFFFFF80  }
0x52: {  	_ =	swait.ge [sflag:s17], $0x80  }
0x53: {  	[sflag:s17] =	ssyncset.done $0x0  }
0x54: {  	[sflag:s17] =	ssyncadd.s32 $0xFFFFFF80  }
0x55: {  	_ =	swait.ge [sflag:s17], $0x80  }
0x56: {  	s18 =	sadd.s32 $0x1, s18;
	[sflag:s17] =	ssyncset.done $0x0  }
0x57: {  	p0 =	sne.s32 s18, s10;
	[sflag:s17] =	ssyncadd.s32 $0xFFFFFF80  }
.Ltmp1:
0x58: {  	[bflag:$0x0] =	sbarrier.arrive $0xFFFF;
	(pc) =	sbr.rel @p0 .LBB2_1-.Ltmp1, $4  }
0x59: {  	[hbm:s9], [sflag:s13] =	dma.local [spmem:s14], $0x50  }
0x5a: {  	_ =	swait.ge [sflag:s12], $0x50  }
0x5b: {  	[sflag:s12] =	ssyncset.done $0x0  }
0x5c: {  	[sflag:s12] =	ssyncadd.s32 $0xFFFFFFB0  }
0x5d: {  	_ =	sfence.sel $0x180000  }
0x5e: {  	[bflag:$0x0] =	sbarrier.arrive $0xFFFF  }
0x5f: {  	p0 =	sne.s32 s3, $0x0;
	_ =	strace $0x90000047  }
0x60: {  	s0 =	sadd.s32 @!p0 $0x100000, s0;
	[bflag:$0x2] =	sbarrier.arrive $0xFFFF  }
0x61: {  	[sflag:s0] =	ssyncadd.tile.s32 @!p0 $0x1;
	_ =	shalt  }
.Lfunc_end2:
_tile_overlayer_lowered:
.L_overlay_start_2:
0x62: {  	(tag) =	ssettag $0x2  }
0x63: {  	s0 =	rddreg [dreg:$0x0];
	s2 =	stileid.u32  }
0x64: {  	s1 =	rddreg [dreg:$0x1];
	p0 =	sne.s32 s2, $0x0  }
0x65: {  	s3 =	rddreg [dreg:$0x2];
	[bflag:$0x3] =	sbarrier.arrive $0xFFFF;
	s2 =	simm.s32 @!p0 $0x1C03  }
0x66: {  	[timem:s3], [sflag:s2] =	dma.local @!p0 [hbm:s0], s1  }
0x67: {  	s0 =	simm.s32 @!p0 $0x3  }
0x68: {  	_ =	swait.ge @!p0 [sflag:s0], s1  }
0x69: {  	s1 =	ssub.s32 @!p0 $0x0, s1;
	[sflag:s0] =	ssyncset.done @!p0 $0x0  }
0x6a: {  	[sflag:s0] =	ssyncadd.s32 @!p0 s1  }
0x6b: {  	[bflag:$0x3] =	sbarrier.arrive $0xFFFF  }
0x6c: {  	_ =	shalt  }

// kernel: kernel.13.cloned.1.call-start
scs
__scs_entry_jumppad:
0x0: {  	(pc) =	sbr.rel $0x88, $3  }
0x1: {  	(tag) =	ssettag $0x0;
	lr =	simm.s32 $0x1  }
0x2: {  	[smem:$0x3F99] =	sst lr;
	_ =	strace $0xD0000000  }
0x3: {  	_ = 	snop  }
0x4: {  	_ = 	snop  }
0x5: {  	_ = 	snop  }
0x6: {  	_ = 	snop  }
0x7: {  	_ = 	snop  }
__scs_overlays_trampoline_lowered:
0x8: {  	[smem:$0x3FA8] =	sst s0  }
0x9: {  	[smem:$0x3FA9] =	sst s1  }
0xa: {  	[smem:$0x3FAA] =	sst s2  }
0xb: {  	[smem:$0x3FAB] =	sst s3  }
0xc: {  	[smem:$0x3FAC] =	sst s4  }
0xd: {  	[smem:$0x3FAD] =	sst s5  }
0xe: {  	[smem:$0x3FAE] =	sst s6  }
0xf: {  	[smem:$0x3FAF] =	sst s7  }
0x10: {  	[smem:$0x3FB0] =	sst s8  }
0x11: {  	[smem:$0x3FB1] =	sst s9;
	s0 =	simm.s32 @!p0 $0x0  }
0x12: {  	s1 =	sld [smem:$0x3F97];
	s0 =	simm.s32 @p0 $0x1  }
0x13: {  	[smem:$0x3FB2] =	sst s0;
	s0 =	simm.s32 @!p1 $0x0  }
0x14: {  	s2 =	sld [smem:$0x3F96];
	s0 =	simm.s32 @p1 $0x1  }
0x15: {  	[smem:$0x3FB3] =	sst s0;
	s0 =	simm.s32 @!p2 $0x0  }
0x16: {  	s3 =	sld [smem:$0x3FDB];
	s0 =	simm.s32 @p2 $0x1  }
0x17: {  	s4 =	simm.s32 $0x1BF5;
	[smem:$0x3FB5] =	sst s0  }
0x18: {  	s0 =	sld [smem:$0x3F98];
	_ =	swait.ge [sflag:s4], $0x0  }
0x19: {  	s7 =	sld [smem:$0x3F99]  }
0x1a: {  	s8 =	sadd.s32 $0xFFFFE003, lr  }
0x1b: {  	s9 =	sadd.s32 $0xFFFFFEF7, lr;
	s5 =	simm.s32 $0xFFFFFFFF;
	p2 =	slt.u32 s8, $0xFFFFF086  }
0x1c: {  	p1 =	slt.u32 s9, $0xF7A;
	s5 =	simm.s32 @!p2 $0x0  }
0x1d: {  	s5 =	simm.s32 @p1 $0x1;
	p0 =	seq.s32 s7, s2  }
0x1e: {  	s7 =	smul.u32 @!p0 $0xF7A, s2;
	p2 =	seq.s32 @!p0 s5, $0x0  }
0x1f: {  	s9 =	smul.u32 $0xF7A, s1;
	s8 =	simm.s32 @!p0 $0x1BF5;
	p2 =	por !p2, p0  }
0x20: {  	[sflag:s8] =	ssyncset.s32 @!p0 $0xFFFFF086;
	s6 =	sadd.s32 @!p0 s3, s7;
	s7 =	simm.s32 @!p0 $0x108  }
0x21: {  	s3 =	sadd.s32 s3, s9;
	s6 =	sadd.s32 @!p0 $0x88, s6;
	s7 =	simm.s32 @p2 $0x1082  }
0x22: {  	[simem:s7], [sflag:s8] =	dma.local @!p0 [hbm:s6], $0xF7A  }
0x23: {  	s9 =	sor.u32 $0xD0000000, s2;
	s6 =	simm.s32 $0x108;
	_ =	swait.ge @!p0 [sflag:s8], $0x0  }
0x24: {  	s3 =	sadd.s32 $0x88, s3;
	s6 =	simm.s32 @!p1 $0x1082;
	[sflag:s4] =	ssyncset.s32 $0xFFFFF086  }
0x25: {  	[simem:s6], [sflag:s4] =	dma.local [hbm:s3], $0xF7A  }
0x26: {  	[smem:$0x3F99] =	sst s1;
	(tag) =	ssettag s2;
	_ =	strace s9  }
0x27: {  	s1 =	sld [smem:$0x3FA9]  }
0x28: {  	s2 =	sld [smem:$0x3FAA]  }
0x29: {  	s4 =	sld [smem:$0x3FAC]  }
0x2a: {  	p0 =	seq.s32 s5, $0x0;
	s5 =	sld [smem:$0x3FAD]  }
0x2b: {  	s6 =	sld [smem:$0x3FAE]  }
0x2c: {  	s7 =	sld [smem:$0x3FAF]  }
0x2d: {  	s3 =	simm.s32 $0x108;
	s8 =	sld [smem:$0x3FB0]  }
0x2e: {  	s3 =	simm.s32 @!p0 $0x1082;
	s9 =	sld [smem:$0x3FB1]  }
0x2f: {  	lr =	sadd.s32 s0, s3;
	s0 =	sld [smem:$0x3FA8]  }
0x30: {  	s3 =	sld [smem:$0x3FAB]  }
0x31: {  	[smem:$0x3FB4] =	sst s10  }
0x32: {  	s10 =	sld [smem:$0x3FB2];
	_ =	sdelay $0x3  }
0x33: {  	p0 =	seq.s32 s10, $0x1;
	s10 =	sld [smem:$0x3FB4];
	_ =	sdelay $0x3  }
0x34: {  	[smem:$0x3FB4] =	sst s10  }
0x35: {  	s10 =	sld [smem:$0x3FB3];
	_ =	sdelay $0x3  }
0x36: {  	p1 =	seq.s32 s10, $0x1;
	s10 =	sld [smem:$0x3FB4];
	_ =	sdelay $0x3  }
0x37: {  	[smem:$0x3FB4] =	sst s10  }
0x38: {  	s10 =	sld [smem:$0x3FB5]  }
0x39: {  	_ = 	snop;
	(pc) =	sbr.ind lr, $3  }
0x3a: {  	_ = 	snop  }
0x3b: {  	_ = 	snop  }
0x3c: {  	p2 =	seq.s32 s10, $0x1;
	s10 =	sld [smem:$0x3FB4]  }
0x3d: {  	_ =	shalt  }
0x3e: {  	_ =	shalt  }
0x3f: {  	_ =	shalt  }
0x40: {  	_ =	shalt  }
0x41: {  	_ =	shalt  }
0x42: {  	_ =	shalt  }
0x43: {  	_ =	shalt  }
0x44: {  	_ =	shalt  }
0x45: {  	_ =	shalt  }
0x46: {  	_ =	shalt  }
0x47: {  	_ =	shalt  }
0x48: {  	_ =	shalt  }
0x49: {  	_ =	shalt  }
0x4a: {  	_ =	shalt  }
0x4b: {  	_ =	shalt  }
0x4c: {  	_ =	shalt  }
0x4d: {  	_ =	shalt  }
0x4e: {  	_ =	shalt  }
0x4f: {  	_ =	shalt  }
0x50: {  	_ =	shalt  }
0x51: {  	_ =	shalt  }
0x52: {  	_ =	shalt  }
0x53: {  	_ =	shalt  }
0x54: {  	_ =	shalt  }
0x55: {  	_ =	shalt  }
0x56: {  	_ =	shalt  }
0x57: {  	_ =	shalt  }
0x58: {  	_ =	shalt  }
0x59: {  	_ =	shalt  }
0x5a: {  	_ =	shalt  }
0x5b: {  	_ =	shalt  }
0x5c: {  	_ =	shalt  }
0x5d: {  	_ =	shalt  }
0x5e: {  	_ =	shalt  }
0x5f: {  	_ =	shalt  }
0x60: {  	_ =	shalt  }
0x61: {  	_ =	shalt  }
0x62: {  	_ =	shalt  }
0x63: {  	_ =	shalt  }
0x64: {  	_ =	shalt  }
0x65: {  	_ =	shalt  }
0x66: {  	_ =	shalt  }
0x67: {  	_ =	shalt  }
0x68: {  	_ =	shalt  }
0x69: {  	_ =	shalt  }
0x6a: {  	_ =	shalt  }
0x6b: {  	_ =	shalt  }
0x6c: {  	_ =	shalt  }
0x6d: {  	_ =	shalt  }
0x6e: {  	_ =	shalt  }
0x6f: {  	_ =	shalt  }
0x70: {  	_ =	shalt  }
0x71: {  	_ =	shalt  }
0x72: {  	_ =	shalt  }
0x73: {  	_ =	shalt  }
0x74: {  	_ =	shalt  }
0x75: {  	_ =	shalt  }
0x76: {  	_ =	shalt  }
0x77: {  	_ =	shalt  }
0x78: {  	_ =	shalt  }
0x79: {  	_ =	shalt  }
0x7a: {  	_ =	shalt  }
0x7b: {  	_ =	shalt  }
0x7c: {  	_ =	shalt  }
0x7d: {  	_ =	shalt  }
0x7e: {  	_ =	shalt  }
0x7f: {  	_ =	shalt  }
0x80: {  	_ =	shalt  }
0x81: {  	_ =	shalt  }
0x82: {  	_ =	shalt  }
0x83: {  	_ =	shalt  }
0x84: {  	_ =	shalt  }
0x85: {  	_ =	shalt  }
0x86: {  	_ =	shalt  }
0x87: {  	_ =	shalt  }
.Lfunc_end0:
.L_simem_size_0:
called_computation.1_lowered:
.L_overlay_start_0:
0x88: {  	s2 =	sld [smem:$0x3FD9]  }
0x89: {  	s3 =	sld [smem:$0x3FFE];
	_ =	sdelay $0x1  }
0x8a: {  	s1 =	srdreg.scid  }
0x8b: {  	s0 =	sand.u32 $0x1, s1  }
0x8c: {  	s14 =	sshll.u32 s0, $0xA;
	s2 =	sadd.s32 s3, s2  }
0x8d: {  	s2 =	sadd.s32 s2, s14  }
0x8e: {  	[smem:$0x3FC0] =	sst s2  }
0x8f: {  	_ = 	snop  }
0x90: {  	s2 =	sld [smem:$0x3FD0];
	_ =	sdelay $0x2  }
0x91: {  	s15 =	simm.s32 $0xB;
	s4 =	simm.s32 $0x10  }
0x92: {  	[smem:s4], [sflag:s15] =	dma.local [hbm:s2], $0x1  }
0x93: {  	_ =	swait.eq [sflag:s15], $0x1  }
0x94: {  	[sflag:s15] =	ssyncset.done $0x0  }
0x95: {  	[sflag:s15] =	ssyncadd.s32 $0xFFFFFFFF  }
0x96: {  	s16 =	sld [smem:$0x11];
	(tm) =	ssettm $0x1  }
0x97: {  	s17 =	sld [smem:$0x3FFB];
	_ =	sdelay $0x3  }
0x98: {  	_ =	strace s17  }
0x99: {  	s3 =	sld [smem:$0x3FFC];
	_ =	sdelay $0x3  }
0x9a: {  	_ =	strace s3  }
0x9b: {  	s3 =	sld [smem:$0x3FFD];
	_ =	sdelay $0x3  }
0x9c: {  	_ =	strace s3  }
0x9d: {  	_ =	strace $0x8FFFFFFF  }
0x9e: {  	s18 =	sld [smem:$0x3FDB];
	_ =	sdelay $0x1  }
0x9f: {  	s19 =	simm.s32 $_scs_section_size  }
0xa0: {  	s5 =	simm.s32 $_size__tile_overlayer_lowered;
	s6 =	simm.s32 $_tile_overlayer_lowered  }
0xa1: {  	s22 =	simm.s32 $0x1BFF;
	s21 =	sshll.u32 s6, $0x1;
	s3 =	sadd.s32 s19, s18  }
0xa2: {  	s7 =	simm.s32 $0x0;
	s20 =	sshll.u32 s5, $0x1;
	s5 =	sadd.s32 s21, s3  }
0xa3: {  	[timem:s7], [sflag:s22] =	dma.local [hbm:s5], s20  }
0xa4: {  	_ =	swait.ge [sflag:s22], s20  }
0xa5: {  	s4 =	ssub.s32 $0x0, s20;
	[sflag:s22] =	ssyncset.done $0x0  }
0xa6: {  	[sflag:s22] =	ssyncadd.s32 s4;
	_ =	sdelay $0x1  }
0xa7: {  	s23 =	simm.s32 $0x1B8B  }
0xa8: {  	_ =	swait.ge [sflag:s23], $0x1  }
0xa9: {  	[sflag:s23] =	ssyncset.done $0x0  }
0xaa: {  	s25 =	simm.s32 $0x1B8E;
	s24 =	sld [smem:$0x3FFE];
	[sflag:s23] =	ssyncadd.s32 $0xFFFFFFFF  }
0xab: {  	s26 =	simm.s32 $execute0_lowered;
	[smem:$0x3FD2] =	sst s25  }
0xac: {  	s5 =	sshll.u32 s26, $0x1;
	_ =	strace $0x80000049;
	[dreg:$0x1] =	wrdreg $0xFFFFFFFF  }
0xad: {  	s28 =	simm.s32 $_size_execute0_lowered;
	s3 =	sadd.s32 s3, s5;
	[dreg:$0x0] =	wrdreg $0x0  }
0xae: {  	s5 =	sshll.u32 s28, $0x1;
	[dreg:$0x2] =	wrdreg s3  }
0xaf: {  	[dreg:$0x3] =	wrdreg s5  }
0xb0: {  	[dreg:$0x4] =	wrdreg $0xC0  }
0xb1: {  	_ =	task [dreg:s7], $0x5FFFF  }
0xb2: {  	[dreg:$0x1] =	wrdreg $0xFFFFFFFF  }
0xb3: {  	[dreg:$0x0] =	wrdreg $0x60  }
0xb4: {  	[dreg:$0x2] =	wrdreg s24  }
0xb5: {  	[dreg:$0x3] =	wrdreg s16  }
0xb6: {  	[dreg:$0x4] =	wrdreg $0xB0000  }
0xb7: {  	[dreg:$0x5] =	wrdreg $0x9  }
0xb8: {  	_ =	task.clear_ibuf [dreg:s7], $0x6FFFF;
	_ =	strace $0x90000049  }
0xb9: {  	s29 =	simm.s32 $0x9;
	_ =	strace $0x8000004B  }
0xba: {  	_ =	swait.ge [sflag:s29], $0x1  }
0xbb: {  	[sflag:s29] =	ssyncadd.s32 $0xFFFFFFFF  }
0xbc: {  	_ =	strace $0x9000004B  }
0xbd: {  	_ =	sfence  }
0xbe: {  	s30 =	sld [smem:$0x0];
	_ =	sdelay $0x2  }
0xbf: {  	s31 =	sshll.u32 s1, $0xD;
	s1 =	sshrl.u32 s1, $0x2  }
0xc0: {  	s3 =	sand.u32 $0x4000, s31;
	s1 =	sadd.s32 s1, s30  }
0xc1: {  	s0 =	sor.u32 s3, s0;
	s1 =	sshll.u32 s1, $0x11  }
0xc2: {  	s0 =	sor.u32 s1, s0  }
0xc3: {  	s0 =	sadd.s32 $0x8F2B, s0  }
0xc4: {  	[sflag:s0] =	ssyncadd.remote.s32 $0x1  }
0xc5: {  	_ =	sfence.sel $0xFFFF  }
0xc6: {  	[dreg:$0x0] =	wrdreg $0xFFFFFFFF;
	(pc) =	sbr.abs _section_cstart, $3  }
0xc7: {  	[dreg:$0x1] =	wrdreg $0xFFFFFFFF  }
0xc8: {  	_ =	task.clear_ibuf [dreg:s7], $0x2FFFF;
	_ =	strace $0x9FFFFFFF  }
0xc9: {  	(tm) =	ssettm $0x7FFFFFFF  }
tec
execute0_lowered:
.L_overlay_start_1:
0x0: {  	(tag) =	ssettag $0x1  }
0x1: {  	s9 =	rddreg [dreg:$0x0]  }
0x2: {  	s1 =	rddreg [dreg:$0x1]  }
0x3: {  	s2 =	rddreg [dreg:$0x2];
	s3 =	simm.s32 $0x0;
	s4 =	srdreg.scid  }
0x4: {  	s0 =	stileid.u32;
	s15 =	simm.s32 $0x50;
	s18 =	simm.s32 $0x3800  }
0x5: {  	s19 =	simm.s32 $0x100;
	s20 =	simm.s32 $0x6000;
	s23 =	simm.s32 $0x4  }
0x6: {  	s24 =	simm.s32 $0x1;
	s25 =	simm.s32 $0x2;
	s26 =	simm.s32 $0x0  }
0x7: {  	[smem:$0x7FF] =	sst s3;
	s8 =	sand.u32 $0x1, s4;
	s5 =	sadd.s32 $0x1C400, s9  }
0x8: {  	s11 =	smul.u32 $0x13C00, s0;
	s6 =	sadd.s32 $0x3400, s9;
	s7 =	sadd.s32 $0x35400, s9  }
0x9: {  	s13 =	smul.u32 $0x4F000, s0;
	s21 =	sshll.u32 s0, $0x6;
	s12 =	sshll.u32 s8, $0x4  }
0xa: {  	_ =	strace $0x8000004A;
	s10 =	smul.u32 $0x13C000, s8;
	s12 =	sor.u32 s0, s12  }
0xb: {  	s28 =	ssub.s32 $0x2, s8;
	s21 =	sor.u32 $0x1C04, s21;
	s8 =	smul.u32 $0x6400, s12  }
.Ltmp0:
0xc: {  	s29 =	sshrl.u32 s28, $0x1;
	s31 =	sshrl.u32 s13, $0x2;
	(pc) =	sbr.rel .LBB2_1-.Ltmp0, $4  }
0xd: {  	s10 =	sadd.s32 s11, s10;
	s12 =	ssub.s32 s28, s29;
	s22 =	sadd.s32 s31, s2  }
0xe: {  	s10 =	sshrl.u32 s10, $0x3;
	s12 =	smax.u32 s12, $0x1;
	s30 =	sshrl.u32 s8, $0x3  }
0xf: {  	s22 =	sshrl.u32 s22, $0x3;
	s14 =	sadd.s32 s10, s9;
	s9 =	sadd.s32 s5, s30  }
0x10: {  	s10 =	sadd.s32 s6, s30;
	s11 =	sadd.s32 $0x37C00, s14;
	s14 =	simm.s32 $0x3  }
.LBB2_7:
0x11: {  	_ =	swait.ge [sflag:s25], $0x2800  }
0x12: {  	[sflag:s25] =	ssyncset.done $0x0  }
0x13: {  	[sflag:s25] =	ssyncadd.s32 $0xFFFFD800  }
0x14: {  	_ =	swait.ge [sflag:s25], $0x2800  }
0x15: {  	[sflag:s25] =	ssyncset.done $0x0  }
0x16: {  	[sflag:s25] =	ssyncadd.s32 $0xFFFFD800  }
0x17: {  	_ =	swait.ge [sflag:s25], $0x2800  }
0x18: {  	[sflag:s25] =	ssyncset.done $0x0  }
0x19: {  	[sflag:s25] =	ssyncadd.s32 $0xFFFFD800  }
0x1a: {  	_ =	swait.ge [sflag:s25], $0x2800  }
0x1b: {  	s26 =	sadd.s32 $0x1, s26;
	[sflag:s25] =	ssyncset.done $0x0  }
0x1c: {  	p0 =	sne.s32 s26, s12;
	[sflag:s25] =	ssyncadd.s32 $0xFFFFD800  }
.Ltmp1:
0x1d: {  	[bflag:$0x0] =	sbarrier.arrive $0xFFFF;
	(pc) =	sbr.rel @!p0 .LBB2_8-.Ltmp1, $4  }
0x1e: {  	[hbm:s11], [sflag:s21] =	dma.local [spmem:s22], $0x2780  }
0x1f: {  	_ =	swait.ge [sflag:s23], $0x2780  }
0x20: {  	[sflag:s23] =	ssyncset.done $0x0  }
0x21: {  	[sflag:s23] =	ssyncadd.s32 $0xFFFFD880  }
.LBB2_1:
0x22: {  	[tilespmem:s3], [sflag:$0x3] =	stream.linear.gather [hbm4b:s9+s3], $0x280, $0x38;
	[tilespmem:$0x1EC00] =	vst v63  }
0x23: {  	s0 =	simm.s32 $0x800  }
0x24: {  	[tilespmem:s0], [sflag:$0x3] =	stream.linear.gather [hbm4b:s10+s3], $0x280, $0x38;
	[tilespmem:$0x1EC00] =	vst v63  }
0x25: {  	_ =	swait.ge [sflag:s14], $0x280  }
0x26: {  	[sflag:s14] =	ssyncset.done $0x0  }
0x27: {  	[sflag:s14] =	ssyncadd.s32 $0xFFFFFD80  }
0x28: {  	_ =	swait.ge [sflag:s14], $0x280  }
0x29: {  	[sflag:s14] =	ssyncset.done $0x0  }
0x2a: {  	s30 =	simm.s32 $0x1000;
	[sflag:s14] =	ssyncadd.s32 $0xFFFFFD80  }
0x2b: {  	[tilespmem:s30], [sflag:$0x1] =	stream.indirect.gather [hbm4b:s1+s15], $0x80, s3, s15, $0xb8;
	[tilespmem:$0x1EC00] =	vst v63  }
0x2c: {  	s31 =	simm.s32 $0x80  }
0x2d: {  	[tilespmem:s18], [sflag:$0x1] =	stream.indirect.gather [hbm4b:s1+s15], $0x80, s31, s15, $0xb8;
	[tilespmem:$0x1EC00] =	vst v63  }
0x2e: {  	_ = 	snop  }
0x2f: {  	[tilespmem:s20], [sflag:$0x1] =	stream.indirect.gather [hbm4b:s1+s15], $0x80, s19, s15, $0xb8;
	[tilespmem:$0x1EC00] =	vst v63  }
0x30: {  	[spmem:s22], [sflag:s21] =	dma.local [hbm:s7], $0x2780  }
.Ltmp2:
0x31: {  	_ =	swait.ge [sflag:s23], $0x2780;
	(pc) =	sbr.rel .LBB2_2-.Ltmp2, $4  }
0x32: {  	[sflag:s23] =	ssyncset.done $0x0  }
0x33: {  	[sflag:s23] =	ssyncadd.s32 $0xFFFFD880  }
0x34: {  	[bflag:$0x0] =	sbarrier.arrive $0xFFFF  }
0x35: {  	s28 =	simm.s32 $0x0  }
.LBB2_3:
0x36: {  	_ =	swait.ge [sflag:s14], $0x280  }
0x37: {  	[sflag:s14] =	ssyncset.done $0x0  }
0x38: {  	[sflag:s14] =	ssyncadd.s32 $0xFFFFFD80  }
0x39: {  	_ =	swait.ge [sflag:s14], $0x280  }
0x3a: {  	[sflag:s14] =	ssyncset.done $0x0  }
0x3b: {  	[sflag:s14] =	ssyncadd.s32 $0xFFFFFD80  }
.LBB2_5:
0x3c: {  	p0 =	seq.s32 s28, $0x0;
	s4 =	sand.u32 $0x3, s29  }
0x3d: {  	s16 =	sshll.u32 s30, $0xA;
	s0 =	simm.s32 @!p0 $0x2;
	s4 =	smul.u32 $0xA000, s4  }
0x3e: {  	s13 =	sand.u32 $0xFF, s31;
	s16 =	sand.u32 $0x400, s16;
	_ =	swait.ge @!p0 [sflag:s0], $0x2800  }
0x3f: {  	s13 =	sshll.u32 s13, $0x7;
	[sflag:s0] =	ssyncset.done @!p0 $0x0;
	s4 =	sshrl.u32 s4, $0x2  }
0x40: {  	s31 =	sadd.s32 s13, s16;
	[sflag:s0] =	ssyncadd.s32 @!p0 $0xFFFFD800;
	s30 =	sadd.s32 $0x1000, s4  }
0x41: {  	[tilespmem:s30], [sflag:$0x1] =	stream.indirect.gather [hbm4b:s1+s15], $0x80, s31, s15, $0xb8;
	[tilespmem:$0x1EC00] =	vst v63  }
.LBB2_6:
0x42: {  	s28 =	sadd.s32 $0x1, s28  }
0x43: {  	p0 =	sne.s32 s28, $0x7D  }
.Ltmp3:
0x44: {  	_ = 	snop;
	(pc) =	sbr.rel @!p0 .LBB2_7-.Ltmp3, $1  }
0x45: {  	_ =	sdelay $0x3  }
.LBB2_2:
0x46: {  	s30 =	smul.u32 $0xCD, s28;
	_ =	sdelay $0x1  }
0x47: {  	s29 =	sshrl.u32 s30, $0xA  }
0x48: {  	s31 =	sand.u32 $0x3F, s29  }
0x49: {  	s29 =	smul.u32 $0x5, s31;
	_ =	sdelay $0x1  }
0x4a: {  	p0 =	sgt.u32 s28, $0x77;
	s29 =	ssub.s32 s28, s29  }
0x4b: {  	s0 =	sand.u32 @!p0 $0xFF, s29  }
0x4c: {  	p1 =	sne.s32 @!p0 s0, $0x0  }
0x4d: {  	p0 =	por p1, p0  }
0x4e: {  	_ =	swait.ge [sflag:s24], $0x2800;
	s0 =	sshll.u32 @!p0 s31, $0xA  }
0x4f: {  	[sflag:s24] =	ssyncset.done $0x0;
	s0 =	sadd.s32 @!p0 $0x400, s0  }
0x50: {  	[sflag:s24] =	ssyncadd.s32 $0xFFFFD800;
	s13 =	sadd.s32 @!p0 s8, s0  }
0x51: {  	s4 =	sand.u32 $0xFF, s29;
	s29 =	sadd.s32 $0x3, s28;
	s13 =	sshrl.u32 @!p0 s13, $0x3  }
0x52: {  	s17 =	simm.s32 @!p0 $0x0;
	s0 =	sand.u32 @!p0 $0x400, s0;
	s16 =	sadd.s32 @!p0 s5, s13  }
0x53: {  	[tilespmem:s0], [sflag:$0x3] =	stream.linear.gather @!p0 [hbm4b:s16+s17], $0x280, $0x38;
	[tilespmem:$0x1EC00] =	vst v63  }
0x54: {  	s13 =	sadd.s32 @!p0 s6, s13;
	s16 =	sand.u32 $0x3, s28;
	s0 =	sor.u32 @!p0 $0x800, s0  }
0x55: {  	[tilespmem:s0], [sflag:$0x3] =	stream.linear.gather @!p0 [hbm4b:s13+s17], $0x280, $0x38;
	[tilespmem:$0x1EC00] =	vst v63  }
0x56: {  	s0 =	sadd.s32 $0x267, s30;
	s13 =	smul.u32 $0xA000, s16;
	s17 =	sshll.u32 s31, $0xA  }
0x57: {  	s4 =	sshll.u32 s4, $0x7;
	s0 =	sshrl.u32 s0, $0xA;
	s16 =	sand.u32 $0x400, s17  }
0x58: {  	s30 =	sand.u32 $0x3F, s0;
	s13 =	sshrl.u32 s13, $0x2;
	s4 =	sadd.s32 s4, s16  }
0x59: {  	s17 =	smul.u32 $0x5, s30;
	s0 =	sadd.s32 $0x1000, s13;
	s4 =	sadd.s32 $0x800, s4  }
0x5a: {  	[spmem:s2] =	stream.indirect.scatter.add.f32 [tilespmem:s0], [sflag:$0x2], $0x80, s4, s15, $0xb8;
	[tilespmem:$0x1EC00] =	vst v63  }
0x5b: {  	p0 =	sgt.u32 s28, $0x79;
	s31 =	ssub.s32 s29, s17  }
0x5c: {  	s0 =	sand.u32 @!p0 $0xFF, s31  }
0x5d: {  	p1 =	sne.s32 @!p0 s0, $0x0  }
0x5e: {  	p1 =	por p0, p1  }
.Ltmp4:
0x5f: {  	_ = 	snop;
	(pc) =	sbr.rel @!p1 .LBB2_3-.Ltmp4, $1  }
0x60: {  	_ =	sdelay $0x3  }
.Ltmp5:
0x61: {  	(pc) =	sbr.rel @p0 .LBB2_6-.Ltmp5, $4  }
.Ltmp6:
0x62: {  	(pc) =	sbr.rel @!p0 .LBB2_5-.Ltmp6, $4  }
0x63: {  	_ = 	snop  }
0x64: {  	_ = 	snop  }
0x65: {  	_ = 	snop  }
0x66: {  	_ = 	snop  }
.LBB2_8:
0x67: {  	_ =	sfence.sel $0x180000  }
0x68: {  	[bflag:$0x0] =	sbarrier.arrive $0xFFFF  }
0x69: {  	_ =	strace $0x9000004A  }
0x6a: {  	s0 =	stileid.u32;
	[bflag:$0x2] =	sbarrier.arrive $0xFFFF  }
0x6b: {  	p0 =	sne.s32 s0, $0x0;
	s0 =	rddreg [dreg:$0x3]  }
0x6c: {  	s0 =	sadd.s32 @!p0 $0x100000, s0  }
0x6d: {  	[sflag:s0] =	ssyncadd.tile.s32 @!p0 $0x1;
	_ =	shalt  }
.Lfunc_end2:
_tile_overlayer_lowered:
.L_overlay_start_2:
0x6e: {  	(tag) =	ssettag $0x2  }
0x6f: {  	s0 =	rddreg [dreg:$0x0];
	s2 =	stileid.u32  }
0x70: {  	s1 =	rddreg [dreg:$0x1];
	p0 =	sne.s32 s2, $0x0  }
0x71: {  	s3 =	rddreg [dreg:$0x2];
	[bflag:$0x3] =	sbarrier.arrive $0xFFFF;
	s2 =	simm.s32 @!p0 $0x1C04  }
0x72: {  	[timem:s3], [sflag:s2] =	dma.local @!p0 [hbm:s0], s1  }
0x73: {  	s0 =	simm.s32 @!p0 $0x4  }
0x74: {  	_ =	swait.ge @!p0 [sflag:s0], s1  }
0x75: {  	s1 =	ssub.s32 @!p0 $0x0, s1;
	[sflag:s0] =	ssyncset.done @!p0 $0x0  }
0x76: {  	[sflag:s0] =	ssyncadd.s32 @!p0 s1  }
0x77: {  	[bflag:$0x3] =	sbarrier.arrive $0xFFFF  }
0x78: {  	_ =	shalt  }

// kernel: kernel.16.cloned.1.call-start
scs
__scs_entry_jumppad:
0x0: {  	(pc) =	sbr.rel $0x88, $3  }
0x1: {  	(tag) =	ssettag $0x0;
	lr =	simm.s32 $0x1  }
0x2: {  	[smem:$0x3F99] =	sst lr;
	_ =	strace $0xD0000000  }
0x3: {  	_ = 	snop  }
0x4: {  	_ = 	snop  }
0x5: {  	_ = 	snop  }
0x6: {  	_ = 	snop  }
0x7: {  	_ = 	snop  }
__scs_overlays_trampoline_lowered:
0x8: {  	[smem:$0x3FA8] =	sst s0  }
0x9: {  	[smem:$0x3FA9] =	sst s1  }
0xa: {  	[smem:$0x3FAA] =	sst s2  }
0xb: {  	[smem:$0x3FAB] =	sst s3  }
0xc: {  	[smem:$0x3FAC] =	sst s4  }
0xd: {  	[smem:$0x3FAD] =	sst s5  }
0xe: {  	[smem:$0x3FAE] =	sst s6  }
0xf: {  	[smem:$0x3FAF] =	sst s7  }
0x10: {  	[smem:$0x3FB0] =	sst s8  }
0x11: {  	[smem:$0x3FB1] =	sst s9;
	s0 =	simm.s32 @!p0 $0x0  }
0x12: {  	s1 =	sld [smem:$0x3F97];
	s0 =	simm.s32 @p0 $0x1  }
0x13: {  	[smem:$0x3FB2] =	sst s0;
	s0 =	simm.s32 @!p1 $0x0  }
0x14: {  	s2 =	sld [smem:$0x3F96];
	s0 =	simm.s32 @p1 $0x1  }
0x15: {  	[smem:$0x3FB3] =	sst s0;
	s0 =	simm.s32 @!p2 $0x0  }
0x16: {  	s3 =	sld [smem:$0x3FDB];
	s0 =	simm.s32 @p2 $0x1  }
0x17: {  	s4 =	simm.s32 $0x1BF5;
	[smem:$0x3FB5] =	sst s0  }
0x18: {  	s0 =	sld [smem:$0x3F98];
	_ =	swait.ge [sflag:s4], $0x0  }
0x19: {  	s7 =	sld [smem:$0x3F99]  }
0x1a: {  	s8 =	sadd.s32 $0xFFFFE003, lr  }
0x1b: {  	s9 =	sadd.s32 $0xFFFFFEF7, lr;
	s5 =	simm.s32 $0xFFFFFFFF;
	p2 =	slt.u32 s8, $0xFFFFF086  }
0x1c: {  	p1 =	slt.u32 s9, $0xF7A;
	s5 =	simm.s32 @!p2 $0x0  }
0x1d: {  	s5 =	simm.s32 @p1 $0x1;
	p0 =	seq.s32 s7, s2  }
0x1e: {  	s7 =	smul.u32 @!p0 $0xF7A, s2;
	p2 =	seq.s32 @!p0 s5, $0x0  }
0x1f: {  	s9 =	smul.u32 $0xF7A, s1;
	s8 =	simm.s32 @!p0 $0x1BF5;
	p2 =	por !p2, p0  }
0x20: {  	[sflag:s8] =	ssyncset.s32 @!p0 $0xFFFFF086;
	s6 =	sadd.s32 @!p0 s3, s7;
	s7 =	simm.s32 @!p0 $0x108  }
0x21: {  	s3 =	sadd.s32 s3, s9;
	s6 =	sadd.s32 @!p0 $0x88, s6;
	s7 =	simm.s32 @p2 $0x1082  }
0x22: {  	[simem:s7], [sflag:s8] =	dma.local @!p0 [hbm:s6], $0xF7A  }
0x23: {  	s9 =	sor.u32 $0xD0000000, s2;
	s6 =	simm.s32 $0x108;
	_ =	swait.ge @!p0 [sflag:s8], $0x0  }
0x24: {  	s3 =	sadd.s32 $0x88, s3;
	s6 =	simm.s32 @!p1 $0x1082;
	[sflag:s4] =	ssyncset.s32 $0xFFFFF086  }
0x25: {  	[simem:s6], [sflag:s4] =	dma.local [hbm:s3], $0xF7A  }
0x26: {  	[smem:$0x3F99] =	sst s1;
	(tag) =	ssettag s2;
	_ =	strace s9  }
0x27: {  	s1 =	sld [smem:$0x3FA9]  }
0x28: {  	s2 =	sld [smem:$0x3FAA]  }
0x29: {  	s4 =	sld [smem:$0x3FAC]  }
0x2a: {  	p0 =	seq.s32 s5, $0x0;
	s5 =	sld [smem:$0x3FAD]  }
0x2b: {  	s6 =	sld [smem:$0x3FAE]  }
0x2c: {  	s7 =	sld [smem:$0x3FAF]  }
0x2d: {  	s3 =	simm.s32 $0x108;
	s8 =	sld [smem:$0x3FB0]  }
0x2e: {  	s3 =	simm.s32 @!p0 $0x1082;
	s9 =	sld [smem:$0x3FB1]  }
0x2f: {  	lr =	sadd.s32 s0, s3;
	s0 =	sld [smem:$0x3FA8]  }
0x30: {  	s3 =	sld [smem:$0x3FAB]  }
0x31: {  	[smem:$0x3FB4] =	sst s10  }
0x32: {  	s10 =	sld [smem:$0x3FB2];
	_ =	sdelay $0x3  }
0x33: {  	p0 =	seq.s32 s10, $0x1;
	s10 =	sld [smem:$0x3FB4];
	_ =	sdelay $0x3  }
0x34: {  	[smem:$0x3FB4] =	sst s10  }
0x35: {  	s10 =	sld [smem:$0x3FB3];
	_ =	sdelay $0x3  }
0x36: {  	p1 =	seq.s32 s10, $0x1;
	s10 =	sld [smem:$0x3FB4];
	_ =	sdelay $0x3  }
0x37: {  	[smem:$0x3FB4] =	sst s10  }
0x38: {  	s10 =	sld [smem:$0x3FB5]  }
0x39: {  	_ = 	snop;
	(pc) =	sbr.ind lr, $3  }
0x3a: {  	_ = 	snop  }
0x3b: {  	_ = 	snop  }
0x3c: {  	p2 =	seq.s32 s10, $0x1;
	s10 =	sld [smem:$0x3FB4]  }
0x3d: {  	_ =	shalt  }
0x3e: {  	_ =	shalt  }
0x3f: {  	_ =	shalt  }
0x40: {  	_ =	shalt  }
0x41: {  	_ =	shalt  }
0x42: {  	_ =	shalt  }
0x43: {  	_ =	shalt  }
0x44: {  	_ =	shalt  }
0x45: {  	_ =	shalt  }
0x46: {  	_ =	shalt  }
0x47: {  	_ =	shalt  }
0x48: {  	_ =	shalt  }
0x49: {  	_ =	shalt  }
0x4a: {  	_ =	shalt  }
0x4b: {  	_ =	shalt  }
0x4c: {  	_ =	shalt  }
0x4d: {  	_ =	shalt  }
0x4e: {  	_ =	shalt  }
0x4f: {  	_ =	shalt  }
0x50: {  	_ =	shalt  }
0x51: {  	_ =	shalt  }
0x52: {  	_ =	shalt  }
0x53: {  	_ =	shalt  }
0x54: {  	_ =	shalt  }
0x55: {  	_ =	shalt  }
0x56: {  	_ =	shalt  }
0x57: {  	_ =	shalt  }
0x58: {  	_ =	shalt  }
0x59: {  	_ =	shalt  }
0x5a: {  	_ =	shalt  }
0x5b: {  	_ =	shalt  }
0x5c: {  	_ =	shalt  }
0x5d: {  	_ =	shalt  }
0x5e: {  	_ =	shalt  }
0x5f: {  	_ =	shalt  }
0x60: {  	_ =	shalt  }
0x61: {  	_ =	shalt  }
0x62: {  	_ =	shalt  }
0x63: {  	_ =	shalt  }
0x64: {  	_ =	shalt  }
0x65: {  	_ =	shalt  }
0x66: {  	_ =	shalt  }
0x67: {  	_ =	shalt  }
0x68: {  	_ =	shalt  }
0x69: {  	_ =	shalt  }
0x6a: {  	_ =	shalt  }
0x6b: {  	_ =	shalt  }
0x6c: {  	_ =	shalt  }
0x6d: {  	_ =	shalt  }
0x6e: {  	_ =	shalt  }
0x6f: {  	_ =	shalt  }
0x70: {  	_ =	shalt  }
0x71: {  	_ =	shalt  }
0x72: {  	_ =	shalt  }
0x73: {  	_ =	shalt  }
0x74: {  	_ =	shalt  }
0x75: {  	_ =	shalt  }
0x76: {  	_ =	shalt  }
0x77: {  	_ =	shalt  }
0x78: {  	_ =	shalt  }
0x79: {  	_ =	shalt  }
0x7a: {  	_ =	shalt  }
0x7b: {  	_ =	shalt  }
0x7c: {  	_ =	shalt  }
0x7d: {  	_ =	shalt  }
0x7e: {  	_ =	shalt  }
0x7f: {  	_ =	shalt  }
0x80: {  	_ =	shalt  }
0x81: {  	_ =	shalt  }
0x82: {  	_ =	shalt  }
0x83: {  	_ =	shalt  }
0x84: {  	_ =	shalt  }
0x85: {  	_ =	shalt  }
0x86: {  	_ =	shalt  }
0x87: {  	_ =	shalt  }
.Lfunc_end0:
.L_simem_size_0:
called_computation.2_lowered:
.L_overlay_start_0:
0x88: {  	s2 =	sld [smem:$0x3FD9]  }
0x89: {  	s3 =	sld [smem:$0x3FFE];
	_ =	sdelay $0x1  }
0x8a: {  	s1 =	srdreg.scid  }
0x8b: {  	s0 =	sand.u32 $0x1, s1  }
0x8c: {  	s14 =	sshll.u32 s0, $0xA;
	s2 =	sadd.s32 s3, s2  }
0x8d: {  	s2 =	sadd.s32 s2, s14  }
0x8e: {  	[smem:$0x3FC0] =	sst s2  }
0x8f: {  	_ = 	snop  }
0x90: {  	s2 =	sld [smem:$0x3FD0];
	_ =	sdelay $0x2  }
0x91: {  	s15 =	simm.s32 $0xB;
	s4 =	simm.s32 $0x10  }
0x92: {  	[smem:s4], [sflag:s15] =	dma.local [hbm:s2], $0x1  }
0x93: {  	_ =	swait.eq [sflag:s15], $0x1  }
0x94: {  	[sflag:s15] =	ssyncset.done $0x0  }
0x95: {  	[sflag:s15] =	ssyncadd.s32 $0xFFFFFFFF  }
0x96: {  	s16 =	sld [smem:$0x11];
	(tm) =	ssettm $0x1  }
0x97: {  	s17 =	sld [smem:$0x3FFB];
	_ =	sdelay $0x3  }
0x98: {  	_ =	strace s17  }
0x99: {  	s3 =	sld [smem:$0x3FFC];
	_ =	sdelay $0x3  }
0x9a: {  	_ =	strace s3  }
0x9b: {  	s3 =	sld [smem:$0x3FFD];
	_ =	sdelay $0x3  }
0x9c: {  	_ =	strace s3  }
0x9d: {  	_ =	strace $0x8FFFFFFF  }
0x9e: {  	s18 =	sld [smem:$0x3FDB];
	_ =	sdelay $0x1  }
0x9f: {  	s19 =	simm.s32 $_scs_section_size  }
0xa0: {  	s5 =	simm.s32 $_size__tile_overlayer_lowered;
	s6 =	simm.s32 $_tile_overlayer_lowered  }
0xa1: {  	s22 =	simm.s32 $0x1BFF;
	s21 =	sshll.u32 s6, $0x1;
	s3 =	sadd.s32 s19, s18  }
0xa2: {  	s7 =	simm.s32 $0x0;
	s20 =	sshll.u32 s5, $0x1;
	s5 =	sadd.s32 s21, s3  }
0xa3: {  	[timem:s7], [sflag:s22] =	dma.local [hbm:s5], s20  }
0xa4: {  	_ =	swait.ge [sflag:s22], s20  }
0xa5: {  	s4 =	ssub.s32 $0x0, s20;
	[sflag:s22] =	ssyncset.done $0x0  }
0xa6: {  	[sflag:s22] =	ssyncadd.s32 s4;
	_ =	sdelay $0x1  }
0xa7: {  	s23 =	simm.s32 $0x1B8B  }
0xa8: {  	_ =	swait.ge [sflag:s23], $0x1  }
0xa9: {  	[sflag:s23] =	ssyncset.done $0x0  }
0xaa: {  	s25 =	simm.s32 $0x1B8E;
	s24 =	sld [smem:$0x3FFE];
	[sflag:s23] =	ssyncadd.s32 $0xFFFFFFFF  }
0xab: {  	s26 =	simm.s32 $execute0_lowered;
	[smem:$0x3FD2] =	sst s25  }
0xac: {  	s5 =	sshll.u32 s26, $0x1;
	_ =	strace $0x8000004C;
	[dreg:$0x1] =	wrdreg $0xFFFFFFFF  }
0xad: {  	s28 =	simm.s32 $_size_execute0_lowered;
	s3 =	sadd.s32 s3, s5;
	[dreg:$0x0] =	wrdreg $0x0  }
0xae: {  	s5 =	sshll.u32 s28, $0x1;
	[dreg:$0x2] =	wrdreg s3  }
0xaf: {  	[dreg:$0x3] =	wrdreg s5  }
0xb0: {  	[dreg:$0x4] =	wrdreg $0xC0  }
0xb1: {  	_ =	task [dreg:s7], $0x5FFFF  }
0xb2: {  	[dreg:$0x1] =	wrdreg $0xFFFFFFFF  }
0xb3: {  	[dreg:$0x0] =	wrdreg $0x60  }
0xb4: {  	[dreg:$0x2] =	wrdreg s24  }
0xb5: {  	[dreg:$0x3] =	wrdreg s16  }
0xb6: {  	[dreg:$0x4] =	wrdreg $0xB0000  }
0xb7: {  	[dreg:$0x5] =	wrdreg $0x9  }
0xb8: {  	_ =	task.clear_ibuf [dreg:s7], $0x6FFFF;
	_ =	strace $0x9000004C  }
0xb9: {  	s29 =	simm.s32 $0x9;
	_ =	strace $0x8000004E  }
0xba: {  	_ =	swait.ge [sflag:s29], $0x1  }
0xbb: {  	[sflag:s29] =	ssyncadd.s32 $0xFFFFFFFF  }
0xbc: {  	_ =	strace $0x9000004E  }
0xbd: {  	_ =	sfence  }
0xbe: {  	s30 =	sld [smem:$0x0];
	_ =	sdelay $0x2  }
0xbf: {  	s31 =	sshll.u32 s1, $0xD;
	s1 =	sshrl.u32 s1, $0x2  }
0xc0: {  	s3 =	sand.u32 $0x4000, s31;
	s1 =	sadd.s32 s1, s30  }
0xc1: {  	s0 =	sor.u32 s3, s0;
	s1 =	sshll.u32 s1, $0x11  }
0xc2: {  	s0 =	sor.u32 s1, s0  }
0xc3: {  	s0 =	sadd.s32 $0x8F2B, s0  }
0xc4: {  	[sflag:s0] =	ssyncadd.remote.s32 $0x1  }
0xc5: {  	_ =	sfence.sel $0xFFFF  }
0xc6: {  	[dreg:$0x0] =	wrdreg $0xFFFFFFFF;
	(pc) =	sbr.abs _section_cstart, $3  }
0xc7: {  	[dreg:$0x1] =	wrdreg $0xFFFFFFFF  }
0xc8: {  	_ =	task.clear_ibuf [dreg:s7], $0x2FFFF;
	_ =	strace $0x9FFFFFFF  }
0xc9: {  	(tm) =	ssettm $0x7FFFFFFF  }
tec
execute0_lowered:
.L_overlay_start_1:
0x0: {  	(tag) =	ssettag $0x1  }
0x1: {  	s9 =	rddreg [dreg:$0x0]  }
0x2: {  	s1 =	rddreg [dreg:$0x1]  }
0x3: {  	s2 =	rddreg [dreg:$0x2];
	s3 =	simm.s32 $0x0;
	s4 =	srdreg.scid  }
0x4: {  	s0 =	stileid.u32;
	s15 =	simm.s32 $0x50;
	s18 =	simm.s32 $0x3800  }
0x5: {  	s19 =	simm.s32 $0x100;
	s20 =	simm.s32 $0x6000;
	s23 =	simm.s32 $0x4  }
0x6: {  	s24 =	simm.s32 $0x1;
	s25 =	simm.s32 $0x2;
	s26 =	simm.s32 $0x0  }
0x7: {  	[smem:$0x7FF] =	sst s3;
	s8 =	sand.u32 $0x1, s4;
	s5 =	sadd.s32 $0x1C400, s9  }
0x8: {  	s11 =	smul.u32 $0x13C00, s0;
	s6 =	sadd.s32 $0x3400, s9;
	s7 =	sadd.s32 $0x35400, s9  }
0x9: {  	s13 =	smul.u32 $0x4F000, s0;
	s21 =	sshll.u32 s0, $0x6;
	s12 =	sshll.u32 s8, $0x4  }
0xa: {  	_ =	strace $0x8000004D;
	s10 =	smul.u32 $0x13C000, s8;
	s12 =	sor.u32 s0, s12  }
0xb: {  	s28 =	ssub.s32 $0x2, s8;
	s21 =	sor.u32 $0x1C04, s21;
	s8 =	smul.u32 $0x6400, s12  }
.Ltmp0:
0xc: {  	s29 =	sshrl.u32 s28, $0x1;
	s31 =	sshrl.u32 s13, $0x2;
	(pc) =	sbr.rel .LBB2_1-.Ltmp0, $4  }
0xd: {  	s10 =	sadd.s32 s11, s10;
	s12 =	ssub.s32 s28, s29;
	s22 =	sadd.s32 s31, s2  }
0xe: {  	s10 =	sshrl.u32 s10, $0x3;
	s12 =	smax.u32 s12, $0x1;
	s30 =	sshrl.u32 s8, $0x3  }
0xf: {  	s22 =	sshrl.u32 s22, $0x3;
	s14 =	sadd.s32 s10, s9;
	s9 =	sadd.s32 s5, s30  }
0x10: {  	s10 =	sadd.s32 s6, s30;
	s11 =	sadd.s32 $0x86C00, s14;
	s14 =	simm.s32 $0x3  }
.LBB2_7:
0x11: {  	_ =	swait.ge [sflag:s25], $0x2800  }
0x12: {  	[sflag:s25] =	ssyncset.done $0x0  }
0x13: {  	[sflag:s25] =	ssyncadd.s32 $0xFFFFD800  }
0x14: {  	_ =	swait.ge [sflag:s25], $0x2800  }
0x15: {  	[sflag:s25] =	ssyncset.done $0x0  }
0x16: {  	[sflag:s25] =	ssyncadd.s32 $0xFFFFD800  }
0x17: {  	_ =	swait.ge [sflag:s25], $0x2800  }
0x18: {  	[sflag:s25] =	ssyncset.done $0x0  }
0x19: {  	[sflag:s25] =	ssyncadd.s32 $0xFFFFD800  }
0x1a: {  	_ =	swait.ge [sflag:s25], $0x2800  }
0x1b: {  	s26 =	sadd.s32 $0x1, s26;
	[sflag:s25] =	ssyncset.done $0x0  }
0x1c: {  	p0 =	sne.s32 s26, s12;
	[sflag:s25] =	ssyncadd.s32 $0xFFFFD800  }
.Ltmp1:
0x1d: {  	[bflag:$0x0] =	sbarrier.arrive $0xFFFF;
	(pc) =	sbr.rel @!p0 .LBB2_8-.Ltmp1, $4  }
0x1e: {  	[hbm:s11], [sflag:s21] =	dma.local [spmem:s22], $0x2780  }
0x1f: {  	_ =	swait.ge [sflag:s23], $0x2780  }
0x20: {  	[sflag:s23] =	ssyncset.done $0x0  }
0x21: {  	[sflag:s23] =	ssyncadd.s32 $0xFFFFD880  }
.LBB2_1:
0x22: {  	[tilespmem:s3], [sflag:$0x3] =	stream.linear.gather [hbm4b:s9+s3], $0x280, $0x38;
	[tilespmem:$0x1EC00] =	vst v63  }
0x23: {  	s0 =	simm.s32 $0x800  }
0x24: {  	[tilespmem:s0], [sflag:$0x3] =	stream.linear.gather [hbm4b:s10+s3], $0x280, $0x38;
	[tilespmem:$0x1EC00] =	vst v63  }
0x25: {  	_ =	swait.ge [sflag:s14], $0x280  }
0x26: {  	[sflag:s14] =	ssyncset.done $0x0  }
0x27: {  	[sflag:s14] =	ssyncadd.s32 $0xFFFFFD80  }
0x28: {  	_ =	swait.ge [sflag:s14], $0x280  }
0x29: {  	[sflag:s14] =	ssyncset.done $0x0  }
0x2a: {  	s30 =	simm.s32 $0x1000;
	[sflag:s14] =	ssyncadd.s32 $0xFFFFFD80  }
0x2b: {  	[tilespmem:s30], [sflag:$0x1] =	stream.indirect.gather [hbm4b:s1+s15], $0x80, s3, s15, $0xb8;
	[tilespmem:$0x1EC00] =	vst v63  }
0x2c: {  	s31 =	simm.s32 $0x80  }
0x2d: {  	[tilespmem:s18], [sflag:$0x1] =	stream.indirect.gather [hbm4b:s1+s15], $0x80, s31, s15, $0xb8;
	[tilespmem:$0x1EC00] =	vst v63  }
0x2e: {  	_ = 	snop  }
0x2f: {  	[tilespmem:s20], [sflag:$0x1] =	stream.indirect.gather [hbm4b:s1+s15], $0x80, s19, s15, $0xb8;
	[tilespmem:$0x1EC00] =	vst v63  }
0x30: {  	[spmem:s22], [sflag:s21] =	dma.local [hbm:s7], $0x2780  }
.Ltmp2:
0x31: {  	_ =	swait.ge [sflag:s23], $0x2780;
	(pc) =	sbr.rel .LBB2_2-.Ltmp2, $4  }
0x32: {  	[sflag:s23] =	ssyncset.done $0x0  }
0x33: {  	[sflag:s23] =	ssyncadd.s32 $0xFFFFD880  }
0x34: {  	[bflag:$0x0] =	sbarrier.arrive $0xFFFF  }
0x35: {  	s28 =	simm.s32 $0x0  }
.LBB2_3:
0x36: {  	_ =	swait.ge [sflag:s14], $0x280  }
0x37: {  	[sflag:s14] =	ssyncset.done $0x0  }
0x38: {  	[sflag:s14] =	ssyncadd.s32 $0xFFFFFD80  }
0x39: {  	_ =	swait.ge [sflag:s14], $0x280  }
0x3a: {  	[sflag:s14] =	ssyncset.done $0x0  }
0x3b: {  	[sflag:s14] =	ssyncadd.s32 $0xFFFFFD80  }
.LBB2_5:
0x3c: {  	p0 =	seq.s32 s28, $0x0;
	s4 =	sand.u32 $0x3, s29  }
0x3d: {  	s16 =	sshll.u32 s30, $0xA;
	s0 =	simm.s32 @!p0 $0x2;
	s4 =	smul.u32 $0xA000, s4  }
0x3e: {  	s13 =	sand.u32 $0xFF, s31;
	s16 =	sand.u32 $0x400, s16;
	_ =	swait.ge @!p0 [sflag:s0], $0x2800  }
0x3f: {  	s13 =	sshll.u32 s13, $0x7;
	[sflag:s0] =	ssyncset.done @!p0 $0x0;
	s4 =	sshrl.u32 s4, $0x2  }
0x40: {  	s31 =	sadd.s32 s13, s16;
	[sflag:s0] =	ssyncadd.s32 @!p0 $0xFFFFD800;
	s30 =	sadd.s32 $0x1000, s4  }
0x41: {  	[tilespmem:s30], [sflag:$0x1] =	stream.indirect.gather [hbm4b:s1+s15], $0x80, s31, s15, $0xb8;
	[tilespmem:$0x1EC00] =	vst v63  }
.LBB2_6:
0x42: {  	s28 =	sadd.s32 $0x1, s28  }
0x43: {  	p0 =	sne.s32 s28, $0x7D  }
.Ltmp3:
0x44: {  	_ = 	snop;
	(pc) =	sbr.rel @!p0 .LBB2_7-.Ltmp3, $1  }
0x45: {  	_ =	sdelay $0x3  }
.LBB2_2:
0x46: {  	s30 =	smul.u32 $0xCD, s28;
	_ =	sdelay $0x1  }
0x47: {  	s29 =	sshrl.u32 s30, $0xA  }
0x48: {  	s31 =	sand.u32 $0x3F, s29  }
0x49: {  	s29 =	smul.u32 $0x5, s31;
	_ =	sdelay $0x1  }
0x4a: {  	p0 =	sgt.u32 s28, $0x77;
	s29 =	ssub.s32 s28, s29  }
0x4b: {  	s0 =	sand.u32 @!p0 $0xFF, s29  }
0x4c: {  	p1 =	sne.s32 @!p0 s0, $0x0  }
0x4d: {  	p0 =	por p1, p0  }
0x4e: {  	_ =	swait.ge [sflag:s24], $0x2800;
	s0 =	sshll.u32 @!p0 s31, $0xA  }
0x4f: {  	[sflag:s24] =	ssyncset.done $0x0;
	s0 =	sadd.s32 @!p0 $0x400, s0  }
0x50: {  	[sflag:s24] =	ssyncadd.s32 $0xFFFFD800;
	s13 =	sadd.s32 @!p0 s8, s0  }
0x51: {  	s4 =	sand.u32 $0xFF, s29;
	s29 =	sadd.s32 $0x3, s28;
	s13 =	sshrl.u32 @!p0 s13, $0x3  }
0x52: {  	s17 =	simm.s32 @!p0 $0x0;
	s0 =	sand.u32 @!p0 $0x400, s0;
	s16 =	sadd.s32 @!p0 s5, s13  }
0x53: {  	[tilespmem:s0], [sflag:$0x3] =	stream.linear.gather @!p0 [hbm4b:s16+s17], $0x280, $0x38;
	[tilespmem:$0x1EC00] =	vst v63  }
0x54: {  	s13 =	sadd.s32 @!p0 s6, s13;
	s16 =	sand.u32 $0x3, s28;
	s0 =	sor.u32 @!p0 $0x800, s0  }
0x55: {  	[tilespmem:s0], [sflag:$0x3] =	stream.linear.gather @!p0 [hbm4b:s13+s17], $0x280, $0x38;
	[tilespmem:$0x1EC00] =	vst v63  }
0x56: {  	s0 =	sadd.s32 $0x267, s30;
	s13 =	smul.u32 $0xA000, s16;
	s17 =	sshll.u32 s31, $0xA  }
0x57: {  	s4 =	sshll.u32 s4, $0x7;
	s0 =	sshrl.u32 s0, $0xA;
	s16 =	sand.u32 $0x400, s17  }
0x58: {  	s30 =	sand.u32 $0x3F, s0;
	s13 =	sshrl.u32 s13, $0x2;
	s4 =	sadd.s32 s4, s16  }
0x59: {  	s17 =	smul.u32 $0x5, s30;
	s0 =	sadd.s32 $0x1000, s13;
	s4 =	sadd.s32 $0x800, s4  }
0x5a: {  	[spmem:s2] =	stream.indirect.scatter.add.f32 [tilespmem:s0], [sflag:$0x2], $0x80, s4, s15, $0xb8;
	[tilespmem:$0x1EC00] =	vst v63  }
0x5b: {  	p0 =	sgt.u32 s28, $0x79;
	s31 =	ssub.s32 s29, s17  }
0x5c: {  	s0 =	sand.u32 @!p0 $0xFF, s31  }
0x5d: {  	p1 =	sne.s32 @!p0 s0, $0x0  }
0x5e: {  	p1 =	por p0, p1  }
.Ltmp4:
0x5f: {  	_ = 	snop;
	(pc) =	sbr.rel @!p1 .LBB2_3-.Ltmp4, $1  }
0x60: {  	_ =	sdelay $0x3  }
.Ltmp5:
0x61: {  	(pc) =	sbr.rel @p0 .LBB2_6-.Ltmp5, $4  }
.Ltmp6:
0x62: {  	(pc) =	sbr.rel @!p0 .LBB2_5-.Ltmp6, $4  }
0x63: {  	_ = 	snop  }
0x64: {  	_ = 	snop  }
0x65: {  	_ = 	snop  }
0x66: {  	_ = 	snop  }
.LBB2_8:
0x67: {  	_ =	sfence.sel $0x180000  }
0x68: {  	[bflag:$0x0] =	sbarrier.arrive $0xFFFF  }
0x69: {  	_ =	strace $0x9000004D  }
0x6a: {  	s0 =	stileid.u32;
	[bflag:$0x2] =	sbarrier.arrive $0xFFFF  }
0x6b: {  	p0 =	sne.s32 s0, $0x0;
	s0 =	rddreg [dreg:$0x3]  }
0x6c: {  	s0 =	sadd.s32 @!p0 $0x100000, s0  }
0x6d: {  	[sflag:s0] =	ssyncadd.tile.s32 @!p0 $0x1;
	_ =	shalt  }
.Lfunc_end2:
_tile_overlayer_lowered:
.L_overlay_start_2:
0x6e: {  	(tag) =	ssettag $0x2  }
0x6f: {  	s0 =	rddreg [dreg:$0x0];
	s2 =	stileid.u32  }
0x70: {  	s1 =	rddreg [dreg:$0x1];
	p0 =	sne.s32 s2, $0x0  }
0x71: {  	s3 =	rddreg [dreg:$0x2];
	[bflag:$0x3] =	sbarrier.arrive $0xFFFF;
	s2 =	simm.s32 @!p0 $0x1C04  }
0x72: {  	[timem:s3], [sflag:s2] =	dma.local @!p0 [hbm:s0], s1  }
0x73: {  	s0 =	simm.s32 @!p0 $0x4  }
0x74: {  	_ =	swait.ge @!p0 [sflag:s0], s1  }
0x75: {  	s1 =	ssub.s32 @!p0 $0x0, s1;
	[sflag:s0] =	ssyncset.done @!p0 $0x0  }
0x76: {  	[sflag:s0] =	ssyncadd.s32 @!p0 s1  }
0x77: {  	[bflag:$0x3] =	sbarrier.arrive $0xFFFF  }
0x78: {  	_ =	shalt  }

// kernel: kernel.19.cloned.1.call-start
scs
__scs_entry_jumppad:
0x0: {  	(pc) =	sbr.rel $0x88, $3  }
0x1: {  	(tag) =	ssettag $0x0;
	lr =	simm.s32 $0x1  }
0x2: {  	[smem:$0x3F99] =	sst lr;
	_ =	strace $0xD0000000  }
0x3: {  	_ = 	snop  }
0x4: {  	_ = 	snop  }
0x5: {  	_ = 	snop  }
0x6: {  	_ = 	snop  }
0x7: {  	_ = 	snop  }
__scs_overlays_trampoline_lowered:
0x8: {  	[smem:$0x3FA8] =	sst s0  }
0x9: {  	[smem:$0x3FA9] =	sst s1  }
0xa: {  	[smem:$0x3FAA] =	sst s2  }
0xb: {  	[smem:$0x3FAB] =	sst s3  }
0xc: {  	[smem:$0x3FAC] =	sst s4  }
0xd: {  	[smem:$0x3FAD] =	sst s5  }
0xe: {  	[smem:$0x3FAE] =	sst s6  }
0xf: {  	[smem:$0x3FAF] =	sst s7  }
0x10: {  	[smem:$0x3FB0] =	sst s8  }
0x11: {  	[smem:$0x3FB1] =	sst s9;
	s0 =	simm.s32 @!p0 $0x0  }
0x12: {  	s1 =	sld [smem:$0x3F97];
	s0 =	simm.s32 @p0 $0x1  }
0x13: {  	[smem:$0x3FB2] =	sst s0;
	s0 =	simm.s32 @!p1 $0x0  }
0x14: {  	s2 =	sld [smem:$0x3F96];
	s0 =	simm.s32 @p1 $0x1  }
0x15: {  	[smem:$0x3FB3] =	sst s0;
	s0 =	simm.s32 @!p2 $0x0  }
0x16: {  	s3 =	sld [smem:$0x3FDB];
	s0 =	simm.s32 @p2 $0x1  }
0x17: {  	s4 =	simm.s32 $0x1BF5;
	[smem:$0x3FB5] =	sst s0  }
0x18: {  	s0 =	sld [smem:$0x3F98];
	_ =	swait.ge [sflag:s4], $0x0  }
0x19: {  	s7 =	sld [smem:$0x3F99]  }
0x1a: {  	s8 =	sadd.s32 $0xFFFFE003, lr  }
0x1b: {  	s9 =	sadd.s32 $0xFFFFFEF7, lr;
	s5 =	simm.s32 $0xFFFFFFFF;
	p2 =	slt.u32 s8, $0xFFFFF086  }
0x1c: {  	p1 =	slt.u32 s9, $0xF7A;
	s5 =	simm.s32 @!p2 $0x0  }
0x1d: {  	s5 =	simm.s32 @p1 $0x1;
	p0 =	seq.s32 s7, s2  }
0x1e: {  	s7 =	smul.u32 @!p0 $0xF7A, s2;
	p2 =	seq.s32 @!p0 s5, $0x0  }
0x1f: {  	s9 =	smul.u32 $0xF7A, s1;
	s8 =	simm.s32 @!p0 $0x1BF5;
	p2 =	por !p2, p0  }
0x20: {  	[sflag:s8] =	ssyncset.s32 @!p0 $0xFFFFF086;
	s6 =	sadd.s32 @!p0 s3, s7;
	s7 =	simm.s32 @!p0 $0x108  }
0x21: {  	s3 =	sadd.s32 s3, s9;
	s6 =	sadd.s32 @!p0 $0x88, s6;
	s7 =	simm.s32 @p2 $0x1082  }
0x22: {  	[simem:s7], [sflag:s8] =	dma.local @!p0 [hbm:s6], $0xF7A  }
0x23: {  	s9 =	sor.u32 $0xD0000000, s2;
	s6 =	simm.s32 $0x108;
	_ =	swait.ge @!p0 [sflag:s8], $0x0  }
0x24: {  	s3 =	sadd.s32 $0x88, s3;
	s6 =	simm.s32 @!p1 $0x1082;
	[sflag:s4] =	ssyncset.s32 $0xFFFFF086  }
0x25: {  	[simem:s6], [sflag:s4] =	dma.local [hbm:s3], $0xF7A  }
0x26: {  	[smem:$0x3F99] =	sst s1;
	(tag) =	ssettag s2;
	_ =	strace s9  }
0x27: {  	s1 =	sld [smem:$0x3FA9]  }
0x28: {  	s2 =	sld [smem:$0x3FAA]  }
0x29: {  	s4 =	sld [smem:$0x3FAC]  }
0x2a: {  	p0 =	seq.s32 s5, $0x0;
	s5 =	sld [smem:$0x3FAD]  }
0x2b: {  	s6 =	sld [smem:$0x3FAE]  }
0x2c: {  	s7 =	sld [smem:$0x3FAF]  }
0x2d: {  	s3 =	simm.s32 $0x108;
	s8 =	sld [smem:$0x3FB0]  }
0x2e: {  	s3 =	simm.s32 @!p0 $0x1082;
	s9 =	sld [smem:$0x3FB1]  }
0x2f: {  	lr =	sadd.s32 s0, s3;
	s0 =	sld [smem:$0x3FA8]  }
0x30: {  	s3 =	sld [smem:$0x3FAB]  }
0x31: {  	[smem:$0x3FB4] =	sst s10  }
0x32: {  	s10 =	sld [smem:$0x3FB2];
	_ =	sdelay $0x3  }
0x33: {  	p0 =	seq.s32 s10, $0x1;
	s10 =	sld [smem:$0x3FB4];
	_ =	sdelay $0x3  }
0x34: {  	[smem:$0x3FB4] =	sst s10  }
0x35: {  	s10 =	sld [smem:$0x3FB3];
	_ =	sdelay $0x3  }
0x36: {  	p1 =	seq.s32 s10, $0x1;
	s10 =	sld [smem:$0x3FB4];
	_ =	sdelay $0x3  }
0x37: {  	[smem:$0x3FB4] =	sst s10  }
0x38: {  	s10 =	sld [smem:$0x3FB5]  }
0x39: {  	_ = 	snop;
	(pc) =	sbr.ind lr, $3  }
0x3a: {  	_ = 	snop  }
0x3b: {  	_ = 	snop  }
0x3c: {  	p2 =	seq.s32 s10, $0x1;
	s10 =	sld [smem:$0x3FB4]  }
0x3d: {  	_ =	shalt  }
0x3e: {  	_ =	shalt  }
0x3f: {  	_ =	shalt  }
0x40: {  	_ =	shalt  }
0x41: {  	_ =	shalt  }
0x42: {  	_ =	shalt  }
0x43: {  	_ =	shalt  }
0x44: {  	_ =	shalt  }
0x45: {  	_ =	shalt  }
0x46: {  	_ =	shalt  }
0x47: {  	_ =	shalt  }
0x48: {  	_ =	shalt  }
0x49: {  	_ =	shalt  }
0x4a: {  	_ =	shalt  }
0x4b: {  	_ =	shalt  }
0x4c: {  	_ =	shalt  }
0x4d: {  	_ =	shalt  }
0x4e: {  	_ =	shalt  }
0x4f: {  	_ =	shalt  }
0x50: {  	_ =	shalt  }
0x51: {  	_ =	shalt  }
0x52: {  	_ =	shalt  }
0x53: {  	_ =	shalt  }
0x54: {  	_ =	shalt  }
0x55: {  	_ =	shalt  }
0x56: {  	_ =	shalt  }
0x57: {  	_ =	shalt  }
0x58: {  	_ =	shalt  }
0x59: {  	_ =	shalt  }
0x5a: {  	_ =	shalt  }
0x5b: {  	_ =	shalt  }
0x5c: {  	_ =	shalt  }
0x5d: {  	_ =	shalt  }
0x5e: {  	_ =	shalt  }
0x5f: {  	_ =	shalt  }
0x60: {  	_ =	shalt  }
0x61: {  	_ =	shalt  }
0x62: {  	_ =	shalt  }
0x63: {  	_ =	shalt  }
0x64: {  	_ =	shalt  }
0x65: {  	_ =	shalt  }
0x66: {  	_ =	shalt  }
0x67: {  	_ =	shalt  }
0x68: {  	_ =	shalt  }
0x69: {  	_ =	shalt  }
0x6a: {  	_ =	shalt  }
0x6b: {  	_ =	shalt  }
0x6c: {  	_ =	shalt  }
0x6d: {  	_ =	shalt  }
0x6e: {  	_ =	shalt  }
0x6f: {  	_ =	shalt  }
0x70: {  	_ =	shalt  }
0x71: {  	_ =	shalt  }
0x72: {  	_ =	shalt  }
0x73: {  	_ =	shalt  }
0x74: {  	_ =	shalt  }
0x75: {  	_ =	shalt  }
0x76: {  	_ =	shalt  }
0x77: {  	_ =	shalt  }
0x78: {  	_ =	shalt  }
0x79: {  	_ =	shalt  }
0x7a: {  	_ =	shalt  }
0x7b: {  	_ =	shalt  }
0x7c: {  	_ =	shalt  }
0x7d: {  	_ =	shalt  }
0x7e: {  	_ =	shalt  }
0x7f: {  	_ =	shalt  }
0x80: {  	_ =	shalt  }
0x81: {  	_ =	shalt  }
0x82: {  	_ =	shalt  }
0x83: {  	_ =	shalt  }
0x84: {  	_ =	shalt  }
0x85: {  	_ =	shalt  }
0x86: {  	_ =	shalt  }
0x87: {  	_ =	shalt  }
.Lfunc_end0:
.L_simem_size_0:
called_computation.3_lowered:
.L_overlay_start_0:
0x88: {  	s2 =	sld [smem:$0x3FD9]  }
0x89: {  	s3 =	sld [smem:$0x3FFE];
	_ =	sdelay $0x1  }
0x8a: {  	s1 =	srdreg.scid  }
0x8b: {  	s0 =	sand.u32 $0x1, s1  }
0x8c: {  	s15 =	sshll.u32 s0, $0xA;
	s2 =	sadd.s32 s3, s2  }
0x8d: {  	s2 =	sadd.s32 s2, s15  }
0x8e: {  	[smem:$0x3FC0] =	sst s2  }
0x8f: {  	_ = 	snop  }
0x90: {  	s2 =	sld [smem:$0x3FD0];
	_ =	sdelay $0x2  }
0x91: {  	s16 =	simm.s32 $0xB;
	s4 =	simm.s32 $0x10  }
0x92: {  	[smem:s4], [sflag:s16] =	dma.local [hbm:s2], $0x1  }
0x93: {  	_ =	swait.eq [sflag:s16], $0x1  }
0x94: {  	[sflag:s16] =	ssyncset.done $0x0  }
0x95: {  	[sflag:s16] =	ssyncadd.s32 $0xFFFFFFFF  }
0x96: {  	s17 =	sld [smem:$0x10];
	(tm) =	ssettm $0x1  }
0x97: {  	s18 =	sld [smem:$0x3FFB];
	_ =	sdelay $0x3  }
0x98: {  	_ =	strace s18  }
0x99: {  	s2 =	sld [smem:$0x3FFC];
	_ =	sdelay $0x3  }
0x9a: {  	_ =	strace s2  }
0x9b: {  	s2 =	sld [smem:$0x3FFD];
	_ =	sdelay $0x3  }
0x9c: {  	_ =	strace s2  }
0x9d: {  	_ =	strace $0x8FFFFFFF  }
0x9e: {  	s19 =	sld [smem:$0x3FDB];
	_ =	sdelay $0x1  }
0x9f: {  	s20 =	simm.s32 $_scs_section_size  }
0xa0: {  	s5 =	simm.s32 $_size__tile_overlayer_lowered;
	s6 =	simm.s32 $_tile_overlayer_lowered  }
0xa1: {  	s7 =	simm.s32 $0x1BFF;
	s21 =	sshll.u32 s6, $0x1;
	s4 =	sadd.s32 s20, s19  }
0xa2: {  	s22 =	simm.s32 $0x0;
	s5 =	sshll.u32 s5, $0x1;
	s6 =	sadd.s32 s21, s4  }
0xa3: {  	[timem:s22], [sflag:s7] =	dma.local [hbm:s6], s5  }
0xa4: {  	_ =	swait.ge [sflag:s7], s5  }
0xa5: {  	s5 =	ssub.s32 $0x0, s5;
	[sflag:s7] =	ssyncset.done $0x0  }
0xa6: {  	[sflag:s7] =	ssyncadd.s32 s5;
	_ =	sdelay $0x1  }
0xa7: {  	s23 =	simm.s32 $0x1B8B  }
0xa8: {  	_ =	swait.ge [sflag:s23], $0x1  }
0xa9: {  	[sflag:s23] =	ssyncset.done $0x0  }
0xaa: {  	[sflag:s23] =	ssyncadd.s32 $0xFFFFFFFF  }
0xab: {  	s5 =	sld [smem:$0x0]  }
0xac: {  	s6 =	sand.u32 $0xFFFFFFFE, s1  }
0xad: {  	p0 =	sne.s32 s1, s6  }
0xae: {  	s6 =	sshll.u32 @p0 s6, $0xE  }
0xaf: {  	s6 =	sadd.s32 @p0 $0x11B8D, s6;
	s7 =	sshll.u32 @p0 s5, $0x11  }
0xb0: {  	s6 =	sor.u32 @p0 s7, s6  }
0xb1: {  	[sflag:s6] =	ssyncadd.remote.s32 @p0 $0x1;
	_ =	sdelay $0x1  }
0xb2: {  	s6 =	simm.s32 @p0 $0x1B8D  }
0xb3: {  	_ =	swait.eq @p0 [sflag:s6], $0x1  }
0xb4: {  	[sflag:s6] =	ssyncadd.s32 @p0 $0xFFFFFFFF  }
0xb5: {  	s7 =	sshll.u32 @!p0 s1, $0xE  }
0xb6: {  	s7 =	sor.u32 @!p0 $0x4000, s7;
	s6 =	simm.s32 @!p0 $0x1B8D  }
0xb7: {  	s5 =	sshll.u32 @!p0 s5, $0x11;
	s7 =	sadd.s32 @!p0 $0x11B8D, s7;
	_ =	swait.eq @!p0 [sflag:s6], $0x1  }
0xb8: {  	s5 =	sor.u32 @!p0 s5, s7;
	[sflag:s6] =	ssyncadd.s32 @!p0 $0xFFFFFFFF  }
0xb9: {  	s25 =	simm.s32 $0x1B8E;
	s24 =	sld [smem:$0x3FFE];
	[sflag:s5] =	ssyncadd.remote.s32 @!p0 $0x1  }
0xba: {  	s26 =	simm.s32 $execute0_lowered;
	[smem:$0x3FD2] =	sst s25  }
0xbb: {  	s6 =	sshll.u32 s26, $0x1;
	_ =	strace $0x8000004F;
	[dreg:$0x1] =	wrdreg $0xFFFFFFFF  }
0xbc: {  	s28 =	simm.s32 $_size_execute0_lowered;
	s4 =	sadd.s32 s4, s6;
	[dreg:$0x0] =	wrdreg $0x0  }
0xbd: {  	s6 =	sshll.u32 s28, $0x1;
	[dreg:$0x2] =	wrdreg s4  }
0xbe: {  	[dreg:$0x3] =	wrdreg s6  }
0xbf: {  	[dreg:$0x4] =	wrdreg $0xC0  }
0xc0: {  	_ =	task [dreg:s22], $0x5FFFF  }
0xc1: {  	[dreg:$0x1] =	wrdreg $0xFFFFFFFF  }
0xc2: {  	[dreg:$0x0] =	wrdreg $0x60  }
0xc3: {  	[dreg:$0x2] =	wrdreg s24  }
0xc4: {  	[dreg:$0x3] =	wrdreg s17  }
0xc5: {  	[dreg:$0x4] =	wrdreg $0xB0000  }
0xc6: {  	[dreg:$0x5] =	wrdreg $0xA  }
0xc7: {  	_ =	task.clear_ibuf [dreg:s22], $0x6FFFF;
	_ =	strace $0x9000004F  }
0xc8: {  	s29 =	simm.s32 $0xA;
	_ =	strace $0x80000051  }
0xc9: {  	_ =	swait.ge [sflag:s29], $0x1  }
0xca: {  	[sflag:s29] =	ssyncadd.s32 $0xFFFFFFFF  }
0xcb: {  	_ =	strace $0x90000051  }
0xcc: {  	_ =	sfence  }
0xcd: {  	s30 =	sld [smem:$0x0];
	_ =	sdelay $0x2  }
0xce: {  	s31 =	sshll.u32 s1, $0xD;
	s1 =	sshrl.u32 s1, $0x2  }
0xcf: {  	s4 =	sand.u32 $0x4000, s31;
	s1 =	sadd.s32 s1, s30  }
0xd0: {  	s0 =	sor.u32 s4, s0;
	s1 =	sshll.u32 s1, $0x11  }
0xd1: {  	s0 =	sor.u32 s1, s0  }
0xd2: {  	s0 =	sadd.s32 $0x8F2B, s0  }
0xd3: {  	[sflag:s0] =	ssyncadd.remote.s32 $0x1  }
0xd4: {  	_ =	sfence.sel $0xFFFF  }
0xd5: {  	[dreg:$0x0] =	wrdreg $0xFFFFFFFF;
	(pc) =	sbr.abs _section_cstart, $3  }
0xd6: {  	[dreg:$0x1] =	wrdreg $0xFFFFFFFF  }
0xd7: {  	_ =	task.clear_ibuf [dreg:s22], $0x2FFFF;
	_ =	strace $0x9FFFFFFF  }
0xd8: {  	(tm) =	ssettm $0x7FFFFFFF  }
0xd9: {  	_ =	shalt  }
tec
execute0_lowered:
.L_overlay_start_1:
0x0: {  	(tag) =	ssettag $0x1  }
0x1: {  	s9 =	rddreg [dreg:$0x0]  }
0x2: {  	s1 =	rddreg [dreg:$0x1]  }
0x3: {  	s2 =	rddreg [dreg:$0x2];
	s3 =	simm.s32 $0x0;
	s4 =	srdreg.scid  }
0x4: {  	s0 =	stileid.u32;
	s15 =	simm.s32 $0x50;
	s18 =	simm.s32 $0x3800  }
0x5: {  	s19 =	simm.s32 $0x100;
	s20 =	simm.s32 $0x6000;
	s23 =	simm.s32 $0x4  }
0x6: {  	s24 =	simm.s32 $0x1;
	s25 =	simm.s32 $0x2;
	s26 =	simm.s32 $0x0  }
0x7: {  	[smem:$0x7FF] =	sst s3;
	s8 =	sand.u32 $0x1, s4;
	s5 =	sadd.s32 $0x1C400, s9  }
0x8: {  	s11 =	smul.u32 $0x13C00, s0;
	s6 =	sadd.s32 $0x3400, s9;
	s7 =	sadd.s32 $0x35400, s9  }
0x9: {  	s13 =	smul.u32 $0x4F000, s0;
	s21 =	sshll.u32 s0, $0x6;
	s12 =	sshll.u32 s8, $0x4  }
0xa: {  	_ =	strace $0x80000050;
	s10 =	smul.u32 $0x13C000, s8;
	s12 =	sor.u32 s0, s12  }
0xb: {  	s28 =	ssub.s32 $0x2, s8;
	s21 =	sor.u32 $0x1C04, s21;
	s8 =	smul.u32 $0x6400, s12  }
.Ltmp0:
0xc: {  	s29 =	sshrl.u32 s28, $0x1;
	s31 =	sshrl.u32 s13, $0x2;
	(pc) =	sbr.rel .LBB2_1-.Ltmp0, $4  }
0xd: {  	s10 =	sadd.s32 s11, s10;
	s12 =	ssub.s32 s28, s29;
	s22 =	sadd.s32 s31, s2  }
0xe: {  	s10 =	sshrl.u32 s10, $0x3;
	s12 =	smax.u32 s12, $0x1;
	s30 =	sshrl.u32 s8, $0x3  }
0xf: {  	s22 =	sshrl.u32 s22, $0x3;
	s14 =	sadd.s32 s10, s9;
	s9 =	sadd.s32 s5, s30  }
0x10: {  	s10 =	sadd.s32 s6, s30;
	s11 =	sadd.s32 $0x37C00, s14;
	s14 =	simm.s32 $0x3  }
.LBB2_7:
0x11: {  	_ =	swait.ge [sflag:s25], $0x2800  }
0x12: {  	[sflag:s25] =	ssyncset.done $0x0  }
0x13: {  	[sflag:s25] =	ssyncadd.s32 $0xFFFFD800  }
0x14: {  	_ =	swait.ge [sflag:s25], $0x2800  }
0x15: {  	[sflag:s25] =	ssyncset.done $0x0  }
0x16: {  	[sflag:s25] =	ssyncadd.s32 $0xFFFFD800  }
0x17: {  	_ =	swait.ge [sflag:s25], $0x2800  }
0x18: {  	[sflag:s25] =	ssyncset.done $0x0  }
0x19: {  	[sflag:s25] =	ssyncadd.s32 $0xFFFFD800  }
0x1a: {  	_ =	swait.ge [sflag:s25], $0x2800  }
0x1b: {  	s26 =	sadd.s32 $0x1, s26;
	[sflag:s25] =	ssyncset.done $0x0  }
0x1c: {  	p0 =	sne.s32 s26, s12;
	[sflag:s25] =	ssyncadd.s32 $0xFFFFD800  }
.Ltmp1:
0x1d: {  	[bflag:$0x0] =	sbarrier.arrive $0xFFFF;
	(pc) =	sbr.rel @!p0 .LBB2_8-.Ltmp1, $4  }
0x1e: {  	[hbm:s11], [sflag:s21] =	dma.local [spmem:s22], $0x2780  }
0x1f: {  	_ =	swait.ge [sflag:s23], $0x2780  }
0x20: {  	[sflag:s23] =	ssyncset.done $0x0  }
0x21: {  	[sflag:s23] =	ssyncadd.s32 $0xFFFFD880  }
.LBB2_1:
0x22: {  	[tilespmem:s3], [sflag:$0x3] =	stream.linear.gather [hbm4b:s9+s3], $0x280, $0x38;
	[tilespmem:$0x1EC00] =	vst v63  }
0x23: {  	s0 =	simm.s32 $0x800  }
0x24: {  	[tilespmem:s0], [sflag:$0x3] =	stream.linear.gather [hbm4b:s10+s3], $0x280, $0x38;
	[tilespmem:$0x1EC00] =	vst v63  }
0x25: {  	_ =	swait.ge [sflag:s14], $0x280  }
0x26: {  	[sflag:s14] =	ssyncset.done $0x0  }
0x27: {  	[sflag:s14] =	ssyncadd.s32 $0xFFFFFD80  }
0x28: {  	_ =	swait.ge [sflag:s14], $0x280  }
0x29: {  	[sflag:s14] =	ssyncset.done $0x0  }
0x2a: {  	s30 =	simm.s32 $0x1000;
	[sflag:s14] =	ssyncadd.s32 $0xFFFFFD80  }
0x2b: {  	[tilespmem:s30], [sflag:$0x1] =	stream.indirect.gather [hbm4b:s1+s15], $0x80, s3, s15, $0xb8;
	[tilespmem:$0x1EC00] =	vst v63  }
0x2c: {  	s31 =	simm.s32 $0x80  }
0x2d: {  	[tilespmem:s18], [sflag:$0x1] =	stream.indirect.gather [hbm4b:s1+s15], $0x80, s31, s15, $0xb8;
	[tilespmem:$0x1EC00] =	vst v63  }
0x2e: {  	_ = 	snop  }
0x2f: {  	[tilespmem:s20], [sflag:$0x1] =	stream.indirect.gather [hbm4b:s1+s15], $0x80, s19, s15, $0xb8;
	[tilespmem:$0x1EC00] =	vst v63  }
0x30: {  	[spmem:s22], [sflag:s21] =	dma.local [hbm:s7], $0x2780  }
.Ltmp2:
0x31: {  	_ =	swait.ge [sflag:s23], $0x2780;
	(pc) =	sbr.rel .LBB2_2-.Ltmp2, $4  }
0x32: {  	[sflag:s23] =	ssyncset.done $0x0  }
0x33: {  	[sflag:s23] =	ssyncadd.s32 $0xFFFFD880  }
0x34: {  	[bflag:$0x0] =	sbarrier.arrive $0xFFFF  }
0x35: {  	s28 =	simm.s32 $0x0  }
.LBB2_3:
0x36: {  	_ =	swait.ge [sflag:s14], $0x280  }
0x37: {  	[sflag:s14] =	ssyncset.done $0x0  }
0x38: {  	[sflag:s14] =	ssyncadd.s32 $0xFFFFFD80  }
0x39: {  	_ =	swait.ge [sflag:s14], $0x280  }
0x3a: {  	[sflag:s14] =	ssyncset.done $0x0  }
0x3b: {  	[sflag:s14] =	ssyncadd.s32 $0xFFFFFD80  }
.LBB2_5:
0x3c: {  	p0 =	seq.s32 s28, $0x0;
	s4 =	sand.u32 $0x3, s29  }
0x3d: {  	s16 =	sshll.u32 s30, $0xA;
	s0 =	simm.s32 @!p0 $0x2;
	s4 =	smul.u32 $0xA000, s4  }
0x3e: {  	s13 =	sand.u32 $0xFF, s31;
	s16 =	sand.u32 $0x400, s16;
	_ =	swait.ge @!p0 [sflag:s0], $0x2800  }
0x3f: {  	s13 =	sshll.u32 s13, $0x7;
	[sflag:s0] =	ssyncset.done @!p0 $0x0;
	s4 =	sshrl.u32 s4, $0x2  }
0x40: {  	s31 =	sadd.s32 s13, s16;
	[sflag:s0] =	ssyncadd.s32 @!p0 $0xFFFFD800;
	s30 =	sadd.s32 $0x1000, s4  }
0x41: {  	[tilespmem:s30], [sflag:$0x1] =	stream.indirect.gather [hbm4b:s1+s15], $0x80, s31, s15, $0xb8;
	[tilespmem:$0x1EC00] =	vst v63  }
.LBB2_6:
0x42: {  	s28 =	sadd.s32 $0x1, s28  }
0x43: {  	p0 =	sne.s32 s28, $0x7D  }
.Ltmp3:
0x44: {  	_ = 	snop;
	(pc) =	sbr.rel @!p0 .LBB2_7-.Ltmp3, $1  }
0x45: {  	_ =	sdelay $0x3  }
.LBB2_2:
0x46: {  	s30 =	smul.u32 $0xCD, s28;
	_ =	sdelay $0x1  }
0x47: {  	s29 =	sshrl.u32 s30, $0xA  }
0x48: {  	s31 =	sand.u32 $0x3F, s29  }
0x49: {  	s29 =	smul.u32 $0x5, s31;
	_ =	sdelay $0x1  }
0x4a: {  	p0 =	sgt.u32 s28, $0x77;
	s29 =	ssub.s32 s28, s29  }
0x4b: {  	s0 =	sand.u32 @!p0 $0xFF, s29  }
0x4c: {  	p1 =	sne.s32 @!p0 s0, $0x0  }
0x4d: {  	p0 =	por p1, p0  }
0x4e: {  	_ =	swait.ge [sflag:s24], $0x2800;
	s0 =	sshll.u32 @!p0 s31, $0xA  }
0x4f: {  	[sflag:s24] =	ssyncset.done $0x0;
	s0 =	sadd.s32 @!p0 $0x400, s0  }
0x50: {  	[sflag:s24] =	ssyncadd.s32 $0xFFFFD800;
	s13 =	sadd.s32 @!p0 s8, s0  }
0x51: {  	s4 =	sand.u32 $0xFF, s29;
	s29 =	sadd.s32 $0x3, s28;
	s13 =	sshrl.u32 @!p0 s13, $0x3  }
0x52: {  	s17 =	simm.s32 @!p0 $0x0;
	s0 =	sand.u32 @!p0 $0x400, s0;
	s16 =	sadd.s32 @!p0 s5, s13  }
0x53: {  	[tilespmem:s0], [sflag:$0x3] =	stream.linear.gather @!p0 [hbm4b:s16+s17], $0x280, $0x38;
	[tilespmem:$0x1EC00] =	vst v63  }
0x54: {  	s13 =	sadd.s32 @!p0 s6, s13;
	s16 =	sand.u32 $0x3, s28;
	s0 =	sor.u32 @!p0 $0x800, s0  }
0x55: {  	[tilespmem:s0], [sflag:$0x3] =	stream.linear.gather @!p0 [hbm4b:s13+s17], $0x280, $0x38;
	[tilespmem:$0x1EC00] =	vst v63  }
0x56: {  	s0 =	sadd.s32 $0x267, s30;
	s13 =	smul.u32 $0xA000, s16;
	s17 =	sshll.u32 s31, $0xA  }
0x57: {  	s4 =	sshll.u32 s4, $0x7;
	s0 =	sshrl.u32 s0, $0xA;
	s16 =	sand.u32 $0x400, s17  }
0x58: {  	s30 =	sand.u32 $0x3F, s0;
	s13 =	sshrl.u32 s13, $0x2;
	s4 =	sadd.s32 s4, s16  }
0x59: {  	s17 =	smul.u32 $0x5, s30;
	s0 =	sadd.s32 $0x1000, s13;
	s4 =	sadd.s32 $0x800, s4  }
0x5a: {  	[spmem:s2] =	stream.indirect.scatter.add.f32 [tilespmem:s0], [sflag:$0x2], $0x80, s4, s15, $0xb8;
	[tilespmem:$0x1EC00] =	vst v63  }
0x5b: {  	p0 =	sgt.u32 s28, $0x79;
	s31 =	ssub.s32 s29, s17  }
0x5c: {  	s0 =	sand.u32 @!p0 $0xFF, s31  }
0x5d: {  	p1 =	sne.s32 @!p0 s0, $0x0  }
0x5e: {  	p1 =	por p0, p1  }
.Ltmp4:
0x5f: {  	_ = 	snop;
	(pc) =	sbr.rel @!p1 .LBB2_3-.Ltmp4, $1  }
0x60: {  	_ =	sdelay $0x3  }
.Ltmp5:
0x61: {  	(pc) =	sbr.rel @p0 .LBB2_6-.Ltmp5, $4  }
.Ltmp6:
0x62: {  	(pc) =	sbr.rel @!p0 .LBB2_5-.Ltmp6, $4  }
0x63: {  	_ = 	snop  }
0x64: {  	_ = 	snop  }
0x65: {  	_ = 	snop  }
0x66: {  	_ = 	snop  }
.LBB2_8:
0x67: {  	_ =	sfence.sel $0x180000  }
0x68: {  	[bflag:$0x0] =	sbarrier.arrive $0xFFFF  }
0x69: {  	_ =	strace $0x90000050  }
0x6a: {  	s0 =	stileid.u32;
	[bflag:$0x2] =	sbarrier.arrive $0xFFFF  }
0x6b: {  	p0 =	sne.s32 s0, $0x0;
	s0 =	rddreg [dreg:$0x3]  }
0x6c: {  	s0 =	sadd.s32 @!p0 $0x100000, s0  }
0x6d: {  	[sflag:s0] =	ssyncadd.tile.s32 @!p0 $0x1;
	_ =	shalt  }
.Lfunc_end2:
_tile_overlayer_lowered:
.L_overlay_start_2:
0x6e: {  	(tag) =	ssettag $0x2  }
0x6f: {  	s0 =	rddreg [dreg:$0x0];
	s2 =	stileid.u32  }
0x70: {  	s1 =	rddreg [dreg:$0x1];
	p0 =	sne.s32 s2, $0x0  }
0x71: {  	s3 =	rddreg [dreg:$0x2];
	[bflag:$0x3] =	sbarrier.arrive $0xFFFF;
	s2 =	simm.s32 @!p0 $0x1C04  }
0x72: {  	[timem:s3], [sflag:s2] =	dma.local @!p0 [hbm:s0], s1  }
0x73: {  	s0 =	simm.s32 @!p0 $0x4  }
0x74: {  	_ =	swait.ge @!p0 [sflag:s0], s1  }
0x75: {  	s1 =	ssub.s32 @!p0 $0x0, s1;
	[sflag:s0] =	ssyncset.done @!p0 $0x0  }
0x76: {  	[sflag:s0] =	ssyncadd.s32 @!p0 s1  }
0x77: {  	[bflag:$0x3] =	sbarrier.arrive $0xFFFF  }
0x78: {  	_ =	shalt  }

</sc_bundles>
